<compile_context>
chip_gen: v7x
topology: tpu7x:2x2x1
jax: 0.10.2.dev20260603
libtpu: 0.0.44.dev20260713+nightly
codegen_flags: <defaults>
</compile_context>

<pallas_src>
import functools

import jax
import jax.numpy as jnp
from jax import lax
from jax.experimental import pallas as pl
from jax.experimental.pallas import tpu as pltpu
from jax.experimental.pallas import tpu_sc as plsc

_N, _E, _D, _H, _C = 10000, 320000, 128, 128, 40

_NP = 10240
_CHUNK = 128
_NW = 32
_ROWS_PT = 80
_EP = _NW * _ROWS_PT * _CHUNK
_PAD_NODE = _N
_C2 = 128
_ROWS_PER_TILE = _NP // 16
_BLK = 1024

@functools.lru_cache(maxsize=None)
def _sc_mesh():
    return plsc.VectorSubcoreMesh(
        core_axis_name="c", subcore_axis_name="s", num_cores=2, num_subcores=16)


def _fill(buf, rows, width, value):
    def body(i, _):
        for k in range(width // 16):
            buf[i, pl.ds(k * 16, 16)] = jnp.full((16,), value, jnp.float32)
        return 0
    lax.fori_loop(0, rows, body, 0)


_DW = 128


def _degree_body(i_hbm, out_hbm, idx, src, acc):
    cid = lax.axis_index("c")
    sid = lax.axis_index("s")
    zrow = sid * _ROWS_PER_TILE

    _fill(src, _CHUNK, _DW, 0.0)
    def zero_acc(i, _):
        pltpu.sync_copy(src, acc.at[pl.ds(zrow + i * _CHUNK, _CHUNK)])
        return 0
    lax.fori_loop(0, _ROWS_PER_TILE // _CHUNK, zero_acc, 0)

    lane = lax.iota(jnp.int32, 16)
    one0 = jnp.where(lane == 0, 1.0, 0.0).astype(jnp.float32)
    def fill_src(i, _):
        src[i, pl.ds(0, 16)] = one0
        return 0
    lax.fori_loop(0, _CHUNK, fill_src, 0)
    plsc.subcore_barrier()

    tbase = (cid * 16 + sid) * _ROWS_PT
    pltpu.sync_copy(i_hbm.at[pl.ds(tbase, _ROWS_PT)], idx)

    def step(j, _):
        pltpu.sync_copy(src, acc.at[idx.at[j]], add=True)
        return 0
    lax.fori_loop(0, _ROWS_PT, step, 0)
    plsc.subcore_barrier()

    pltpu.sync_copy(acc.at[pl.ds(zrow, _ROWS_PER_TILE)],
                    out_hbm.at[cid, pl.ds(zrow, _ROWS_PER_TILE)])


@functools.lru_cache(maxsize=None)
def _degree_kernel():
    return pl.kernel(
        _degree_body,
        out_type=jax.ShapeDtypeStruct((2, _NP, _DW), jnp.float32),
        mesh=_sc_mesh(),
        scratch_types=[
            pltpu.VMEM((_ROWS_PT, _CHUNK), jnp.int32),
            pltpu.VMEM((_CHUNK, _DW), jnp.float32),
            pltpu.VMEM_SHARED((_NP, _DW), jnp.float32),
        ],
    )


def _make_agg(width):

    half = _ROWS_PT // 2

    def agg_body(table_hbm, s_hbm, r_hbm, out_hbm,
                 sidx, ridx, buf0, buf1, acc, g0, g1):
        cid = lax.axis_index("c")
        sid = lax.axis_index("s")
        zrow = sid * _ROWS_PER_TILE

        _fill(buf0, _CHUNK, width, 0.0)
        def zero_acc(i, _):
            pltpu.sync_copy(buf0, acc.at[pl.ds(zrow + i * _CHUNK, _CHUNK)])
            return 0
        lax.fori_loop(0, _ROWS_PER_TILE // _CHUNK, zero_acc, 0)
        plsc.subcore_barrier()

        tbase = (cid * 16 + sid) * _ROWS_PT
        for ph in range(2):
            pbase = tbase + ph * half
            pltpu.sync_copy(s_hbm.at[pl.ds(pbase, half)], sidx)
            pltpu.sync_copy(r_hbm.at[pl.ds(pbase, half)], ridx)
            pltpu.async_copy(table_hbm.at[sidx.at[0]], buf0, g0)

            def pair_step(j, _):
                c = 2 * j
                pltpu.make_async_copy(
                    table_hbm.at[sidx.at[0]], buf0, g0).wait()
                pltpu.async_copy(table_hbm.at[sidx.at[c + 1]], buf1, g1)
                pltpu.sync_copy(buf0, acc.at[ridx.at[c]], add=True)
                pltpu.make_async_copy(
                    table_hbm.at[sidx.at[0]], buf1, g1).wait()
                cn = jnp.minimum(c + 2, half - 1)
                pltpu.async_copy(table_hbm.at[sidx.at[cn]], buf0, g0)
                pltpu.sync_copy(buf1, acc.at[ridx.at[c + 1]], add=True)
                return 0
            lax.fori_loop(0, half // 2, pair_step, 0)
            pltpu.make_async_copy(table_hbm.at[sidx.at[0]], buf0, g0).wait()
        plsc.subcore_barrier()

        pltpu.sync_copy(acc.at[pl.ds(zrow, _ROWS_PER_TILE)],
                        out_hbm.at[cid, pl.ds(zrow, _ROWS_PER_TILE)])

    return pl.kernel(
        agg_body,
        out_type=jax.ShapeDtypeStruct((2, _NP, width), jnp.float32),
        mesh=_sc_mesh(),
        scratch_types=(
            [pltpu.VMEM((half, _CHUNK), jnp.int32),
             pltpu.VMEM((half, _CHUNK), jnp.int32),
             pltpu.VMEM((_CHUNK, width), jnp.float32),
             pltpu.VMEM((_CHUNK, width), jnp.float32),
             pltpu.VMEM_SHARED((_NP, width), jnp.float32),
             pltpu.SemaphoreType.DMA,
             pltpu.SemaphoreType.DMA]
        ),
    )


_make_agg = functools.lru_cache(maxsize=None)(_make_agg)


def _inv_sqrt_deg(d0, d1):
    deg = d0[0] + d1[0]
    return lax.rsqrt(jnp.maximum(deg[:, 0:1], 1.0))


def _mlp_body(x_ref, w1_ref, b1_ref, w2_ref, b2_ref, ds0_ref, ds1_ref, o_ref):
    h = jnp.dot(x_ref[...], w1_ref[...],
                preferred_element_type=jnp.float32) + b1_ref[...]
    h = jnp.where(h >= 0, h, 0.01 * h)
    h = jnp.dot(h, w2_ref[...],
                preferred_element_type=jnp.float32) + b2_ref[...]
    h = jnp.where(h >= 0, h, 0.01 * h)
    o_ref[...] = h * _inv_sqrt_deg(ds0_ref, ds1_ref)


def _proj_body(a0_ref, a1_ref, dr0_ref, dr1_ref, ds0_ref, ds1_ref,
               w3_ref, b3_ref, o_ref):
    nodes = (a0_ref[0] + a1_ref[0]) * _inv_sqrt_deg(dr0_ref, dr1_ref)
    z = jnp.dot(nodes, w3_ref[...],
                preferred_element_type=jnp.float32) + b3_ref[...]
    o_ref[...] = z * _inv_sqrt_deg(ds0_ref, ds1_ref)


def _softmax_body(a0_ref, a1_ref, dr0_ref, dr1_ref, o_ref):
    z = (a0_ref[0] + a1_ref[0]) * _inv_sqrt_deg(dr0_ref, dr1_ref)
    col = lax.broadcasted_iota(jnp.int32, z.shape, 1)
    valid = col < _C
    z = jnp.where(valid, z, -jnp.inf)
    m = jnp.max(z, axis=-1, keepdims=True)
    e = jnp.where(valid, jnp.exp(z - m), 0.0)
    o_ref[...] = e / jnp.sum(e, axis=-1, keepdims=True)


def _row_spec(width):
    return pl.BlockSpec((_BLK, width), lambda i: (i, 0))


def _full_spec(shape):
    ndim = len(shape)
    return pl.BlockSpec(shape, lambda i, _nd=ndim: (0,) * _nd)


def _part_spec(width, c):
    return pl.BlockSpec((1, _BLK, width), lambda i, _c=c: (_c, i, 0))


def kernel(x, edge_index, training, W1, b1, W2, b2, W3, b3):
    del training

    xp = jnp.zeros((_NP, _D), jnp.float32).at[:_N].set(x)
    pad = _EP - _E
    pad_idx = _PAD_NODE + (jnp.arange(pad, dtype=jnp.int32) % (_NP - _N))
    s2d = jnp.concatenate([edge_index[0], pad_idx]).reshape(-1, _CHUNK)
    r2d = jnp.concatenate([edge_index[1], pad_idx]).reshape(-1, _CHUNK)
    w3p = jnp.zeros((_D, _C2), jnp.float32).at[:, :_C].set(W3)
    b3p = jnp.zeros((_C2,), jnp.float32).at[:_C].set(b3)

    degs_p = _degree_kernel()(s2d)
    degr_p = _degree_kernel()(r2d)

    grid = (_NP // _BLK,)
    h1 = pl.pallas_call(
        _mlp_body,
        grid=grid,
        in_specs=[
            _row_spec(_D),
            _full_spec((_D, _H)), _full_spec((_H,)),
            _full_spec((_H, _H)), _full_spec((_H,)),
            _part_spec(_DW, 0), _part_spec(_DW, 1),
        ],
        out_specs=_row_spec(_H),
        out_shape=jax.ShapeDtypeStruct((_NP, _H), jnp.float32),
    )(xp, W1, b1, W2, b2, degs_p, degs_p)

    agg1 = _make_agg(_D)(h1, s2d, r2d)

    z1 = pl.pallas_call(
        _proj_body,
        grid=grid,
        in_specs=[
            _part_spec(_D, 0), _part_spec(_D, 1),
            _part_spec(_DW, 0), _part_spec(_DW, 1),
            _part_spec(_DW, 0), _part_spec(_DW, 1),
            _full_spec((_D, _C2)), _full_spec((_C2,)),
        ],
        out_specs=_row_spec(_C2),
        out_shape=jax.ShapeDtypeStruct((_NP, _C2), jnp.float32),
    )(agg1, agg1, degr_p, degr_p, degs_p, degs_p, w3p, b3p)

    agg2 = _make_agg(_C2)(z1, s2d, r2d)

    out = pl.pallas_call(
        _softmax_body,
        grid=grid,
        in_specs=[
            _part_spec(_C2, 0), _part_spec(_C2, 1),
            _part_spec(_DW, 0), _part_spec(_DW, 1),
        ],
        out_specs=_row_spec(_C2),
        out_shape=jax.ShapeDtypeStruct((_NP, _C2), jnp.float32),
    )(agg2, agg2, degr_p, degr_p)

    return out[:_N, :_C]

# --- scband reference (transcript-rebuilt; emitter-appended) ---
"""Pipeline reference for scband-gcn-11149735101024 (READ-ONLY COPY).

The authoritative reference and input builder live on the scoring server;
editing this copy changes nothing except your own understanding.
"""

import jax, jax.numpy as jnp
import numpy as np

N, E, D, H, C = 10000, 320000, 128, 128, 40


def _gcn_layer(nodes, senders, receivers, update_fn, n):
    # Faithful port of jraph.GraphConvolution with symmetric_normalization=True,
    # add_self_edges=False (jraph defaults as used in the module).
    nodes = update_fn(nodes)
    ones = jnp.ones_like(senders, dtype=jnp.float32)
    sender_degree = jax.ops.segment_sum(ones, senders, num_segments=n)
    receiver_degree = jax.ops.segment_sum(ones, receivers, num_segments=n)
    nodes = nodes * jax.lax.rsqrt(jnp.maximum(sender_degree, 1.0))[:, None]
    nodes = jax.ops.segment_sum(nodes[senders], receivers, num_segments=n)
    nodes = nodes * jax.lax.rsqrt(jnp.maximum(receiver_degree, 1.0))[:, None]
    return nodes


def setup_inputs(seed: int = 0) -> dict:
    key = jax.random.key(seed)
    ks = jax.random.split(key, 8)
    x = jax.random.normal(ks[0], (N, D), dtype=jnp.float32)
    edge_index = jax.random.randint(ks[1], (2, E), 0, N, dtype=jnp.int32)

    def glorot(k, shape):
        fan_in, fan_out = shape
        return jax.random.normal(k, shape, dtype=jnp.float32) * jnp.sqrt(2.0 / (fan_in + fan_out))

    W1 = glorot(ks[2], (D, H)); b1 = jnp.zeros((H,), jnp.float32)
    W2 = glorot(ks[3], (H, H)); b2 = jnp.zeros((H,), jnp.float32)
    W3 = glorot(ks[4], (H, C)); b3 = jnp.zeros((C,), jnp.float32)
    return {"x": x, "edge_index": edge_index, "training": False,
            "W1": W1, "b1": b1, "W2": W2, "b2": b2, "W3": W3, "b3": b3}


def reference(x, edge_index, training, W1, b1, W2, b2, W3, b3):
    n = x.shape[0]
    senders = edge_index[0]
    receivers = edge_index[1]

    def mlp(h):
        h = jax.nn.leaky_relu(h @ W1 + b1, negative_slope=0.01)
        h = jax.nn.leaky_relu(h @ W2 + b2, negative_slope=0.01)
        return h

    nodes = _gcn_layer(x, senders, receivers, mlp, n)
    # nn.Dropout with deterministic=not training; training=False -> identity
    nodes = _gcn_layer(nodes, senders, receivers, lambda h: h @ W3 + b3, n)
    nodes = jax.nn.softmax(nodes, axis=-1)
    return nodes

if __name__ == "__main__":
    import jax
    _d = setup_inputs()
    print(jax.jit(kernel)(*tuple(_d.values())))

</pallas_src>

<mosaic_0001>
#map = affine_map<(d0, d1) -> (0, 0)>
#map1 = affine_map<(d0, d1) -> (0, 0, 0)>
module attributes {stable_mosaic.version = 14 : i64} {
  func.func @_degree_body(%arg0: i32, %arg1: i32, %arg2: memref<2560x128xi32, #tpu.memory_space<hbm>>, %arg3: memref<2x10240x128xf32, #tpu.memory_space<hbm>>, %arg4: memref<80x128xi32, #tpu.memory_space<vmem>>, %arg5: memref<128x128xf32, #tpu.memory_space<vmem>>, %arg6: memref<10240x128xf32, #tpu.memory_space<vmem_shared>>) attributes {dimension_semantics = [#tpu.dimension_semantics<core_parallel>, #tpu.dimension_semantics<subcore_parallel>], iteration_bounds = array<i64: 2, 16>, scalar_prefetch = 0 : i64, scratch_operands = 3 : i64, tpu.core_type = #tpu.core_type<sc_vector_subcore>, window_params = [{transform_indices = #map}, {transform_indices = #map1}]} {
    %mul3A = arith.constant 640 : i32
    %mul3A_0 = arith.muli %arg1, %mul3A : i32
    %scan3A = arith.constant 0 : i32
    %scan3A_1 = arith.constant 0 : i32
    %scan3A_2 = arith.constant 128 : i32
    %scan3A_3 = arith.addi %scan3A_1, %scan3A_2 : i32
    %scan3A_4 = arith.constant 1 : i32
    %scan3A_5 = scf.for %scan3A_37 = %scan3A_1 to %scan3A_3 step %scan3A_4 iter_args(%scan3A_38 = %scan3A) -> (i32)  : i32 {
      %broadcast_in_dim3A_39 = arith.constant 0.000000e+00 : f32
      %broadcast_in_dim3A_40 = vector.broadcast %broadcast_in_dim3A_39 : f32 to vector<16xf32>
      %swap3A = arith.index_cast %scan3A_37 : i32 to index
      %swap3A_41 = arith.constant 0 : index
      %swap3A_42 = tpu.vector_load %arg5[%swap3A, %swap3A_41] {strides = array<i32>} : memref<128x128xf32, #tpu.memory_space<vmem>>, vector<1x16xf32>,
      %swap3A_43 = vector.shape_cast %swap3A_42 : vector<1x16xf32> to vector<16xf32>
      %swap3A_44 = vector.shape_cast %broadcast_in_dim3A_40 : vector<16xf32> to vector<1x16xf32>
      tpu.vector_store %arg5[%swap3A, %swap3A_41], %swap3A_44 {strides = array<i32>} : memref<128x128xf32, #tpu.memory_space<vmem>>, vector<1x16xf32>,
      %broadcast_in_dim3A_45 = arith.constant 0.000000e+00 : f32
      %broadcast_in_dim3A_46 = vector.broadcast %broadcast_in_dim3A_45 : f32 to vector<16xf32>
      %swap3A_47 = arith.index_cast %scan3A_37 : i32 to index
      %swap3A_48 = arith.constant 16 : index
      %swap3A_49 = tpu.vector_load %arg5[%swap3A_47, %swap3A_48] {strides = array<i32>} : memref<128x128xf32, #tpu.memory_space<vmem>>, vector<1x16xf32>,
      %swap3A_50 = vector.shape_cast %swap3A_49 : vector<1x16xf32> to vector<16xf32>
      %swap3A_51 = vector.shape_cast %broadcast_in_dim3A_46 : vector<16xf32> to vector<1x16xf32>
      tpu.vector_store %arg5[%swap3A_47, %swap3A_48], %swap3A_51 {strides = array<i32>} : memref<128x128xf32, #tpu.memory_space<vmem>>, vector<1x16xf32>,
      %broadcast_in_dim3A_52 = arith.constant 0.000000e+00 : f32
      %broadcast_in_dim3A_53 = vector.broadcast %broadcast_in_dim3A_52 : f32 to vector<16xf32>
      %swap3A_54 = arith.index_cast %scan3A_37 : i32 to index
      %swap3A_55 = arith.constant 32 : index
      %swap3A_56 = tpu.vector_load %arg5[%swap3A_54, %swap3A_55] {strides = array<i32>} : memref<128x128xf32, #tpu.memory_space<vmem>>, vector<1x16xf32>,
      %swap3A_57 = vector.shape_cast %swap3A_56 : vector<1x16xf32> to vector<16xf32>
      %swap3A_58 = vector.shape_cast %broadcast_in_dim3A_53 : vector<16xf32> to vector<1x16xf32>
      tpu.vector_store %arg5[%swap3A_54, %swap3A_55], %swap3A_58 {strides = array<i32>} : memref<128x128xf32, #tpu.memory_space<vmem>>, vector<1x16xf32>,
      %broadcast_in_dim3A_59 = arith.constant 0.000000e+00 : f32
      %broadcast_in_dim3A_60 = vector.broadcast %broadcast_in_dim3A_59 : f32 to vector<16xf32>
      %swap3A_61 = arith.index_cast %scan3A_37 : i32 to index
      %swap3A_62 = arith.constant 48 : index
      %swap3A_63 = tpu.vector_load %arg5[%swap3A_61, %swap3A_62] {strides = array<i32>} : memref<128x128xf32, #tpu.memory_space<vmem>>, vector<1x16xf32>,
      %swap3A_64 = vector.shape_cast %swap3A_63 : vector<1x16xf32> to vector<16xf32>
      %swap3A_65 = vector.shape_cast %broadcast_in_dim3A_60 : vector<16xf32> to vector<1x16xf32>
      tpu.vector_store %arg5[%swap3A_61, %swap3A_62], %swap3A_65 {strides = array<i32>} : memref<128x128xf32, #tpu.memory_space<vmem>>, vector<1x16xf32>,
      %broadcast_in_dim3A_66 = arith.constant 0.000000e+00 : f32
      %broadcast_in_dim3A_67 = vector.broadcast %broadcast_in_dim3A_66 : f32 to vector<16xf32>
      %swap3A_68 = arith.index_cast %scan3A_37 : i32 to index
      %swap3A_69 = arith.constant 64 : index
      %swap3A_70 = tpu.vector_load %arg5[%swap3A_68, %swap3A_69] {strides = array<i32>} : memref<128x128xf32, #tpu.memory_space<vmem>>, vector<1x16xf32>,
      %swap3A_71 = vector.shape_cast %swap3A_70 : vector<1x16xf32> to vector<16xf32>
      %swap3A_72 = vector.shape_cast %broadcast_in_dim3A_67 : vector<16xf32> to vector<1x16xf32>
      tpu.vector_store %arg5[%swap3A_68, %swap3A_69], %swap3A_72 {strides = array<i32>} : memref<128x128xf32, #tpu.memory_space<vmem>>, vector<1x16xf32>,
      %broadcast_in_dim3A_73 = arith.constant 0.000000e+00 : f32
      %broadcast_in_dim3A_74 = vector.broadcast %broadcast_in_dim3A_73 : f32 to vector<16xf32>
      %swap3A_75 = arith.index_cast %scan3A_37 : i32 to index
      %swap3A_76 = arith.constant 80 : index
      %swap3A_77 = tpu.vector_load %arg5[%swap3A_75, %swap3A_76] {strides = array<i32>} : memref<128x128xf32, #tpu.memory_space<vmem>>, vector<1x16xf32>,
      %swap3A_78 = vector.shape_cast %swap3A_77 : vector<1x16xf32> to vector<16xf32>
      %swap3A_79 = vector.shape_cast %broadcast_in_dim3A_74 : vector<16xf32> to vector<1x16xf32>
      tpu.vector_store %arg5[%swap3A_75, %swap3A_76], %swap3A_79 {strides = array<i32>} : memref<128x128xf32, #tpu.memory_space<vmem>>, vector<1x16xf32>,
      %broadcast_in_dim3A_80 = arith.constant 0.000000e+00 : f32
      %broadcast_in_dim3A_81 = vector.broadcast %broadcast_in_dim3A_80 : f32 to vector<16xf32>
      %swap3A_82 = arith.index_cast %scan3A_37 : i32 to index
      %swap3A_83 = arith.constant 96 : index
      %swap3A_84 = tpu.vector_load %arg5[%swap3A_82, %swap3A_83] {strides = array<i32>} : memref<128x128xf32, #tpu.memory_space<vmem>>, vector<1x16xf32>,
      %swap3A_85 = vector.shape_cast %swap3A_84 : vector<1x16xf32> to vector<16xf32>
      %swap3A_86 = vector.shape_cast %broadcast_in_dim3A_81 : vector<16xf32> to vector<1x16xf32>
      tpu.vector_store %arg5[%swap3A_82, %swap3A_83], %swap3A_86 {strides = array<i32>} : memref<128x128xf32, #tpu.memory_space<vmem>>, vector<1x16xf32>,
      %broadcast_in_dim3A_87 = arith.constant 0.000000e+00 : f32
      %broadcast_in_dim3A_88 = vector.broadcast %broadcast_in_dim3A_87 : f32 to vector<16xf32>
      %swap3A_89 = arith.index_cast %scan3A_37 : i32 to index
      %swap3A_90 = arith.constant 112 : index
      %swap3A_91 = tpu.vector_load %arg5[%swap3A_89, %swap3A_90] {strides = array<i32>} : memref<128x128xf32, #tpu.memory_space<vmem>>, vector<1x16xf32>,
      %swap3A_92 = vector.shape_cast %swap3A_91 : vector<1x16xf32> to vector<16xf32>
      %swap3A_93 = vector.shape_cast %broadcast_in_dim3A_88 : vector<16xf32> to vector<1x16xf32>
      tpu.vector_store %arg5[%swap3A_89, %swap3A_90], %swap3A_93 {strides = array<i32>} : memref<128x128xf32, #tpu.memory_space<vmem>>, vector<1x16xf32>,
      %scan3A_94 = arith.constant 0 : i32
      scf.yield %scan3A_94 : i32
    }
    %scan3A_6 = arith.constant 128 : i32
    %scan3A_7 = arith.constant 0 : i32
    %scan3A_8 = arith.constant 0 : i32
    %scan3A_9 = arith.constant 5 : i32
    %scan3A_10 = arith.addi %scan3A_8, %scan3A_9 : i32
    %scan3A_11 = arith.constant 1 : i32
    %scan3A_12 = scf.for %scan3A_37 = %scan3A_8 to %scan3A_10 step %scan3A_11 iter_args(%scan3A_38 = %scan3A_7) -> (i32)  : i32 {
      %mul3A_39 = arith.constant 128 : i32
      %mul3A_40 = arith.muli %scan3A_37, %mul3A_39 : i32
      %add3A_41 = arith.addi %mul3A_0, %mul3A_40 : i32
      "tpu.region"() ({
        %run_scoped3A = tpu.sem_alloc : memref<!tpu.dma_semaphore, #tpu.memory_space<semaphore_mem>>
        %dma_start3A = arith.constant 0 : i32
        %dma_start3A_43 = tpu.memref_slice %arg6[%add3A_41, %dma_start3A] : memref<10240x128xf32, #tpu.memory_space<vmem_shared>> -> memref<128x128xf32, #tpu.memory_space<vmem_shared>>
        %dma_start3A_44 = arith.constant 0 : i32
        %dma_start3A_45 = tpu.memref_slice %arg6[%add3A_41, %dma_start3A_44] : memref<10240x128xf32, #tpu.memory_space<vmem_shared>> -> memref<128x128xf32, #tpu.memory_space<vmem_shared>>
        tpu.enqueue_dma source(%arg5 : memref<128x128xf32, #tpu.memory_space<vmem>>) target(%dma_start3A_45 : memref<128x128xf32, #tpu.memory_space<vmem_shared>>) target_semaphore(%run_scoped3A : memref<!tpu.dma_semaphore, #tpu.memory_space<semaphore_mem>>)
        %dma_wait3A = arith.constant 0 : i32
        %dma_wait3A_46 = tpu.memref_slice %arg6[%add3A_41, %dma_wait3A] : memref<10240x128xf32, #tpu.memory_space<vmem_shared>> -> memref<128x128xf32, #tpu.memory_space<vmem_shared>>
        %dma_wait3A_47 = arith.constant 0 : i32
        %dma_wait3A_48 = tpu.memref_slice %arg6[%add3A_41, %dma_wait3A_47] : memref<10240x128xf32, #tpu.memory_space<vmem_shared>> -> memref<128x128xf32, #tpu.memory_space<vmem_shared>>
        tpu.wait_dma2 semaphore(%run_scoped3A : memref<!tpu.dma_semaphore, #tpu.memory_space<semaphore_mem>>) src(%arg5 : memref<128x128xf32, #tpu.memory_space<vmem>>) dst(%dma_wait3A_48 : memref<128x128xf32, #tpu.memory_space<vmem_shared>>)
        tpu.yield
      }) : () -> ()
      %scan3A_42 = arith.constant 0 : i32
      scf.yield %scan3A_42 : i32
    }
    %scan3A_13 = arith.constant 5 : i32
    %iota3A = tpu.iota {dimensions = array<i32: 0>} : vector<16xi32>
    %eq3A = arith.constant 0 : i32
    %eq3A_14 = vector.broadcast %eq3A : i32 to vector<16xi32>
    %eq3A_15 = arith.cmpi eq, %iota3A, %eq3A_14 : vector<16xi32>
    %jit3A = arith.constant 1.000000e+00 : f32
    %jit3A_16 = arith.constant 0.000000e+00 : f32
    %broadcast_in_dim3A = vector.broadcast %jit3A : f32 to vector<16xf32>
    %broadcast_in_dim3A_17 = vector.broadcast %jit3A_16 : f32 to vector<16xf32>
    %select_n3A = arith.select %eq3A_15, %broadcast_in_dim3A, %broadcast_in_dim3A_17 : vector<16xi1>, vector<16xf32>
    %scan3A_18 = arith.constant 0 : i32
    %scan3A_19 = arith.constant 0 : i32
    %scan3A_20 = arith.constant 128 : i32
    %scan3A_21 = arith.addi %scan3A_19, %scan3A_20 : i32
    %scan3A_22 = arith.constant 1 : i32
    %scan3A_23 = scf.for %scan3A_37 = %scan3A_19 to %scan3A_21 step %scan3A_22 iter_args(%scan3A_38 = %scan3A_18) -> (i32)  : i32 {
      %swap3A = arith.index_cast %scan3A_37 : i32 to index
      %swap3A_39 = arith.constant 0 : index
      %swap3A_40 = tpu.vector_load %arg5[%swap3A, %swap3A_39] {strides = array<i32>} : memref<128x128xf32, #tpu.memory_space<vmem>>, vector<1x16xf32>,
      %swap3A_41 = vector.shape_cast %swap3A_40 : vector<1x16xf32> to vector<16xf32>
      %swap3A_42 = vector.shape_cast %select_n3A : vector<16xf32> to vector<1x16xf32>
      tpu.vector_store %arg5[%swap3A, %swap3A_39], %swap3A_42 {strides = array<i32>} : memref<128x128xf32, #tpu.memory_space<vmem>>, vector<1x16xf32>,
      %scan3A_43 = arith.constant 0 : i32
      scf.yield %scan3A_43 : i32
    }
    %scan3A_24 = arith.constant 128 : i32
    %barrier3A = arith.constant 0 : index
    tpu.barrier barrier_id(%barrier3A)
    %mul3A_25 = arith.constant 16 : i32
    %mul3A_26 = arith.muli %arg0, %mul3A_25 : i32
    %add3A = arith.addi %mul3A_26, %arg1 : i32
    %mul3A_27 = arith.constant 80 : i32
    %mul3A_28 = arith.muli %add3A, %mul3A_27 : i32
    "tpu.region"() ({
      %run_scoped3A = tpu.sem_alloc : memref<!tpu.dma_semaphore, #tpu.memory_space<semaphore_mem>>
      %dma_start3A = arith.constant 0 : i32
      %dma_start3A_37 = tpu.memref_slice %arg2[%mul3A_28, %dma_start3A] : memref<2560x128xi32, #tpu.memory_space<hbm>> -> memref<80x128xi32, #tpu.memory_space<hbm>>
      %dma_start3A_38 = arith.constant 0 : i32
      %dma_start3A_39 = tpu.memref_slice %arg2[%mul3A_28, %dma_start3A_38] : memref<2560x128xi32, #tpu.memory_space<hbm>> -> memref<80x128xi32, #tpu.memory_space<hbm>>
      tpu.enqueue_dma source(%dma_start3A_39 : memref<80x128xi32, #tpu.memory_space<hbm>>) target(%arg4 : memref<80x128xi32, #tpu.memory_space<vmem>>) target_semaphore(%run_scoped3A : memref<!tpu.dma_semaphore, #tpu.memory_space<semaphore_mem>>)
      %dma_wait3A = arith.constant 0 : i32
      %dma_wait3A_40 = tpu.memref_slice %arg2[%mul3A_28, %dma_wait3A] : memref<2560x128xi32, #tpu.memory_space<hbm>> -> memref<80x128xi32, #tpu.memory_space<hbm>>
      %dma_wait3A_41 = arith.constant 0 : i32
      %dma_wait3A_42 = tpu.memref_slice %arg2[%mul3A_28, %dma_wait3A_41] : memref<2560x128xi32, #tpu.memory_space<hbm>> -> memref<80x128xi32, #tpu.memory_space<hbm>>
      tpu.wait_dma2 semaphore(%run_scoped3A : memref<!tpu.dma_semaphore, #tpu.memory_space<semaphore_mem>>) src(%dma_wait3A_42 : memref<80x128xi32, #tpu.memory_space<hbm>>) dst(%arg4 : memref<80x128xi32, #tpu.memory_space<vmem>>)
      tpu.yield
    }) : () -> ()
    %scan3A_29 = arith.constant 0 : i32
    %scan3A_30 = arith.constant 0 : i32
    %scan3A_31 = arith.constant 80 : i32
    %scan3A_32 = arith.addi %scan3A_30, %scan3A_31 : i32
    %scan3A_33 = arith.constant 1 : i32
    %scan3A_34 = scf.for %scan3A_37 = %scan3A_30 to %scan3A_32 step %scan3A_33 iter_args(%scan3A_38 = %scan3A_29) -> (i32)  : i32 {
      "tpu.region"() ({
        %run_scoped3A = tpu.sem_alloc : memref<!tpu.dma_semaphore, #tpu.memory_space<semaphore_mem>>
        %dma_start3A = arith.constant 0 : i32
        %dma_start3A_40 = tpu.memref_slice %arg4[%scan3A_37, %dma_start3A] : memref<80x128xi32, #tpu.memory_space<vmem>> -> memref<1x128xi32, #tpu.memory_space<vmem>>
        %dma_start3A_41 = tpu.memref_squeeze %dma_start3A_40 : memref<1x128xi32, #tpu.memory_space<vmem>> -> memref<128xi32, #tpu.memory_space<vmem>>
        %dma_start3A_42 = arith.constant 0 : i32
        %dma_start3A_43 = arith.constant 0 : i32
        %dma_start3A_44 = tpu.memref_slice %arg6[%dma_start3A_42, %dma_start3A_43] : memref<10240x128xf32, #tpu.memory_space<vmem_shared>> -> memref<10240x128xf32, #tpu.memory_space<vmem_shared>>
        tpu.enqueue_indirect_dma source(%arg5 : memref<128x128xf32, #tpu.memory_space<vmem>>) target(%dma_start3A_44 : memref<10240x128xf32, #tpu.memory_space<vmem_shared>>) offsets(%dma_start3A_41 : memref<128xi32, #tpu.memory_space<vmem>>) semaphore(%run_scoped3A : memref<!tpu.dma_semaphore, #tpu.memory_space<semaphore_mem>>) {add = true}
        %dma_wait3A = arith.constant 0 : i32
        %dma_wait3A_45 = tpu.memref_slice %arg4[%scan3A_37, %dma_wait3A] : memref<80x128xi32, #tpu.memory_space<vmem>> -> memref<1x128xi32, #tpu.memory_space<vmem>>
        %dma_wait3A_46 = tpu.memref_squeeze %dma_wait3A_45 : memref<1x128xi32, #tpu.memory_space<vmem>> -> memref<128xi32, #tpu.memory_space<vmem>>
        %dma_wait3A_47 = arith.constant 0 : i32
        %dma_wait3A_48 = arith.constant 0 : i32
        %dma_wait3A_49 = tpu.memref_slice %arg6[%dma_wait3A_47, %dma_wait3A_48] : memref<10240x128xf32, #tpu.memory_space<vmem_shared>> -> memref<10240x128xf32, #tpu.memory_space<vmem_shared>>
        tpu.wait_indirect_dma semaphore(%run_scoped3A : memref<!tpu.dma_semaphore, #tpu.memory_space<semaphore_mem>>) src(%arg5 : memref<128x128xf32, #tpu.memory_space<vmem>>) dst(%dma_wait3A_49 : memref<10240x128xf32, #tpu.memory_space<vmem_shared>>)
        tpu.yield
      }) : () -> ()
      %scan3A_39 = arith.constant 0 : i32
      scf.yield %scan3A_39 : i32
    }
    %scan3A_35 = arith.constant 80 : i32
    %barrier3A_36 = arith.constant 0 : index
    tpu.barrier barrier_id(%barrier3A_36)
    "tpu.region"() ({
      %run_scoped3A = tpu.sem_alloc : memref<!tpu.dma_semaphore, #tpu.memory_space<semaphore_mem>>
      %dma_start3A = arith.constant 0 : i32
      %dma_start3A_37 = tpu.memref_slice %arg3[%arg0, %mul3A_0, %dma_start3A] : memref<2x10240x128xf32, #tpu.memory_space<hbm>> -> memref<1x640x128xf32, #tpu.memory_space<hbm>>
      %dma_start3A_38 = tpu.memref_squeeze %dma_start3A_37 : memref<1x640x128xf32, #tpu.memory_space<hbm>> -> memref<640x128xf32, #tpu.memory_space<hbm>>
      %dma_start3A_39 = arith.constant 0 : i32
      %dma_start3A_40 = tpu.memref_slice %arg6[%mul3A_0, %dma_start3A_39] : memref<10240x128xf32, #tpu.memory_space<vmem_shared>> -> memref<640x128xf32, #tpu.memory_space<vmem_shared>>
      tpu.enqueue_dma source(%dma_start3A_40 : memref<640x128xf32, #tpu.memory_space<vmem_shared>>) target(%dma_start3A_38 : memref<640x128xf32, #tpu.memory_space<hbm>>) target_semaphore(%run_scoped3A : memref<!tpu.dma_semaphore, #tpu.memory_space<semaphore_mem>>)
      %dma_wait3A = arith.constant 0 : i32
      %dma_wait3A_41 = tpu.memref_slice %arg3[%arg0, %mul3A_0, %dma_wait3A] : memref<2x10240x128xf32, #tpu.memory_space<hbm>> -> memref<1x640x128xf32, #tpu.memory_space<hbm>>
      %dma_wait3A_42 = tpu.memref_squeeze %dma_wait3A_41 : memref<1x640x128xf32, #tpu.memory_space<hbm>> -> memref<640x128xf32, #tpu.memory_space<hbm>>
      %dma_wait3A_43 = arith.constant 0 : i32
      %dma_wait3A_44 = tpu.memref_slice %arg6[%mul3A_0, %dma_wait3A_43] : memref<10240x128xf32, #tpu.memory_space<vmem_shared>> -> memref<640x128xf32, #tpu.memory_space<vmem_shared>>
      tpu.wait_dma2 semaphore(%run_scoped3A : memref<!tpu.dma_semaphore, #tpu.memory_space<semaphore_mem>>) src(%dma_wait3A_44 : memref<640x128xf32, #tpu.memory_space<vmem_shared>>) dst(%dma_wait3A_42 : memref<640x128xf32, #tpu.memory_space<hbm>>)
      tpu.yield
    }) : () -> ()
    return
  }
}

#map = affine_map<(d0, d1) -> (0, 0)>
#map1 = affine_map<(d0, d1) -> (0, 0, 0)>
module attributes {stable_mosaic.version = 14 : i64} {
  func.func @agg_body(%arg0: i32, %arg1: i32, %arg2: memref<10240x128xf32, #tpu.memory_space<hbm>>, %arg3: memref<2560x128xi32, #tpu.memory_space<hbm>>, %arg4: memref<2560x128xi32, #tpu.memory_space<hbm>>, %arg5: memref<2x10240x128xf32, #tpu.memory_space<hbm>>, %arg6: memref<40x128xi32, #tpu.memory_space<vmem>>, %arg7: memref<40x128xi32, #tpu.memory_space<vmem>>, %arg8: memref<128x128xf32, #tpu.memory_space<vmem>>, %arg9: memref<128x128xf32, #tpu.memory_space<vmem>>, %arg10: memref<10240x128xf32, #tpu.memory_space<vmem_shared>>, %arg11: memref<!tpu.dma_semaphore, #tpu.memory_space<semaphore_mem>>, %arg12: memref<!tpu.dma_semaphore, #tpu.memory_space<semaphore_mem>>) attributes {dimension_semantics = [#tpu.dimension_semantics<core_parallel>, #tpu.dimension_semantics<subcore_parallel>], iteration_bounds = array<i64: 2, 16>, scalar_prefetch = 0 : i64, scratch_operands = 7 : i64, tpu.core_type = #tpu.core_type<sc_vector_subcore>, window_params = [{transform_indices = #map}, {transform_indices = #map}, {transform_indices = #map}, {transform_indices = #map1}]} {
    %mul3A = arith.constant 640 : i32
    %mul3A_0 = arith.muli %arg1, %mul3A : i32
    %scan3A = arith.constant 0 : i32
    %scan3A_1 = arith.constant 0 : i32
    %scan3A_2 = arith.constant 128 : i32
    %scan3A_3 = arith.addi %scan3A_1, %scan3A_2 : i32
    %scan3A_4 = arith.constant 1 : i32
    %scan3A_5 = scf.for %scan3A_63 = %scan3A_1 to %scan3A_3 step %scan3A_4 iter_args(%scan3A_64 = %scan3A) -> (i32)  : i32 {
      %broadcast_in_dim3A = arith.constant 0.000000e+00 : f32
      %broadcast_in_dim3A_65 = vector.broadcast %broadcast_in_dim3A : f32 to vector<16xf32>
      %swap3A = arith.index_cast %scan3A_63 : i32 to index
      %swap3A_66 = arith.constant 0 : index
      %swap3A_67 = tpu.vector_load %arg8[%swap3A, %swap3A_66] {strides = array<i32>} : memref<128x128xf32, #tpu.memory_space<vmem>>, vector<1x16xf32>,
      %swap3A_68 = vector.shape_cast %swap3A_67 : vector<1x16xf32> to vector<16xf32>
      %swap3A_69 = vector.shape_cast %broadcast_in_dim3A_65 : vector<16xf32> to vector<1x16xf32>
      tpu.vector_store %arg8[%swap3A, %swap3A_66], %swap3A_69 {strides = array<i32>} : memref<128x128xf32, #tpu.memory_space<vmem>>, vector<1x16xf32>,
      %broadcast_in_dim3A_70 = arith.constant 0.000000e+00 : f32
      %broadcast_in_dim3A_71 = vector.broadcast %broadcast_in_dim3A_70 : f32 to vector<16xf32>
      %swap3A_72 = arith.index_cast %scan3A_63 : i32 to index
      %swap3A_73 = arith.constant 16 : index
      %swap3A_74 = tpu.vector_load %arg8[%swap3A_72, %swap3A_73] {strides = array<i32>} : memref<128x128xf32, #tpu.memory_space<vmem>>, vector<1x16xf32>,
      %swap3A_75 = vector.shape_cast %swap3A_74 : vector<1x16xf32> to vector<16xf32>
      %swap3A_76 = vector.shape_cast %broadcast_in_dim3A_71 : vector<16xf32> to vector<1x16xf32>
      tpu.vector_store %arg8[%swap3A_72, %swap3A_73], %swap3A_76 {strides = array<i32>} : memref<128x128xf32, #tpu.memory_space<vmem>>, vector<1x16xf32>,
      %broadcast_in_dim3A_77 = arith.constant 0.000000e+00 : f32
      %broadcast_in_dim3A_78 = vector.broadcast %broadcast_in_dim3A_77 : f32 to vector<16xf32>
      %swap3A_79 = arith.index_cast %scan3A_63 : i32 to index
      %swap3A_80 = arith.constant 32 : index
      %swap3A_81 = tpu.vector_load %arg8[%swap3A_79, %swap3A_80] {strides = array<i32>} : memref<128x128xf32, #tpu.memory_space<vmem>>, vector<1x16xf32>,
      %swap3A_82 = vector.shape_cast %swap3A_81 : vector<1x16xf32> to vector<16xf32>
      %swap3A_83 = vector.shape_cast %broadcast_in_dim3A_78 : vector<16xf32> to vector<1x16xf32>
      tpu.vector_store %arg8[%swap3A_79, %swap3A_80], %swap3A_83 {strides = array<i32>} : memref<128x128xf32, #tpu.memory_space<vmem>>, vector<1x16xf32>,
      %broadcast_in_dim3A_84 = arith.constant 0.000000e+00 : f32
      %broadcast_in_dim3A_85 = vector.broadcast %broadcast_in_dim3A_84 : f32 to vector<16xf32>
      %swap3A_86 = arith.index_cast %scan3A_63 : i32 to index
      %swap3A_87 = arith.constant 48 : index
      %swap3A_88 = tpu.vector_load %arg8[%swap3A_86, %swap3A_87] {strides = array<i32>} : memref<128x128xf32, #tpu.memory_space<vmem>>, vector<1x16xf32>,
      %swap3A_89 = vector.shape_cast %swap3A_88 : vector<1x16xf32> to vector<16xf32>
      %swap3A_90 = vector.shape_cast %broadcast_in_dim3A_85 : vector<16xf32> to vector<1x16xf32>
      tpu.vector_store %arg8[%swap3A_86, %swap3A_87], %swap3A_90 {strides = array<i32>} : memref<128x128xf32, #tpu.memory_space<vmem>>, vector<1x16xf32>,
      %broadcast_in_dim3A_91 = arith.constant 0.000000e+00 : f32
      %broadcast_in_dim3A_92 = vector.broadcast %broadcast_in_dim3A_91 : f32 to vector<16xf32>
      %swap3A_93 = arith.index_cast %scan3A_63 : i32 to index
      %swap3A_94 = arith.constant 64 : index
      %swap3A_95 = tpu.vector_load %arg8[%swap3A_93, %swap3A_94] {strides = array<i32>} : memref<128x128xf32, #tpu.memory_space<vmem>>, vector<1x16xf32>,
      %swap3A_96 = vector.shape_cast %swap3A_95 : vector<1x16xf32> to vector<16xf32>
      %swap3A_97 = vector.shape_cast %broadcast_in_dim3A_92 : vector<16xf32> to vector<1x16xf32>
      tpu.vector_store %arg8[%swap3A_93, %swap3A_94], %swap3A_97 {strides = array<i32>} : memref<128x128xf32, #tpu.memory_space<vmem>>, vector<1x16xf32>,
      %broadcast_in_dim3A_98 = arith.constant 0.000000e+00 : f32
      %broadcast_in_dim3A_99 = vector.broadcast %broadcast_in_dim3A_98 : f32 to vector<16xf32>
      %swap3A_100 = arith.index_cast %scan3A_63 : i32 to index
      %swap3A_101 = arith.constant 80 : index
      %swap3A_102 = tpu.vector_load %arg8[%swap3A_100, %swap3A_101] {strides = array<i32>} : memref<128x128xf32, #tpu.memory_space<vmem>>, vector<1x16xf32>,
      %swap3A_103 = vector.shape_cast %swap3A_102 : vector<1x16xf32> to vector<16xf32>
      %swap3A_104 = vector.shape_cast %broadcast_in_dim3A_99 : vector<16xf32> to vector<1x16xf32>
      tpu.vector_store %arg8[%swap3A_100, %swap3A_101], %swap3A_104 {strides = array<i32>} : memref<128x128xf32, #tpu.memory_space<vmem>>, vector<1x16xf32>,
      %broadcast_in_dim3A_105 = arith.constant 0.000000e+00 : f32
      %broadcast_in_dim3A_106 = vector.broadcast %broadcast_in_dim3A_105 : f32 to vector<16xf32>
      %swap3A_107 = arith.index_cast %scan3A_63 : i32 to index
      %swap3A_108 = arith.constant 96 : index
      %swap3A_109 = tpu.vector_load %arg8[%swap3A_107, %swap3A_108] {strides = array<i32>} : memref<128x128xf32, #tpu.memory_space<vmem>>, vector<1x16xf32>,
      %swap3A_110 = vector.shape_cast %swap3A_109 : vector<1x16xf32> to vector<16xf32>
      %swap3A_111 = vector.shape_cast %broadcast_in_dim3A_106 : vector<16xf32> to vector<1x16xf32>
      tpu.vector_store %arg8[%swap3A_107, %swap3A_108], %swap3A_111 {strides = array<i32>} : memref<128x128xf32, #tpu.memory_space<vmem>>, vector<1x16xf32>,
      %broadcast_in_dim3A_112 = arith.constant 0.000000e+00 : f32
      %broadcast_in_dim3A_113 = vector.broadcast %broadcast_in_dim3A_112 : f32 to vector<16xf32>
      %swap3A_114 = arith.index_cast %scan3A_63 : i32 to index
      %swap3A_115 = arith.constant 112 : index
      %swap3A_116 = tpu.vector_load %arg8[%swap3A_114, %swap3A_115] {strides = array<i32>} : memref<128x128xf32, #tpu.memory_space<vmem>>, vector<1x16xf32>,
      %swap3A_117 = vector.shape_cast %swap3A_116 : vector<1x16xf32> to vector<16xf32>
      %swap3A_118 = vector.shape_cast %broadcast_in_dim3A_113 : vector<16xf32> to vector<1x16xf32>
      tpu.vector_store %arg8[%swap3A_114, %swap3A_115], %swap3A_118 {strides = array<i32>} : memref<128x128xf32, #tpu.memory_space<vmem>>, vector<1x16xf32>,
      %scan3A_119 = arith.constant 0 : i32
      scf.yield %scan3A_119 : i32
    }
    %scan3A_6 = arith.constant 128 : i32
    %scan3A_7 = arith.constant 0 : i32
    %scan3A_8 = arith.constant 0 : i32
    %scan3A_9 = arith.constant 5 : i32
    %scan3A_10 = arith.addi %scan3A_8, %scan3A_9 : i32
    %scan3A_11 = arith.constant 1 : i32
    %scan3A_12 = scf.for %scan3A_63 = %scan3A_8 to %scan3A_10 step %scan3A_11 iter_args(%scan3A_64 = %scan3A_7) -> (i32)  : i32 {
      %mul3A_65 = arith.constant 128 : i32
      %mul3A_66 = arith.muli %scan3A_63, %mul3A_65 : i32
      %add3A_67 = arith.addi %mul3A_0, %mul3A_66 : i32
      "tpu.region"() ({
        %run_scoped3A = tpu.sem_alloc : memref<!tpu.dma_semaphore, #tpu.memory_space<semaphore_mem>>
        %dma_start3A_69 = arith.constant 0 : i32
        %dma_start3A_70 = tpu.memref_slice %arg10[%add3A_67, %dma_start3A_69] : memref<10240x128xf32, #tpu.memory_space<vmem_shared>> -> memref<128x128xf32, #tpu.memory_space<vmem_shared>>
        %dma_start3A_71 = arith.constant 0 : i32
        %dma_start3A_72 = tpu.memref_slice %arg10[%add3A_67, %dma_start3A_71] : memref<10240x128xf32, #tpu.memory_space<vmem_shared>> -> memref<128x128xf32, #tpu.memory_space<vmem_shared>>
        tpu.enqueue_dma source(%arg8 : memref<128x128xf32, #tpu.memory_space<vmem>>) target(%dma_start3A_72 : memref<128x128xf32, #tpu.memory_space<vmem_shared>>) target_semaphore(%run_scoped3A : memref<!tpu.dma_semaphore, #tpu.memory_space<semaphore_mem>>)
        %dma_wait3A_73 = arith.constant 0 : i32
        %dma_wait3A_74 = tpu.memref_slice %arg10[%add3A_67, %dma_wait3A_73] : memref<10240x128xf32, #tpu.memory_space<vmem_shared>> -> memref<128x128xf32, #tpu.memory_space<vmem_shared>>
        %dma_wait3A_75 = arith.constant 0 : i32
        %dma_wait3A_76 = tpu.memref_slice %arg10[%add3A_67, %dma_wait3A_75] : memref<10240x128xf32, #tpu.memory_space<vmem_shared>> -> memref<128x128xf32, #tpu.memory_space<vmem_shared>>
        tpu.wait_dma2 semaphore(%run_scoped3A : memref<!tpu.dma_semaphore, #tpu.memory_space<semaphore_mem>>) src(%arg8 : memref<128x128xf32, #tpu.memory_space<vmem>>) dst(%dma_wait3A_76 : memref<128x128xf32, #tpu.memory_space<vmem_shared>>)
        tpu.yield
      }) : () -> ()
      %scan3A_68 = arith.constant 0 : i32
      scf.yield %scan3A_68 : i32
    }
    %scan3A_13 = arith.constant 5 : i32
    %barrier3A = arith.constant 0 : index
    tpu.barrier barrier_id(%barrier3A)
    %mul3A_14 = arith.constant 16 : i32
    %mul3A_15 = arith.muli %arg0, %mul3A_14 : i32
    %add3A = arith.addi %mul3A_15, %arg1 : i32
    %mul3A_16 = arith.constant 80 : i32
    %mul3A_17 = arith.muli %add3A, %mul3A_16 : i32
    %add3A_18 = arith.constant 0 : i32
    %add3A_19 = arith.addi %mul3A_17, %add3A_18 : i32
    "tpu.region"() ({
      %run_scoped3A = tpu.sem_alloc : memref<!tpu.dma_semaphore, #tpu.memory_space<semaphore_mem>>
      %dma_start3A_63 = arith.constant 0 : i32
      %dma_start3A_64 = tpu.memref_slice %arg3[%add3A_19, %dma_start3A_63] : memref<2560x128xi32, #tpu.memory_space<hbm>> -> memref<40x128xi32, #tpu.memory_space<hbm>>
      %dma_start3A_65 = arith.constant 0 : i32
      %dma_start3A_66 = tpu.memref_slice %arg3[%add3A_19, %dma_start3A_65] : memref<2560x128xi32, #tpu.memory_space<hbm>> -> memref<40x128xi32, #tpu.memory_space<hbm>>
      tpu.enqueue_dma source(%dma_start3A_66 : memref<40x128xi32, #tpu.memory_space<hbm>>) target(%arg6 : memref<40x128xi32, #tpu.memory_space<vmem>>) target_semaphore(%run_scoped3A : memref<!tpu.dma_semaphore, #tpu.memory_space<semaphore_mem>>)
      %dma_wait3A_67 = arith.constant 0 : i32
      %dma_wait3A_68 = tpu.memref_slice %arg3[%add3A_19, %dma_wait3A_67] : memref<2560x128xi32, #tpu.memory_space<hbm>> -> memref<40x128xi32, #tpu.memory_space<hbm>>
      %dma_wait3A_69 = arith.constant 0 : i32
      %dma_wait3A_70 = tpu.memref_slice %arg3[%add3A_19, %dma_wait3A_69] : memref<2560x128xi32, #tpu.memory_space<hbm>> -> memref<40x128xi32, #tpu.memory_space<hbm>>
      tpu.wait_dma2 semaphore(%run_scoped3A : memref<!tpu.dma_semaphore, #tpu.memory_space<semaphore_mem>>) src(%dma_wait3A_70 : memref<40x128xi32, #tpu.memory_space<hbm>>) dst(%arg6 : memref<40x128xi32, #tpu.memory_space<vmem>>)
      tpu.yield
    }) : () -> ()
    "tpu.region"() ({
      %run_scoped3A = tpu.sem_alloc : memref<!tpu.dma_semaphore, #tpu.memory_space<semaphore_mem>>
      %dma_start3A_63 = arith.constant 0 : i32
      %dma_start3A_64 = tpu.memref_slice %arg4[%add3A_19, %dma_start3A_63] : memref<2560x128xi32, #tpu.memory_space<hbm>> -> memref<40x128xi32, #tpu.memory_space<hbm>>
      %dma_start3A_65 = arith.constant 0 : i32
      %dma_start3A_66 = tpu.memref_slice %arg4[%add3A_19, %dma_start3A_65] : memref<2560x128xi32, #tpu.memory_space<hbm>> -> memref<40x128xi32, #tpu.memory_space<hbm>>
      tpu.enqueue_dma source(%dma_start3A_66 : memref<40x128xi32, #tpu.memory_space<hbm>>) target(%arg7 : memref<40x128xi32, #tpu.memory_space<vmem>>) target_semaphore(%run_scoped3A : memref<!tpu.dma_semaphore, #tpu.memory_space<semaphore_mem>>)
      %dma_wait3A_67 = arith.constant 0 : i32
      %dma_wait3A_68 = tpu.memref_slice %arg4[%add3A_19, %dma_wait3A_67] : memref<2560x128xi32, #tpu.memory_space<hbm>> -> memref<40x128xi32, #tpu.memory_space<hbm>>
      %dma_wait3A_69 = arith.constant 0 : i32
      %dma_wait3A_70 = tpu.memref_slice %arg4[%add3A_19, %dma_wait3A_69] : memref<2560x128xi32, #tpu.memory_space<hbm>> -> memref<40x128xi32, #tpu.memory_space<hbm>>
      tpu.wait_dma2 semaphore(%run_scoped3A : memref<!tpu.dma_semaphore, #tpu.memory_space<semaphore_mem>>) src(%dma_wait3A_70 : memref<40x128xi32, #tpu.memory_space<hbm>>) dst(%arg7 : memref<40x128xi32, #tpu.memory_space<vmem>>)
      tpu.yield
    }) : () -> ()
    %dma_start3A = arith.constant 0 : i32
    %dma_start3A_20 = arith.constant 0 : i32
    %dma_start3A_21 = tpu.memref_slice %arg6[%dma_start3A, %dma_start3A_20] : memref<40x128xi32, #tpu.memory_space<vmem>> -> memref<1x128xi32, #tpu.memory_space<vmem>>
    %dma_start3A_22 = tpu.memref_squeeze %dma_start3A_21 : memref<1x128xi32, #tpu.memory_space<vmem>> -> memref<128xi32, #tpu.memory_space<vmem>>
    %dma_start3A_23 = arith.constant 0 : i32
    %dma_start3A_24 = arith.constant 0 : i32
    %dma_start3A_25 = tpu.memref_slice %arg2[%dma_start3A_23, %dma_start3A_24] : memref<10240x128xf32, #tpu.memory_space<hbm>> -> memref<10240x128xf32, #tpu.memory_space<hbm>>
    tpu.enqueue_indirect_dma source(%dma_start3A_25 : memref<10240x128xf32, #tpu.memory_space<hbm>>) target(%arg8 : memref<128x128xf32, #tpu.memory_space<vmem>>) offsets(%dma_start3A_22 : memref<128xi32, #tpu.memory_space<vmem>>) semaphore(%arg11 : memref<!tpu.dma_semaphore, #tpu.memory_space<semaphore_mem>>)
    %scan3A_26 = arith.constant 0 : i32
    %scan3A_27 = arith.constant 0 : i32
    %scan3A_28 = arith.constant 20 : i32
    %scan3A_29 = arith.addi %scan3A_27, %scan3A_28 : i32
    %scan3A_30 = arith.constant 1 : i32
    %scan3A_31 = scf.for %scan3A_63 = %scan3A_27 to %scan3A_29 step %scan3A_30 iter_args(%scan3A_64 = %scan3A_26) -> (i32)  : i32 {
      %mul3A_65 = arith.constant 2 : i32
      %mul3A_66 = arith.muli %mul3A_65, %scan3A_63 : i32
      %dma_wait3A_67 = arith.constant 0 : i32
      %dma_wait3A_68 = arith.constant 0 : i32
      %dma_wait3A_69 = tpu.memref_slice %arg6[%dma_wait3A_67, %dma_wait3A_68] : memref<40x128xi32, #tpu.memory_space<vmem>> -> memref<1x128xi32, #tpu.memory_space<vmem>>
      %dma_wait3A_70 = tpu.memref_squeeze %dma_wait3A_69 : memref<1x128xi32, #tpu.memory_space<vmem>> -> memref<128xi32, #tpu.memory_space<vmem>>
      %dma_wait3A_71 = arith.constant 0 : i32
      %dma_wait3A_72 = arith.constant 0 : i32
      %dma_wait3A_73 = tpu.memref_slice %arg2[%dma_wait3A_71, %dma_wait3A_72] : memref<10240x128xf32, #tpu.memory_space<hbm>> -> memref<10240x128xf32, #tpu.memory_space<hbm>>
      tpu.wait_indirect_dma semaphore(%arg11 : memref<!tpu.dma_semaphore, #tpu.memory_space<semaphore_mem>>) src(%dma_wait3A_73 : memref<10240x128xf32, #tpu.memory_space<hbm>>) dst(%arg8 : memref<128x128xf32, #tpu.memory_space<vmem>>)
      %add3A_74 = arith.constant 1 : i32
      %add3A_75 = arith.addi %mul3A_66, %add3A_74 : i32
      %dma_start3A_76 = arith.constant 0 : i32
      %dma_start3A_77 = tpu.memref_slice %arg6[%add3A_75, %dma_start3A_76] : memref<40x128xi32, #tpu.memory_space<vmem>> -> memref<1x128xi32, #tpu.memory_space<vmem>>
      %dma_start3A_78 = tpu.memref_squeeze %dma_start3A_77 : memref<1x128xi32, #tpu.memory_space<vmem>> -> memref<128xi32, #tpu.memory_space<vmem>>
      %dma_start3A_79 = arith.constant 0 : i32
      %dma_start3A_80 = arith.constant 0 : i32
      %dma_start3A_81 = tpu.memref_slice %arg2[%dma_start3A_79, %dma_start3A_80] : memref<10240x128xf32, #tpu.memory_space<hbm>> -> memref<10240x128xf32, #tpu.memory_space<hbm>>
      tpu.enqueue_indirect_dma source(%dma_start3A_81 : memref<10240x128xf32, #tpu.memory_space<hbm>>) target(%arg9 : memref<128x128xf32, #tpu.memory_space<vmem>>) offsets(%dma_start3A_78 : memref<128xi32, #tpu.memory_space<vmem>>) semaphore(%arg12 : memref<!tpu.dma_semaphore, #tpu.memory_space<semaphore_mem>>)
      "tpu.region"() ({
        %run_scoped3A = tpu.sem_alloc : memref<!tpu.dma_semaphore, #tpu.memory_space<semaphore_mem>>
        %dma_start3A_101 = arith.constant 0 : i32
        %dma_start3A_102 = tpu.memref_slice %arg7[%mul3A_66, %dma_start3A_101] : memref<40x128xi32, #tpu.memory_space<vmem>> -> memref<1x128xi32, #tpu.memory_space<vmem>>
        %dma_start3A_103 = tpu.memref_squeeze %dma_start3A_102 : memref<1x128xi32, #tpu.memory_space<vmem>> -> memref<128xi32, #tpu.memory_space<vmem>>
        %dma_start3A_104 = arith.constant 0 : i32
        %dma_start3A_105 = arith.constant 0 : i32
        %dma_start3A_106 = tpu.memref_slice %arg10[%dma_start3A_104, %dma_start3A_105] : memref<10240x128xf32, #tpu.memory_space<vmem_shared>> -> memref<10240x128xf32, #tpu.memory_space<vmem_shared>>
        tpu.enqueue_indirect_dma source(%arg8 : memref<128x128xf32, #tpu.memory_space<vmem>>) target(%dma_start3A_106 : memref<10240x128xf32, #tpu.memory_space<vmem_shared>>) offsets(%dma_start3A_103 : memref<128xi32, #tpu.memory_space<vmem>>) semaphore(%run_scoped3A : memref<!tpu.dma_semaphore, #tpu.memory_space<semaphore_mem>>) {add = true}
        %dma_wait3A_107 = arith.constant 0 : i32
        %dma_wait3A_108 = tpu.memref_slice %arg7[%mul3A_66, %dma_wait3A_107] : memref<40x128xi32, #tpu.memory_space<vmem>> -> memref<1x128xi32, #tpu.memory_space<vmem>>
        %dma_wait3A_109 = tpu.memref_squeeze %dma_wait3A_108 : memref<1x128xi32, #tpu.memory_space<vmem>> -> memref<128xi32, #tpu.memory_space<vmem>>
        %dma_wait3A_110 = arith.constant 0 : i32
        %dma_wait3A_111 = arith.constant 0 : i32
        %dma_wait3A_112 = tpu.memref_slice %arg10[%dma_wait3A_110, %dma_wait3A_111] : memref<10240x128xf32, #tpu.memory_space<vmem_shared>> -> memref<10240x128xf32, #tpu.memory_space<vmem_shared>>
        tpu.wait_indirect_dma semaphore(%run_scoped3A : memref<!tpu.dma_semaphore, #tpu.memory_space<semaphore_mem>>) src(%arg8 : memref<128x128xf32, #tpu.memory_space<vmem>>) dst(%dma_wait3A_112 : memref<10240x128xf32, #tpu.memory_space<vmem_shared>>)
        tpu.yield
      }) : () -> ()
      %dma_wait3A_82 = arith.constant 0 : i32
      %dma_wait3A_83 = arith.constant 0 : i32
      %dma_wait3A_84 = tpu.memref_slice %arg6[%dma_wait3A_82, %dma_wait3A_83] : memref<40x128xi32, #tpu.memory_space<vmem>> -> memref<1x128xi32, #tpu.memory_space<vmem>>
      %dma_wait3A_85 = tpu.memref_squeeze %dma_wait3A_84 : memref<1x128xi32, #tpu.memory_space<vmem>> -> memref<128xi32, #tpu.memory_space<vmem>>
      %dma_wait3A_86 = arith.constant 0 : i32
      %dma_wait3A_87 = arith.constant 0 : i32
      %dma_wait3A_88 = tpu.memref_slice %arg2[%dma_wait3A_86, %dma_wait3A_87] : memref<10240x128xf32, #tpu.memory_space<hbm>> -> memref<10240x128xf32, #tpu.memory_space<hbm>>
      tpu.wait_indirect_dma semaphore(%arg12 : memref<!tpu.dma_semaphore, #tpu.memory_space<semaphore_mem>>) src(%dma_wait3A_88 : memref<10240x128xf32, #tpu.memory_space<hbm>>) dst(%arg9 : memref<128x128xf32, #tpu.memory_space<vmem>>)
      %add3A_89 = arith.constant 2 : i32
      %add3A_90 = arith.addi %mul3A_66, %add3A_89 : i32
      %min3A = arith.constant 39 : i32
      %min3A_91 = arith.minsi %add3A_90, %min3A : i32
      %dma_start3A_92 = arith.constant 0 : i32
      %dma_start3A_93 = tpu.memref_slice %arg6[%min3A_91, %dma_start3A_92] : memref<40x128xi32, #tpu.memory_space<vmem>> -> memref<1x128xi32, #tpu.memory_space<vmem>>
      %dma_start3A_94 = tpu.memref_squeeze %dma_start3A_93 : memref<1x128xi32, #tpu.memory_space<vmem>> -> memref<128xi32, #tpu.memory_space<vmem>>
      %dma_start3A_95 = arith.constant 0 : i32
      %dma_start3A_96 = arith.constant 0 : i32
      %dma_start3A_97 = tpu.memref_slice %arg2[%dma_start3A_95, %dma_start3A_96] : memref<10240x128xf32, #tpu.memory_space<hbm>> -> memref<10240x128xf32, #tpu.memory_space<hbm>>
      tpu.enqueue_indirect_dma source(%dma_start3A_97 : memref<10240x128xf32, #tpu.memory_space<hbm>>) target(%arg8 : memref<128x128xf32, #tpu.memory_space<vmem>>) offsets(%dma_start3A_94 : memref<128xi32, #tpu.memory_space<vmem>>) semaphore(%arg11 : memref<!tpu.dma_semaphore, #tpu.memory_space<semaphore_mem>>)
      %add3A_98 = arith.constant 1 : i32
      %add3A_99 = arith.addi %mul3A_66, %add3A_98 : i32
      "tpu.region"() ({
        %run_scoped3A = tpu.sem_alloc : memref<!tpu.dma_semaphore, #tpu.memory_space<semaphore_mem>>
        %dma_start3A_101 = arith.constant 0 : i32
        %dma_start3A_102 = tpu.memref_slice %arg7[%add3A_99, %dma_start3A_101] : memref<40x128xi32, #tpu.memory_space<vmem>> -> memref<1x128xi32, #tpu.memory_space<vmem>>
        %dma_start3A_103 = tpu.memref_squeeze %dma_start3A_102 : memref<1x128xi32, #tpu.memory_space<vmem>> -> memref<128xi32, #tpu.memory_space<vmem>>
        %dma_start3A_104 = arith.constant 0 : i32
        %dma_start3A_105 = arith.constant 0 : i32
        %dma_start3A_106 = tpu.memref_slice %arg10[%dma_start3A_104, %dma_start3A_105] : memref<10240x128xf32, #tpu.memory_space<vmem_shared>> -> memref<10240x128xf32, #tpu.memory_space<vmem_shared>>
        tpu.enqueue_indirect_dma source(%arg9 : memref<128x128xf32, #tpu.memory_space<vmem>>) target(%dma_start3A_106 : memref<10240x128xf32, #tpu.memory_space<vmem_shared>>) offsets(%dma_start3A_103 : memref<128xi32, #tpu.memory_space<vmem>>) semaphore(%run_scoped3A : memref<!tpu.dma_semaphore, #tpu.memory_space<semaphore_mem>>) {add = true}
        %dma_wait3A_107 = arith.constant 0 : i32
        %dma_wait3A_108 = tpu.memref_slice %arg7[%add3A_99, %dma_wait3A_107] : memref<40x128xi32, #tpu.memory_space<vmem>> -> memref<1x128xi32, #tpu.memory_space<vmem>>
        %dma_wait3A_109 = tpu.memref_squeeze %dma_wait3A_108 : memref<1x128xi32, #tpu.memory_space<vmem>> -> memref<128xi32, #tpu.memory_space<vmem>>
        %dma_wait3A_110 = arith.constant 0 : i32
        %dma_wait3A_111 = arith.constant 0 : i32
        %dma_wait3A_112 = tpu.memref_slice %arg10[%dma_wait3A_110, %dma_wait3A_111] : memref<10240x128xf32, #tpu.memory_space<vmem_shared>> -> memref<10240x128xf32, #tpu.memory_space<vmem_shared>>
        tpu.wait_indirect_dma semaphore(%run_scoped3A : memref<!tpu.dma_semaphore, #tpu.memory_space<semaphore_mem>>) src(%arg9 : memref<128x128xf32, #tpu.memory_space<vmem>>) dst(%dma_wait3A_112 : memref<10240x128xf32, #tpu.memory_space<vmem_shared>>)
        tpu.yield
      }) : () -> ()
      %scan3A_100 = arith.constant 0 : i32
      scf.yield %scan3A_100 : i32
    }
    %scan3A_32 = arith.constant 20 : i32
    %dma_wait3A = arith.constant 0 : i32
    %dma_wait3A_33 = arith.constant 0 : i32
    %dma_wait3A_34 = tpu.memref_slice %arg6[%dma_wait3A, %dma_wait3A_33] : memref<40x128xi32, #tpu.memory_space<vmem>> -> memref<1x128xi32, #tpu.memory_space<vmem>>
    %dma_wait3A_35 = tpu.memref_squeeze %dma_wait3A_34 : memref<1x128xi32, #tpu.memory_space<vmem>> -> memref<128xi32, #tpu.memory_space<vmem>>
    %dma_wait3A_36 = arith.constant 0 : i32
    %dma_wait3A_37 = arith.constant 0 : i32
    %dma_wait3A_38 = tpu.memref_slice %arg2[%dma_wait3A_36, %dma_wait3A_37] : memref<10240x128xf32, #tpu.memory_space<hbm>> -> memref<10240x128xf32, #tpu.memory_space<hbm>>
    tpu.wait_indirect_dma semaphore(%arg11 : memref<!tpu.dma_semaphore, #tpu.memory_space<semaphore_mem>>) src(%dma_wait3A_38 : memref<10240x128xf32, #tpu.memory_space<hbm>>) dst(%arg8 : memref<128x128xf32, #tpu.memory_space<vmem>>)
    %add3A_39 = arith.constant 40 : i32
    %add3A_40 = arith.addi %mul3A_17, %add3A_39 : i32
    "tpu.region"() ({
      %run_scoped3A = tpu.sem_alloc : memref<!tpu.dma_semaphore, #tpu.memory_space<semaphore_mem>>
      %dma_start3A_63 = arith.constant 0 : i32
      %dma_start3A_64 = tpu.memref_slice %arg3[%add3A_40, %dma_start3A_63] : memref<2560x128xi32, #tpu.memory_space<hbm>> -> memref<40x128xi32, #tpu.memory_space<hbm>>
      %dma_start3A_65 = arith.constant 0 : i32
      %dma_start3A_66 = tpu.memref_slice %arg3[%add3A_40, %dma_start3A_65] : memref<2560x128xi32, #tpu.memory_space<hbm>> -> memref<40x128xi32, #tpu.memory_space<hbm>>
      tpu.enqueue_dma source(%dma_start3A_66 : memref<40x128xi32, #tpu.memory_space<hbm>>) target(%arg6 : memref<40x128xi32, #tpu.memory_space<vmem>>) target_semaphore(%run_scoped3A : memref<!tpu.dma_semaphore, #tpu.memory_space<semaphore_mem>>)
      %dma_wait3A_67 = arith.constant 0 : i32
      %dma_wait3A_68 = tpu.memref_slice %arg3[%add3A_40, %dma_wait3A_67] : memref<2560x128xi32, #tpu.memory_space<hbm>> -> memref<40x128xi32, #tpu.memory_space<hbm>>
      %dma_wait3A_69 = arith.constant 0 : i32
      %dma_wait3A_70 = tpu.memref_slice %arg3[%add3A_40, %dma_wait3A_69] : memref<2560x128xi32, #tpu.memory_space<hbm>> -> memref<40x128xi32, #tpu.memory_space<hbm>>
      tpu.wait_dma2 semaphore(%run_scoped3A : memref<!tpu.dma_semaphore, #tpu.memory_space<semaphore_mem>>) src(%dma_wait3A_70 : memref<40x128xi32, #tpu.memory_space<hbm>>) dst(%arg6 : memref<40x128xi32, #tpu.memory_space<vmem>>)
      tpu.yield
    }) : () -> ()
    "tpu.region"() ({
      %run_scoped3A = tpu.sem_alloc : memref<!tpu.dma_semaphore, #tpu.memory_space<semaphore_mem>>
      %dma_start3A_63 = arith.constant 0 : i32
      %dma_start3A_64 = tpu.memref_slice %arg4[%add3A_40, %dma_start3A_63] : memref<2560x128xi32, #tpu.memory_space<hbm>> -> memref<40x128xi32, #tpu.memory_space<hbm>>
      %dma_start3A_65 = arith.constant 0 : i32
      %dma_start3A_66 = tpu.memref_slice %arg4[%add3A_40, %dma_start3A_65] : memref<2560x128xi32, #tpu.memory_space<hbm>> -> memref<40x128xi32, #tpu.memory_space<hbm>>
      tpu.enqueue_dma source(%dma_start3A_66 : memref<40x128xi32, #tpu.memory_space<hbm>>) target(%arg7 : memref<40x128xi32, #tpu.memory_space<vmem>>) target_semaphore(%run_scoped3A : memref<!tpu.dma_semaphore, #tpu.memory_space<semaphore_mem>>)
      %dma_wait3A_67 = arith.constant 0 : i32
      %dma_wait3A_68 = tpu.memref_slice %arg4[%add3A_40, %dma_wait3A_67] : memref<2560x128xi32, #tpu.memory_space<hbm>> -> memref<40x128xi32, #tpu.memory_space<hbm>>
      %dma_wait3A_69 = arith.constant 0 : i32
      %dma_wait3A_70 = tpu.memref_slice %arg4[%add3A_40, %dma_wait3A_69] : memref<2560x128xi32, #tpu.memory_space<hbm>> -> memref<40x128xi32, #tpu.memory_space<hbm>>
      tpu.wait_dma2 semaphore(%run_scoped3A : memref<!tpu.dma_semaphore, #tpu.memory_space<semaphore_mem>>) src(%dma_wait3A_70 : memref<40x128xi32, #tpu.memory_space<hbm>>) dst(%arg7 : memref<40x128xi32, #tpu.memory_space<vmem>>)
      tpu.yield
    }) : () -> ()
    %dma_start3A_41 = arith.constant 0 : i32
    %dma_start3A_42 = arith.constant 0 : i32
    %dma_start3A_43 = tpu.memref_slice %arg6[%dma_start3A_41, %dma_start3A_42] : memref<40x128xi32, #tpu.memory_space<vmem>> -> memref<1x128xi32, #tpu.memory_space<vmem>>
    %dma_start3A_44 = tpu.memref_squeeze %dma_start3A_43 : memref<1x128xi32, #tpu.memory_space<vmem>> -> memref<128xi32, #tpu.memory_space<vmem>>
    %dma_start3A_45 = arith.constant 0 : i32
    %dma_start3A_46 = arith.constant 0 : i32
    %dma_start3A_47 = tpu.memref_slice %arg2[%dma_start3A_45, %dma_start3A_46] : memref<10240x128xf32, #tpu.memory_space<hbm>> -> memref<10240x128xf32, #tpu.memory_space<hbm>>
    tpu.enqueue_indirect_dma source(%dma_start3A_47 : memref<10240x128xf32, #tpu.memory_space<hbm>>) target(%arg8 : memref<128x128xf32, #tpu.memory_space<vmem>>) offsets(%dma_start3A_44 : memref<128xi32, #tpu.memory_space<vmem>>) semaphore(%arg11 : memref<!tpu.dma_semaphore, #tpu.memory_space<semaphore_mem>>)
    %scan3A_48 = arith.constant 0 : i32
    %scan3A_49 = arith.constant 0 : i32
    %scan3A_50 = arith.constant 20 : i32
    %scan3A_51 = arith.addi %scan3A_49, %scan3A_50 : i32
    %scan3A_52 = arith.constant 1 : i32
    %scan3A_53 = scf.for %scan3A_63 = %scan3A_49 to %scan3A_51 step %scan3A_52 iter_args(%scan3A_64 = %scan3A_48) -> (i32)  : i32 {
      %mul3A_65 = arith.constant 2 : i32
      %mul3A_66 = arith.muli %mul3A_65, %scan3A_63 : i32
      %dma_wait3A_67 = arith.constant 0 : i32
      %dma_wait3A_68 = arith.constant 0 : i32
      %dma_wait3A_69 = tpu.memref_slice %arg6[%dma_wait3A_67, %dma_wait3A_68] : memref<40x128xi32, #tpu.memory_space<vmem>> -> memref<1x128xi32, #tpu.memory_space<vmem>>
      %dma_wait3A_70 = tpu.memref_squeeze %dma_wait3A_69 : memref<1x128xi32, #tpu.memory_space<vmem>> -> memref<128xi32, #tpu.memory_space<vmem>>
      %dma_wait3A_71 = arith.constant 0 : i32
      %dma_wait3A_72 = arith.constant 0 : i32
      %dma_wait3A_73 = tpu.memref_slice %arg2[%dma_wait3A_71, %dma_wait3A_72] : memref<10240x128xf32, #tpu.memory_space<hbm>> -> memref<10240x128xf32, #tpu.memory_space<hbm>>
      tpu.wait_indirect_dma semaphore(%arg11 : memref<!tpu.dma_semaphore, #tpu.memory_space<semaphore_mem>>) src(%dma_wait3A_73 : memref<10240x128xf32, #tpu.memory_space<hbm>>) dst(%arg8 : memref<128x128xf32, #tpu.memory_space<vmem>>)
      %add3A_74 = arith.constant 1 : i32
      %add3A_75 = arith.addi %mul3A_66, %add3A_74 : i32
      %dma_start3A_76 = arith.constant 0 : i32
      %dma_start3A_77 = tpu.memref_slice %arg6[%add3A_75, %dma_start3A_76] : memref<40x128xi32, #tpu.memory_space<vmem>> -> memref<1x128xi32, #tpu.memory_space<vmem>>
      %dma_start3A_78 = tpu.memref_squeeze %dma_start3A_77 : memref<1x128xi32, #tpu.memory_space<vmem>> -> memref<128xi32, #tpu.memory_space<vmem>>
      %dma_start3A_79 = arith.constant 0 : i32
      %dma_start3A_80 = arith.constant 0 : i32
      %dma_start3A_81 = tpu.memref_slice %arg2[%dma_start3A_79, %dma_start3A_80] : memref<10240x128xf32, #tpu.memory_space<hbm>> -> memref<10240x128xf32, #tpu.memory_space<hbm>>
      tpu.enqueue_indirect_dma source(%dma_start3A_81 : memref<10240x128xf32, #tpu.memory_space<hbm>>) target(%arg9 : memref<128x128xf32, #tpu.memory_space<vmem>>) offsets(%dma_start3A_78 : memref<128xi32, #tpu.memory_space<vmem>>) semaphore(%arg12 : memref<!tpu.dma_semaphore, #tpu.memory_space<semaphore_mem>>)
      "tpu.region"() ({
        %run_scoped3A = tpu.sem_alloc : memref<!tpu.dma_semaphore, #tpu.memory_space<semaphore_mem>>
        %dma_start3A_101 = arith.constant 0 : i32
        %dma_start3A_102 = tpu.memref_slice %arg7[%mul3A_66, %dma_start3A_101] : memref<40x128xi32, #tpu.memory_space<vmem>> -> memref<1x128xi32, #tpu.memory_space<vmem>>
        %dma_start3A_103 = tpu.memref_squeeze %dma_start3A_102 : memref<1x128xi32, #tpu.memory_space<vmem>> -> memref<128xi32, #tpu.memory_space<vmem>>
        %dma_start3A_104 = arith.constant 0 : i32
        %dma_start3A_105 = arith.constant 0 : i32
        %dma_start3A_106 = tpu.memref_slice %arg10[%dma_start3A_104, %dma_start3A_105] : memref<10240x128xf32, #tpu.memory_space<vmem_shared>> -> memref<10240x128xf32, #tpu.memory_space<vmem_shared>>
        tpu.enqueue_indirect_dma source(%arg8 : memref<128x128xf32, #tpu.memory_space<vmem>>) target(%dma_start3A_106 : memref<10240x128xf32, #tpu.memory_space<vmem_shared>>) offsets(%dma_start3A_103 : memref<128xi32, #tpu.memory_space<vmem>>) semaphore(%run_scoped3A : memref<!tpu.dma_semaphore, #tpu.memory_space<semaphore_mem>>) {add = true}
        %dma_wait3A_107 = arith.constant 0 : i32
        %dma_wait3A_108 = tpu.memref_slice %arg7[%mul3A_66, %dma_wait3A_107] : memref<40x128xi32, #tpu.memory_space<vmem>> -> memref<1x128xi32, #tpu.memory_space<vmem>>
        %dma_wait3A_109 = tpu.memref_squeeze %dma_wait3A_108 : memref<1x128xi32, #tpu.memory_space<vmem>> -> memref<128xi32, #tpu.memory_space<vmem>>
        %dma_wait3A_110 = arith.constant 0 : i32
        %dma_wait3A_111 = arith.constant 0 : i32
        %dma_wait3A_112 = tpu.memref_slice %arg10[%dma_wait3A_110, %dma_wait3A_111] : memref<10240x128xf32, #tpu.memory_space<vmem_shared>> -> memref<10240x128xf32, #tpu.memory_space<vmem_shared>>
        tpu.wait_indirect_dma semaphore(%run_scoped3A : memref<!tpu.dma_semaphore, #tpu.memory_space<semaphore_mem>>) src(%arg8 : memref<128x128xf32, #tpu.memory_space<vmem>>) dst(%dma_wait3A_112 : memref<10240x128xf32, #tpu.memory_space<vmem_shared>>)
        tpu.yield
      }) : () -> ()
      %dma_wait3A_82 = arith.constant 0 : i32
      %dma_wait3A_83 = arith.constant 0 : i32
      %dma_wait3A_84 = tpu.memref_slice %arg6[%dma_wait3A_82, %dma_wait3A_83] : memref<40x128xi32, #tpu.memory_space<vmem>> -> memref<1x128xi32, #tpu.memory_space<vmem>>
      %dma_wait3A_85 = tpu.memref_squeeze %dma_wait3A_84 : memref<1x128xi32, #tpu.memory_space<vmem>> -> memref<128xi32, #tpu.memory_space<vmem>>
      %dma_wait3A_86 = arith.constant 0 : i32
      %dma_wait3A_87 = arith.constant 0 : i32
      %dma_wait3A_88 = tpu.memref_slice %arg2[%dma_wait3A_86, %dma_wait3A_87] : memref<10240x128xf32, #tpu.memory_space<hbm>> -> memref<10240x128xf32, #tpu.memory_space<hbm>>
      tpu.wait_indirect_dma semaphore(%arg12 : memref<!tpu.dma_semaphore, #tpu.memory_space<semaphore_mem>>) src(%dma_wait3A_88 : memref<10240x128xf32, #tpu.memory_space<hbm>>) dst(%arg9 : memref<128x128xf32, #tpu.memory_space<vmem>>)
      %add3A_89 = arith.constant 2 : i32
      %add3A_90 = arith.addi %mul3A_66, %add3A_89 : i32
      %min3A = arith.constant 39 : i32
      %min3A_91 = arith.minsi %add3A_90, %min3A : i32
      %dma_start3A_92 = arith.constant 0 : i32
      %dma_start3A_93 = tpu.memref_slice %arg6[%min3A_91, %dma_start3A_92] : memref<40x128xi32, #tpu.memory_space<vmem>> -> memref<1x128xi32, #tpu.memory_space<vmem>>
      %dma_start3A_94 = tpu.memref_squeeze %dma_start3A_93 : memref<1x128xi32, #tpu.memory_space<vmem>> -> memref<128xi32, #tpu.memory_space<vmem>>
      %dma_start3A_95 = arith.constant 0 : i32
      %dma_start3A_96 = arith.constant 0 : i32
      %dma_start3A_97 = tpu.memref_slice %arg2[%dma_start3A_95, %dma_start3A_96] : memref<10240x128xf32, #tpu.memory_space<hbm>> -> memref<10240x128xf32, #tpu.memory_space<hbm>>
      tpu.enqueue_indirect_dma source(%dma_start3A_97 : memref<10240x128xf32, #tpu.memory_space<hbm>>) target(%arg8 : memref<128x128xf32, #tpu.memory_space<vmem>>) offsets(%dma_start3A_94 : memref<128xi32, #tpu.memory_space<vmem>>) semaphore(%arg11 : memref<!tpu.dma_semaphore, #tpu.memory_space<semaphore_mem>>)
      %add3A_98 = arith.constant 1 : i32
      %add3A_99 = arith.addi %mul3A_66, %add3A_98 : i32
      "tpu.region"() ({
        %run_scoped3A = tpu.sem_alloc : memref<!tpu.dma_semaphore, #tpu.memory_space<semaphore_mem>>
        %dma_start3A_101 = arith.constant 0 : i32
        %dma_start3A_102 = tpu.memref_slice %arg7[%add3A_99, %dma_start3A_101] : memref<40x128xi32, #tpu.memory_space<vmem>> -> memref<1x128xi32, #tpu.memory_space<vmem>>
        %dma_start3A_103 = tpu.memref_squeeze %dma_start3A_102 : memref<1x128xi32, #tpu.memory_space<vmem>> -> memref<128xi32, #tpu.memory_space<vmem>>
        %dma_start3A_104 = arith.constant 0 : i32
        %dma_start3A_105 = arith.constant 0 : i32
        %dma_start3A_106 = tpu.memref_slice %arg10[%dma_start3A_104, %dma_start3A_105] : memref<10240x128xf32, #tpu.memory_space<vmem_shared>> -> memref<10240x128xf32, #tpu.memory_space<vmem_shared>>
        tpu.enqueue_indirect_dma source(%arg9 : memref<128x128xf32, #tpu.memory_space<vmem>>) target(%dma_start3A_106 : memref<10240x128xf32, #tpu.memory_space<vmem_shared>>) offsets(%dma_start3A_103 : memref<128xi32, #tpu.memory_space<vmem>>) semaphore(%run_scoped3A : memref<!tpu.dma_semaphore, #tpu.memory_space<semaphore_mem>>) {add = true}
        %dma_wait3A_107 = arith.constant 0 : i32
        %dma_wait3A_108 = tpu.memref_slice %arg7[%add3A_99, %dma_wait3A_107] : memref<40x128xi32, #tpu.memory_space<vmem>> -> memref<1x128xi32, #tpu.memory_space<vmem>>
        %dma_wait3A_109 = tpu.memref_squeeze %dma_wait3A_108 : memref<1x128xi32, #tpu.memory_space<vmem>> -> memref<128xi32, #tpu.memory_space<vmem>>
        %dma_wait3A_110 = arith.constant 0 : i32
        %dma_wait3A_111 = arith.constant 0 : i32
        %dma_wait3A_112 = tpu.memref_slice %arg10[%dma_wait3A_110, %dma_wait3A_111] : memref<10240x128xf32, #tpu.memory_space<vmem_shared>> -> memref<10240x128xf32, #tpu.memory_space<vmem_shared>>
        tpu.wait_indirect_dma semaphore(%run_scoped3A : memref<!tpu.dma_semaphore, #tpu.memory_space<semaphore_mem>>) src(%arg9 : memref<128x128xf32, #tpu.memory_space<vmem>>) dst(%dma_wait3A_112 : memref<10240x128xf32, #tpu.memory_space<vmem_shared>>)
        tpu.yield
      }) : () -> ()
      %scan3A_100 = arith.constant 0 : i32
      scf.yield %scan3A_100 : i32
    }
    %scan3A_54 = arith.constant 20 : i32
    %dma_wait3A_55 = arith.constant 0 : i32
    %dma_wait3A_56 = arith.constant 0 : i32
    %dma_wait3A_57 = tpu.memref_slice %arg6[%dma_wait3A_55, %dma_wait3A_56] : memref<40x128xi32, #tpu.memory_space<vmem>> -> memref<1x128xi32, #tpu.memory_space<vmem>>
    %dma_wait3A_58 = tpu.memref_squeeze %dma_wait3A_57 : memref<1x128xi32, #tpu.memory_space<vmem>> -> memref<128xi32, #tpu.memory_space<vmem>>
    %dma_wait3A_59 = arith.constant 0 : i32
    %dma_wait3A_60 = arith.constant 0 : i32
    %dma_wait3A_61 = tpu.memref_slice %arg2[%dma_wait3A_59, %dma_wait3A_60] : memref<10240x128xf32, #tpu.memory_space<hbm>> -> memref<10240x128xf32, #tpu.memory_space<hbm>>
    tpu.wait_indirect_dma semaphore(%arg11 : memref<!tpu.dma_semaphore, #tpu.memory_space<semaphore_mem>>) src(%dma_wait3A_61 : memref<10240x128xf32, #tpu.memory_space<hbm>>) dst(%arg8 : memref<128x128xf32, #tpu.memory_space<vmem>>)
    %barrier3A_62 = arith.constant 0 : index
    tpu.barrier barrier_id(%barrier3A_62)
    "tpu.region"() ({
      %run_scoped3A = tpu.sem_alloc : memref<!tpu.dma_semaphore, #tpu.memory_space<semaphore_mem>>
      %dma_start3A_63 = arith.constant 0 : i32
      %dma_start3A_64 = tpu.memref_slice %arg5[%arg0, %mul3A_0, %dma_start3A_63] : memref<2x10240x128xf32, #tpu.memory_space<hbm>> -> memref<1x640x128xf32, #tpu.memory_space<hbm>>
      %dma_start3A_65 = tpu.memref_squeeze %dma_start3A_64 : memref<1x640x128xf32, #tpu.memory_space<hbm>> -> memref<640x128xf32, #tpu.memory_space<hbm>>
      %dma_start3A_66 = arith.constant 0 : i32
      %dma_start3A_67 = tpu.memref_slice %arg10[%mul3A_0, %dma_start3A_66] : memref<10240x128xf32, #tpu.memory_space<vmem_shared>> -> memref<640x128xf32, #tpu.memory_space<vmem_shared>>
      tpu.enqueue_dma source(%dma_start3A_67 : memref<640x128xf32, #tpu.memory_space<vmem_shared>>) target(%dma_start3A_65 : memref<640x128xf32, #tpu.memory_space<hbm>>) target_semaphore(%run_scoped3A : memref<!tpu.dma_semaphore, #tpu.memory_space<semaphore_mem>>)
      %dma_wait3A_68 = arith.constant 0 : i32
      %dma_wait3A_69 = tpu.memref_slice %arg5[%arg0, %mul3A_0, %dma_wait3A_68] : memref<2x10240x128xf32, #tpu.memory_space<hbm>> -> memref<1x640x128xf32, #tpu.memory_space<hbm>>
      %dma_wait3A_70 = tpu.memref_squeeze %dma_wait3A_69 : memref<1x640x128xf32, #tpu.memory_space<hbm>> -> memref<640x128xf32, #tpu.memory_space<hbm>>
      %dma_wait3A_71 = arith.constant 0 : i32
      %dma_wait3A_72 = tpu.memref_slice %arg10[%mul3A_0, %dma_wait3A_71] : memref<10240x128xf32, #tpu.memory_space<vmem_shared>> -> memref<640x128xf32, #tpu.memory_space<vmem_shared>>
      tpu.wait_dma2 semaphore(%run_scoped3A : memref<!tpu.dma_semaphore, #tpu.memory_space<semaphore_mem>>) src(%dma_wait3A_72 : memref<640x128xf32, #tpu.memory_space<vmem_shared>>) dst(%dma_wait3A_70 : memref<640x128xf32, #tpu.memory_space<hbm>>)
      tpu.yield
    }) : () -> ()
    return
  }
}

#map = affine_map<(d0, d1) -> (0, 0)>
#map1 = affine_map<(d0, d1) -> (0, 0, 0)>
module attributes {stable_mosaic.version = 14 : i64} {
  func.func @_degree_body(%arg0: i32, %arg1: i32, %arg2: memref<2560x128xi32, #tpu.memory_space<hbm>>, %arg3: memref<2x10240x128xf32, #tpu.memory_space<hbm>>, %arg4: memref<80x128xi32, #tpu.memory_space<vmem>>, %arg5: memref<128x128xf32, #tpu.memory_space<vmem>>, %arg6: memref<10240x128xf32, #tpu.memory_space<vmem_shared>>) attributes {dimension_semantics = [#tpu.dimension_semantics<core_parallel>, #tpu.dimension_semantics<subcore_parallel>], iteration_bounds = array<i64: 2, 16>, scalar_prefetch = 0 : i64, scratch_operands = 3 : i64, tpu.core_type = #tpu.core_type<sc_vector_subcore>, window_params = [{transform_indices = #map}, {transform_indices = #map1}]} {
    %mul3A = arith.constant 640 : i32
    %mul3A_0 = arith.muli %arg1, %mul3A : i32
    %scan3A = arith.constant 0 : i32
    %scan3A_1 = arith.constant 0 : i32
    %scan3A_2 = arith.constant 128 : i32
    %scan3A_3 = arith.addi %scan3A_1, %scan3A_2 : i32
    %scan3A_4 = arith.constant 1 : i32
    %scan3A_5 = scf.for %scan3A_37 = %scan3A_1 to %scan3A_3 step %scan3A_4 iter_args(%scan3A_38 = %scan3A) -> (i32)  : i32 {
      %broadcast_in_dim3A_39 = arith.constant 0.000000e+00 : f32
      %broadcast_in_dim3A_40 = vector.broadcast %broadcast_in_dim3A_39 : f32 to vector<16xf32>
      %swap3A = arith.index_cast %scan3A_37 : i32 to index
      %swap3A_41 = arith.constant 0 : index
      %swap3A_42 = tpu.vector_load %arg5[%swap3A, %swap3A_41] {strides = array<i32>} : memref<128x128xf32, #tpu.memory_space<vmem>>, vector<1x16xf32>,
      %swap3A_43 = vector.shape_cast %swap3A_42 : vector<1x16xf32> to vector<16xf32>
      %swap3A_44 = vector.shape_cast %broadcast_in_dim3A_40 : vector<16xf32> to vector<1x16xf32>
      tpu.vector_store %arg5[%swap3A, %swap3A_41], %swap3A_44 {strides = array<i32>} : memref<128x128xf32, #tpu.memory_space<vmem>>, vector<1x16xf32>,
      %broadcast_in_dim3A_45 = arith.constant 0.000000e+00 : f32
      %broadcast_in_dim3A_46 = vector.broadcast %broadcast_in_dim3A_45 : f32 to vector<16xf32>
      %swap3A_47 = arith.index_cast %scan3A_37 : i32 to index
      %swap3A_48 = arith.constant 16 : index
      %swap3A_49 = tpu.vector_load %arg5[%swap3A_47, %swap3A_48] {strides = array<i32>} : memref<128x128xf32, #tpu.memory_space<vmem>>, vector<1x16xf32>,
      %swap3A_50 = vector.shape_cast %swap3A_49 : vector<1x16xf32> to vector<16xf32>
      %swap3A_51 = vector.shape_cast %broadcast_in_dim3A_46 : vector<16xf32> to vector<1x16xf32>
      tpu.vector_store %arg5[%swap3A_47, %swap3A_48], %swap3A_51 {strides = array<i32>} : memref<128x128xf32, #tpu.memory_space<vmem>>, vector<1x16xf32>,
      %broadcast_in_dim3A_52 = arith.constant 0.000000e+00 : f32
      %broadcast_in_dim3A_53 = vector.broadcast %broadcast_in_dim3A_52 : f32 to vector<16xf32>
      %swap3A_54 = arith.index_cast %scan3A_37 : i32 to index
      %swap3A_55 = arith.constant 32 : index
      %swap3A_56 = tpu.vector_load %arg5[%swap3A_54, %swap3A_55] {strides = array<i32>} : memref<128x128xf32, #tpu.memory_space<vmem>>, vector<1x16xf32>,
      %swap3A_57 = vector.shape_cast %swap3A_56 : vector<1x16xf32> to vector<16xf32>
      %swap3A_58 = vector.shape_cast %broadcast_in_dim3A_53 : vector<16xf32> to vector<1x16xf32>
      tpu.vector_store %arg5[%swap3A_54, %swap3A_55], %swap3A_58 {strides = array<i32>} : memref<128x128xf32, #tpu.memory_space<vmem>>, vector<1x16xf32>,
      %broadcast_in_dim3A_59 = arith.constant 0.000000e+00 : f32
      %broadcast_in_dim3A_60 = vector.broadcast %broadcast_in_dim3A_59 : f32 to vector<16xf32>
      %swap3A_61 = arith.index_cast %scan3A_37 : i32 to index
      %swap3A_62 = arith.constant 48 : index
      %swap3A_63 = tpu.vector_load %arg5[%swap3A_61, %swap3A_62] {strides = array<i32>} : memref<128x128xf32, #tpu.memory_space<vmem>>, vector<1x16xf32>,
      %swap3A_64 = vector.shape_cast %swap3A_63 : vector<1x16xf32> to vector<16xf32>
      %swap3A_65 = vector.shape_cast %broadcast_in_dim3A_60 : vector<16xf32> to vector<1x16xf32>
      tpu.vector_store %arg5[%swap3A_61, %swap3A_62], %swap3A_65 {strides = array<i32>} : memref<128x128xf32, #tpu.memory_space<vmem>>, vector<1x16xf32>,
      %broadcast_in_dim3A_66 = arith.constant 0.000000e+00 : f32
      %broadcast_in_dim3A_67 = vector.broadcast %broadcast_in_dim3A_66 : f32 to vector<16xf32>
      %swap3A_68 = arith.index_cast %scan3A_37 : i32 to index
      %swap3A_69 = arith.constant 64 : index
      %swap3A_70 = tpu.vector_load %arg5[%swap3A_68, %swap3A_69] {strides = array<i32>} : memref<128x128xf32, #tpu.memory_space<vmem>>, vector<1x16xf32>,
      %swap3A_71 = vector.shape_cast %swap3A_70 : vector<1x16xf32> to vector<16xf32>
      %swap3A_72 = vector.shape_cast %broadcast_in_dim3A_67 : vector<16xf32> to vector<1x16xf32>
      tpu.vector_store %arg5[%swap3A_68, %swap3A_69], %swap3A_72 {strides = array<i32>} : memref<128x128xf32, #tpu.memory_space<vmem>>, vector<1x16xf32>,
      %broadcast_in_dim3A_73 = arith.constant 0.000000e+00 : f32
      %broadcast_in_dim3A_74 = vector.broadcast %broadcast_in_dim3A_73 : f32 to vector<16xf32>
      %swap3A_75 = arith.index_cast %scan3A_37 : i32 to index
      %swap3A_76 = arith.constant 80 : index
      %swap3A_77 = tpu.vector_load %arg5[%swap3A_75, %swap3A_76] {strides = array<i32>} : memref<128x128xf32, #tpu.memory_space<vmem>>, vector<1x16xf32>,
      %swap3A_78 = vector.shape_cast %swap3A_77 : vector<1x16xf32> to vector<16xf32>
      %swap3A_79 = vector.shape_cast %broadcast_in_dim3A_74 : vector<16xf32> to vector<1x16xf32>
      tpu.vector_store %arg5[%swap3A_75, %swap3A_76], %swap3A_79 {strides = array<i32>} : memref<128x128xf32, #tpu.memory_space<vmem>>, vector<1x16xf32>,
      %broadcast_in_dim3A_80 = arith.constant 0.000000e+00 : f32
      %broadcast_in_dim3A_81 = vector.broadcast %broadcast_in_dim3A_80 : f32 to vector<16xf32>
      %swap3A_82 = arith.index_cast %scan3A_37 : i32 to index
      %swap3A_83 = arith.constant 96 : index
      %swap3A_84 = tpu.vector_load %arg5[%swap3A_82, %swap3A_83] {strides = array<i32>} : memref<128x128xf32, #tpu.memory_space<vmem>>, vector<1x16xf32>,
      %swap3A_85 = vector.shape_cast %swap3A_84 : vector<1x16xf32> to vector<16xf32>
      %swap3A_86 = vector.shape_cast %broadcast_in_dim3A_81 : vector<16xf32> to vector<1x16xf32>
      tpu.vector_store %arg5[%swap3A_82, %swap3A_83], %swap3A_86 {strides = array<i32>} : memref<128x128xf32, #tpu.memory_space<vmem>>, vector<1x16xf32>,
      %broadcast_in_dim3A_87 = arith.constant 0.000000e+00 : f32
      %broadcast_in_dim3A_88 = vector.broadcast %broadcast_in_dim3A_87 : f32 to vector<16xf32>
      %swap3A_89 = arith.index_cast %scan3A_37 : i32 to index
      %swap3A_90 = arith.constant 112 : index
      %swap3A_91 = tpu.vector_load %arg5[%swap3A_89, %swap3A_90] {strides = array<i32>} : memref<128x128xf32, #tpu.memory_space<vmem>>, vector<1x16xf32>,
      %swap3A_92 = vector.shape_cast %swap3A_91 : vector<1x16xf32> to vector<16xf32>
      %swap3A_93 = vector.shape_cast %broadcast_in_dim3A_88 : vector<16xf32> to vector<1x16xf32>
      tpu.vector_store %arg5[%swap3A_89, %swap3A_90], %swap3A_93 {strides = array<i32>} : memref<128x128xf32, #tpu.memory_space<vmem>>, vector<1x16xf32>,
      %scan3A_94 = arith.constant 0 : i32
      scf.yield %scan3A_94 : i32
    }
    %scan3A_6 = arith.constant 128 : i32
    %scan3A_7 = arith.constant 0 : i32
    %scan3A_8 = arith.constant 0 : i32
    %scan3A_9 = arith.constant 5 : i32
    %scan3A_10 = arith.addi %scan3A_8, %scan3A_9 : i32
    %scan3A_11 = arith.constant 1 : i32
    %scan3A_12 = scf.for %scan3A_37 = %scan3A_8 to %scan3A_10 step %scan3A_11 iter_args(%scan3A_38 = %scan3A_7) -> (i32)  : i32 {
      %mul3A_39 = arith.constant 128 : i32
      %mul3A_40 = arith.muli %scan3A_37, %mul3A_39 : i32
      %add3A_41 = arith.addi %mul3A_0, %mul3A_40 : i32
      "tpu.region"() ({
        %run_scoped3A = tpu.sem_alloc : memref<!tpu.dma_semaphore, #tpu.memory_space<semaphore_mem>>
        %dma_start3A = arith.constant 0 : i32
        %dma_start3A_43 = tpu.memref_slice %arg6[%add3A_41, %dma_start3A] : memref<10240x128xf32, #tpu.memory_space<vmem_shared>> -> memref<128x128xf32, #tpu.memory_space<vmem_shared>>
        %dma_start3A_44 = arith.constant 0 : i32
        %dma_start3A_45 = tpu.memref_slice %arg6[%add3A_41, %dma_start3A_44] : memref<10240x128xf32, #tpu.memory_space<vmem_shared>> -> memref<128x128xf32, #tpu.memory_space<vmem_shared>>
        tpu.enqueue_dma source(%arg5 : memref<128x128xf32, #tpu.memory_space<vmem>>) target(%dma_start3A_45 : memref<128x128xf32, #tpu.memory_space<vmem_shared>>) target_semaphore(%run_scoped3A : memref<!tpu.dma_semaphore, #tpu.memory_space<semaphore_mem>>)
        %dma_wait3A = arith.constant 0 : i32
        %dma_wait3A_46 = tpu.memref_slice %arg6[%add3A_41, %dma_wait3A] : memref<10240x128xf32, #tpu.memory_space<vmem_shared>> -> memref<128x128xf32, #tpu.memory_space<vmem_shared>>
        %dma_wait3A_47 = arith.constant 0 : i32
        %dma_wait3A_48 = tpu.memref_slice %arg6[%add3A_41, %dma_wait3A_47] : memref<10240x128xf32, #tpu.memory_space<vmem_shared>> -> memref<128x128xf32, #tpu.memory_space<vmem_shared>>
        tpu.wait_dma2 semaphore(%run_scoped3A : memref<!tpu.dma_semaphore, #tpu.memory_space<semaphore_mem>>) src(%arg5 : memref<128x128xf32, #tpu.memory_space<vmem>>) dst(%dma_wait3A_48 : memref<128x128xf32, #tpu.memory_space<vmem_shared>>)
        tpu.yield
      }) : () -> ()
      %scan3A_42 = arith.constant 0 : i32
      scf.yield %scan3A_42 : i32
    }
    %scan3A_13 = arith.constant 5 : i32
    %iota3A = tpu.iota {dimensions = array<i32: 0>} : vector<16xi32>
    %eq3A = arith.constant 0 : i32
    %eq3A_14 = vector.broadcast %eq3A : i32 to vector<16xi32>
    %eq3A_15 = arith.cmpi eq, %iota3A, %eq3A_14 : vector<16xi32>
    %jit3A = arith.constant 1.000000e+00 : f32
    %jit3A_16 = arith.constant 0.000000e+00 : f32
    %broadcast_in_dim3A = vector.broadcast %jit3A : f32 to vector<16xf32>
    %broadcast_in_dim3A_17 = vector.broadcast %jit3A_16 : f32 to vector<16xf32>
    %select_n3A = arith.select %eq3A_15, %broadcast_in_dim3A, %broadcast_in_dim3A_17 : vector<16xi1>, vector<16xf32>
    %scan3A_18 = arith.constant 0 : i32
    %scan3A_19 = arith.constant 0 : i32
    %scan3A_20 = arith.constant 128 : i32
    %scan3A_21 = arith.addi %scan3A_19, %scan3A_20 : i32
    %scan3A_22 = arith.constant 1 : i32
    %scan3A_23 = scf.for %scan3A_37 = %scan3A_19 to %scan3A_21 step %scan3A_22 iter_args(%scan3A_38 = %scan3A_18) -> (i32)  : i32 {
      %swap3A = arith.index_cast %scan3A_37 : i32 to index
      %swap3A_39 = arith.constant 0 : index
      %swap3A_40 = tpu.vector_load %arg5[%swap3A, %swap3A_39] {strides = array<i32>} : memref<128x128xf32, #tpu.memory_space<vmem>>, vector<1x16xf32>,
      %swap3A_41 = vector.shape_cast %swap3A_40 : vector<1x16xf32> to vector<16xf32>
      %swap3A_42 = vector.shape_cast %select_n3A : vector<16xf32> to vector<1x16xf32>
      tpu.vector_store %arg5[%swap3A, %swap3A_39], %swap3A_42 {strides = array<i32>} : memref<128x128xf32, #tpu.memory_space<vmem>>, vector<1x16xf32>,
      %scan3A_43 = arith.constant 0 : i32
      scf.yield %scan3A_43 : i32
    }
    %scan3A_24 = arith.constant 128 : i32
    %barrier3A = arith.constant 0 : index
    tpu.barrier barrier_id(%barrier3A)
    %mul3A_25 = arith.constant 16 : i32
    %mul3A_26 = arith.muli %arg0, %mul3A_25 : i32
    %add3A = arith.addi %mul3A_26, %arg1 : i32
    %mul3A_27 = arith.constant 80 : i32
    %mul3A_28 = arith.muli %add3A, %mul3A_27 : i32
    "tpu.region"() ({
      %run_scoped3A = tpu.sem_alloc : memref<!tpu.dma_semaphore, #tpu.memory_space<semaphore_mem>>
      %dma_start3A = arith.constant 0 : i32
      %dma_start3A_37 = tpu.memref_slice %arg2[%mul3A_28, %dma_start3A] : memref<2560x128xi32, #tpu.memory_space<hbm>> -> memref<80x128xi32, #tpu.memory_space<hbm>>
      %dma_start3A_38 = arith.constant 0 : i32
      %dma_start3A_39 = tpu.memref_slice %arg2[%mul3A_28, %dma_start3A_38] : memref<2560x128xi32, #tpu.memory_space<hbm>> -> memref<80x128xi32, #tpu.memory_space<hbm>>
      tpu.enqueue_dma source(%dma_start3A_39 : memref<80x128xi32, #tpu.memory_space<hbm>>) target(%arg4 : memref<80x128xi32, #tpu.memory_space<vmem>>) target_semaphore(%run_scoped3A : memref<!tpu.dma_semaphore, #tpu.memory_space<semaphore_mem>>)
      %dma_wait3A = arith.constant 0 : i32
      %dma_wait3A_40 = tpu.memref_slice %arg2[%mul3A_28, %dma_wait3A] : memref<2560x128xi32, #tpu.memory_space<hbm>> -> memref<80x128xi32, #tpu.memory_space<hbm>>
      %dma_wait3A_41 = arith.constant 0 : i32
      %dma_wait3A_42 = tpu.memref_slice %arg2[%mul3A_28, %dma_wait3A_41] : memref<2560x128xi32, #tpu.memory_space<hbm>> -> memref<80x128xi32, #tpu.memory_space<hbm>>
      tpu.wait_dma2 semaphore(%run_scoped3A : memref<!tpu.dma_semaphore, #tpu.memory_space<semaphore_mem>>) src(%dma_wait3A_42 : memref<80x128xi32, #tpu.memory_space<hbm>>) dst(%arg4 : memref<80x128xi32, #tpu.memory_space<vmem>>)
      tpu.yield
    }) : () -> ()
    %scan3A_29 = arith.constant 0 : i32
    %scan3A_30 = arith.constant 0 : i32
    %scan3A_31 = arith.constant 80 : i32
    %scan3A_32 = arith.addi %scan3A_30, %scan3A_31 : i32
    %scan3A_33 = arith.constant 1 : i32
    %scan3A_34 = scf.for %scan3A_37 = %scan3A_30 to %scan3A_32 step %scan3A_33 iter_args(%scan3A_38 = %scan3A_29) -> (i32)  : i32 {
      "tpu.region"() ({
        %run_scoped3A = tpu.sem_alloc : memref<!tpu.dma_semaphore, #tpu.memory_space<semaphore_mem>>
        %dma_start3A = arith.constant 0 : i32
        %dma_start3A_40 = tpu.memref_slice %arg4[%scan3A_37, %dma_start3A] : memref<80x128xi32, #tpu.memory_space<vmem>> -> memref<1x128xi32, #tpu.memory_space<vmem>>
        %dma_start3A_41 = tpu.memref_squeeze %dma_start3A_40 : memref<1x128xi32, #tpu.memory_space<vmem>> -> memref<128xi32, #tpu.memory_space<vmem>>
        %dma_start3A_42 = arith.constant 0 : i32
        %dma_start3A_43 = arith.constant 0 : i32
        %dma_start3A_44 = tpu.memref_slice %arg6[%dma_start3A_42, %dma_start3A_43] : memref<10240x128xf32, #tpu.memory_space<vmem_shared>> -> memref<10240x128xf32, #tpu.memory_space<vmem_shared>>
        tpu.enqueue_indirect_dma source(%arg5 : memref<128x128xf32, #tpu.memory_space<vmem>>) target(%dma_start3A_44 : memref<10240x128xf32, #tpu.memory_space<vmem_shared>>) offsets(%dma_start3A_41 : memref<128xi32, #tpu.memory_space<vmem>>) semaphore(%run_scoped3A : memref<!tpu.dma_semaphore, #tpu.memory_space<semaphore_mem>>) {add = true}
        %dma_wait3A = arith.constant 0 : i32
        %dma_wait3A_45 = tpu.memref_slice %arg4[%scan3A_37, %dma_wait3A] : memref<80x128xi32, #tpu.memory_space<vmem>> -> memref<1x128xi32, #tpu.memory_space<vmem>>
        %dma_wait3A_46 = tpu.memref_squeeze %dma_wait3A_45 : memref<1x128xi32, #tpu.memory_space<vmem>> -> memref<128xi32, #tpu.memory_space<vmem>>
        %dma_wait3A_47 = arith.constant 0 : i32
        %dma_wait3A_48 = arith.constant 0 : i32
        %dma_wait3A_49 = tpu.memref_slice %arg6[%dma_wait3A_47, %dma_wait3A_48] : memref<10240x128xf32, #tpu.memory_space<vmem_shared>> -> memref<10240x128xf32, #tpu.memory_space<vmem_shared>>
        tpu.wait_indirect_dma semaphore(%run_scoped3A : memref<!tpu.dma_semaphore, #tpu.memory_space<semaphore_mem>>) src(%arg5 : memref<128x128xf32, #tpu.memory_space<vmem>>) dst(%dma_wait3A_49 : memref<10240x128xf32, #tpu.memory_space<vmem_shared>>)
        tpu.yield
      }) : () -> ()
      %scan3A_39 = arith.constant 0 : i32
      scf.yield %scan3A_39 : i32
    }
    %scan3A_35 = arith.constant 80 : i32
    %barrier3A_36 = arith.constant 0 : index
    tpu.barrier barrier_id(%barrier3A_36)
    "tpu.region"() ({
      %run_scoped3A = tpu.sem_alloc : memref<!tpu.dma_semaphore, #tpu.memory_space<semaphore_mem>>
      %dma_start3A = arith.constant 0 : i32
      %dma_start3A_37 = tpu.memref_slice %arg3[%arg0, %mul3A_0, %dma_start3A] : memref<2x10240x128xf32, #tpu.memory_space<hbm>> -> memref<1x640x128xf32, #tpu.memory_space<hbm>>
      %dma_start3A_38 = tpu.memref_squeeze %dma_start3A_37 : memref<1x640x128xf32, #tpu.memory_space<hbm>> -> memref<640x128xf32, #tpu.memory_space<hbm>>
      %dma_start3A_39 = arith.constant 0 : i32
      %dma_start3A_40 = tpu.memref_slice %arg6[%mul3A_0, %dma_start3A_39] : memref<10240x128xf32, #tpu.memory_space<vmem_shared>> -> memref<640x128xf32, #tpu.memory_space<vmem_shared>>
      tpu.enqueue_dma source(%dma_start3A_40 : memref<640x128xf32, #tpu.memory_space<vmem_shared>>) target(%dma_start3A_38 : memref<640x128xf32, #tpu.memory_space<hbm>>) target_semaphore(%run_scoped3A : memref<!tpu.dma_semaphore, #tpu.memory_space<semaphore_mem>>)
      %dma_wait3A = arith.constant 0 : i32
      %dma_wait3A_41 = tpu.memref_slice %arg3[%arg0, %mul3A_0, %dma_wait3A] : memref<2x10240x128xf32, #tpu.memory_space<hbm>> -> memref<1x640x128xf32, #tpu.memory_space<hbm>>
      %dma_wait3A_42 = tpu.memref_squeeze %dma_wait3A_41 : memref<1x640x128xf32, #tpu.memory_space<hbm>> -> memref<640x128xf32, #tpu.memory_space<hbm>>
      %dma_wait3A_43 = arith.constant 0 : i32
      %dma_wait3A_44 = tpu.memref_slice %arg6[%mul3A_0, %dma_wait3A_43] : memref<10240x128xf32, #tpu.memory_space<vmem_shared>> -> memref<640x128xf32, #tpu.memory_space<vmem_shared>>
      tpu.wait_dma2 semaphore(%run_scoped3A : memref<!tpu.dma_semaphore, #tpu.memory_space<semaphore_mem>>) src(%dma_wait3A_44 : memref<640x128xf32, #tpu.memory_space<vmem_shared>>) dst(%dma_wait3A_42 : memref<640x128xf32, #tpu.memory_space<hbm>>)
      tpu.yield
    }) : () -> ()
    return
  }
}

#map = affine_map<(d0, d1) -> (0, 0)>
#map1 = affine_map<(d0, d1) -> (0, 0, 0)>
module attributes {stable_mosaic.version = 14 : i64} {
  func.func @agg_body(%arg0: i32, %arg1: i32, %arg2: memref<10240x128xf32, #tpu.memory_space<hbm>>, %arg3: memref<2560x128xi32, #tpu.memory_space<hbm>>, %arg4: memref<2560x128xi32, #tpu.memory_space<hbm>>, %arg5: memref<2x10240x128xf32, #tpu.memory_space<hbm>>, %arg6: memref<40x128xi32, #tpu.memory_space<vmem>>, %arg7: memref<40x128xi32, #tpu.memory_space<vmem>>, %arg8: memref<128x128xf32, #tpu.memory_space<vmem>>, %arg9: memref<128x128xf32, #tpu.memory_space<vmem>>, %arg10: memref<10240x128xf32, #tpu.memory_space<vmem_shared>>, %arg11: memref<!tpu.dma_semaphore, #tpu.memory_space<semaphore_mem>>, %arg12: memref<!tpu.dma_semaphore, #tpu.memory_space<semaphore_mem>>) attributes {dimension_semantics = [#tpu.dimension_semantics<core_parallel>, #tpu.dimension_semantics<subcore_parallel>], iteration_bounds = array<i64: 2, 16>, scalar_prefetch = 0 : i64, scratch_operands = 7 : i64, tpu.core_type = #tpu.core_type<sc_vector_subcore>, window_params = [{transform_indices = #map}, {transform_indices = #map}, {transform_indices = #map}, {transform_indices = #map1}]} {
    %mul3A = arith.constant 640 : i32
    %mul3A_0 = arith.muli %arg1, %mul3A : i32
    %scan3A = arith.constant 0 : i32
    %scan3A_1 = arith.constant 0 : i32
    %scan3A_2 = arith.constant 128 : i32
    %scan3A_3 = arith.addi %scan3A_1, %scan3A_2 : i32
    %scan3A_4 = arith.constant 1 : i32
    %scan3A_5 = scf.for %scan3A_63 = %scan3A_1 to %scan3A_3 step %scan3A_4 iter_args(%scan3A_64 = %scan3A) -> (i32)  : i32 {
      %broadcast_in_dim3A = arith.constant 0.000000e+00 : f32
      %broadcast_in_dim3A_65 = vector.broadcast %broadcast_in_dim3A : f32 to vector<16xf32>
      %swap3A = arith.index_cast %scan3A_63 : i32 to index
      %swap3A_66 = arith.constant 0 : index
      %swap3A_67 = tpu.vector_load %arg8[%swap3A, %swap3A_66] {strides = array<i32>} : memref<128x128xf32, #tpu.memory_space<vmem>>, vector<1x16xf32>,
      %swap3A_68 = vector.shape_cast %swap3A_67 : vector<1x16xf32> to vector<16xf32>
      %swap3A_69 = vector.shape_cast %broadcast_in_dim3A_65 : vector<16xf32> to vector<1x16xf32>
      tpu.vector_store %arg8[%swap3A, %swap3A_66], %swap3A_69 {strides = array<i32>} : memref<128x128xf32, #tpu.memory_space<vmem>>, vector<1x16xf32>,
      %broadcast_in_dim3A_70 = arith.constant 0.000000e+00 : f32
      %broadcast_in_dim3A_71 = vector.broadcast %broadcast_in_dim3A_70 : f32 to vector<16xf32>
      %swap3A_72 = arith.index_cast %scan3A_63 : i32 to index
      %swap3A_73 = arith.constant 16 : index
      %swap3A_74 = tpu.vector_load %arg8[%swap3A_72, %swap3A_73] {strides = array<i32>} : memref<128x128xf32, #tpu.memory_space<vmem>>, vector<1x16xf32>,
      %swap3A_75 = vector.shape_cast %swap3A_74 : vector<1x16xf32> to vector<16xf32>
      %swap3A_76 = vector.shape_cast %broadcast_in_dim3A_71 : vector<16xf32> to vector<1x16xf32>
      tpu.vector_store %arg8[%swap3A_72, %swap3A_73], %swap3A_76 {strides = array<i32>} : memref<128x128xf32, #tpu.memory_space<vmem>>, vector<1x16xf32>,
      %broadcast_in_dim3A_77 = arith.constant 0.000000e+00 : f32
      %broadcast_in_dim3A_78 = vector.broadcast %broadcast_in_dim3A_77 : f32 to vector<16xf32>
      %swap3A_79 = arith.index_cast %scan3A_63 : i32 to index
      %swap3A_80 = arith.constant 32 : index
      %swap3A_81 = tpu.vector_load %arg8[%swap3A_79, %swap3A_80] {strides = array<i32>} : memref<128x128xf32, #tpu.memory_space<vmem>>, vector<1x16xf32>,
      %swap3A_82 = vector.shape_cast %swap3A_81 : vector<1x16xf32> to vector<16xf32>
      %swap3A_83 = vector.shape_cast %broadcast_in_dim3A_78 : vector<16xf32> to vector<1x16xf32>
      tpu.vector_store %arg8[%swap3A_79, %swap3A_80], %swap3A_83 {strides = array<i32>} : memref<128x128xf32, #tpu.memory_space<vmem>>, vector<1x16xf32>,
      %broadcast_in_dim3A_84 = arith.constant 0.000000e+00 : f32
      %broadcast_in_dim3A_85 = vector.broadcast %broadcast_in_dim3A_84 : f32 to vector<16xf32>
      %swap3A_86 = arith.index_cast %scan3A_63 : i32 to index
      %swap3A_87 = arith.constant 48 : index
      %swap3A_88 = tpu.vector_load %arg8[%swap3A_86, %swap3A_87] {strides = array<i32>} : memref<128x128xf32, #tpu.memory_space<vmem>>, vector<1x16xf32>,
      %swap3A_89 = vector.shape_cast %swap3A_88 : vector<1x16xf32> to vector<16xf32>
      %swap3A_90 = vector.shape_cast %broadcast_in_dim3A_85 : vector<16xf32> to vector<1x16xf32>
      tpu.vector_store %arg8[%swap3A_86, %swap3A_87], %swap3A_90 {strides = array<i32>} : memref<128x128xf32, #tpu.memory_space<vmem>>, vector<1x16xf32>,
      %broadcast_in_dim3A_91 = arith.constant 0.000000e+00 : f32
      %broadcast_in_dim3A_92 = vector.broadcast %broadcast_in_dim3A_91 : f32 to vector<16xf32>
      %swap3A_93 = arith.index_cast %scan3A_63 : i32 to index
      %swap3A_94 = arith.constant 64 : index
      %swap3A_95 = tpu.vector_load %arg8[%swap3A_93, %swap3A_94] {strides = array<i32>} : memref<128x128xf32, #tpu.memory_space<vmem>>, vector<1x16xf32>,
      %swap3A_96 = vector.shape_cast %swap3A_95 : vector<1x16xf32> to vector<16xf32>
      %swap3A_97 = vector.shape_cast %broadcast_in_dim3A_92 : vector<16xf32> to vector<1x16xf32>
      tpu.vector_store %arg8[%swap3A_93, %swap3A_94], %swap3A_97 {strides = array<i32>} : memref<128x128xf32, #tpu.memory_space<vmem>>, vector<1x16xf32>,
      %broadcast_in_dim3A_98 = arith.constant 0.000000e+00 : f32
      %broadcast_in_dim3A_99 = vector.broadcast %broadcast_in_dim3A_98 : f32 to vector<16xf32>
      %swap3A_100 = arith.index_cast %scan3A_63 : i32 to index
      %swap3A_101 = arith.constant 80 : index
      %swap3A_102 = tpu.vector_load %arg8[%swap3A_100, %swap3A_101] {strides = array<i32>} : memref<128x128xf32, #tpu.memory_space<vmem>>, vector<1x16xf32>,
      %swap3A_103 = vector.shape_cast %swap3A_102 : vector<1x16xf32> to vector<16xf32>
      %swap3A_104 = vector.shape_cast %broadcast_in_dim3A_99 : vector<16xf32> to vector<1x16xf32>
      tpu.vector_store %arg8[%swap3A_100, %swap3A_101], %swap3A_104 {strides = array<i32>} : memref<128x128xf32, #tpu.memory_space<vmem>>, vector<1x16xf32>,
      %broadcast_in_dim3A_105 = arith.constant 0.000000e+00 : f32
      %broadcast_in_dim3A_106 = vector.broadcast %broadcast_in_dim3A_105 : f32 to vector<16xf32>
      %swap3A_107 = arith.index_cast %scan3A_63 : i32 to index
      %swap3A_108 = arith.constant 96 : index
      %swap3A_109 = tpu.vector_load %arg8[%swap3A_107, %swap3A_108] {strides = array<i32>} : memref<128x128xf32, #tpu.memory_space<vmem>>, vector<1x16xf32>,
      %swap3A_110 = vector.shape_cast %swap3A_109 : vector<1x16xf32> to vector<16xf32>
      %swap3A_111 = vector.shape_cast %broadcast_in_dim3A_106 : vector<16xf32> to vector<1x16xf32>
      tpu.vector_store %arg8[%swap3A_107, %swap3A_108], %swap3A_111 {strides = array<i32>} : memref<128x128xf32, #tpu.memory_space<vmem>>, vector<1x16xf32>,
      %broadcast_in_dim3A_112 = arith.constant 0.000000e+00 : f32
      %broadcast_in_dim3A_113 = vector.broadcast %broadcast_in_dim3A_112 : f32 to vector<16xf32>
      %swap3A_114 = arith.index_cast %scan3A_63 : i32 to index
      %swap3A_115 = arith.constant 112 : index
      %swap3A_116 = tpu.vector_load %arg8[%swap3A_114, %swap3A_115] {strides = array<i32>} : memref<128x128xf32, #tpu.memory_space<vmem>>, vector<1x16xf32>,
      %swap3A_117 = vector.shape_cast %swap3A_116 : vector<1x16xf32> to vector<16xf32>
      %swap3A_118 = vector.shape_cast %broadcast_in_dim3A_113 : vector<16xf32> to vector<1x16xf32>
      tpu.vector_store %arg8[%swap3A_114, %swap3A_115], %swap3A_118 {strides = array<i32>} : memref<128x128xf32, #tpu.memory_space<vmem>>, vector<1x16xf32>,
      %scan3A_119 = arith.constant 0 : i32
      scf.yield %scan3A_119 : i32
    }
    %scan3A_6 = arith.constant 128 : i32
    %scan3A_7 = arith.constant 0 : i32
    %scan3A_8 = arith.constant 0 : i32
    %scan3A_9 = arith.constant 5 : i32
    %scan3A_10 = arith.addi %scan3A_8, %scan3A_9 : i32
    %scan3A_11 = arith.constant 1 : i32
    %scan3A_12 = scf.for %scan3A_63 = %scan3A_8 to %scan3A_10 step %scan3A_11 iter_args(%scan3A_64 = %scan3A_7) -> (i32)  : i32 {
      %mul3A_65 = arith.constant 128 : i32
      %mul3A_66 = arith.muli %scan3A_63, %mul3A_65 : i32
      %add3A_67 = arith.addi %mul3A_0, %mul3A_66 : i32
      "tpu.region"() ({
        %run_scoped3A = tpu.sem_alloc : memref<!tpu.dma_semaphore, #tpu.memory_space<semaphore_mem>>
        %dma_start3A_69 = arith.constant 0 : i32
        %dma_start3A_70 = tpu.memref_slice %arg10[%add3A_67, %dma_start3A_69] : memref<10240x128xf32, #tpu.memory_space<vmem_shared>> -> memref<128x128xf32, #tpu.memory_space<vmem_shared>>
        %dma_start3A_71 = arith.constant 0 : i32
        %dma_start3A_72 = tpu.memref_slice %arg10[%add3A_67, %dma_start3A_71] : memref<10240x128xf32, #tpu.memory_space<vmem_shared>> -> memref<128x128xf32, #tpu.memory_space<vmem_shared>>
        tpu.enqueue_dma source(%arg8 : memref<128x128xf32, #tpu.memory_space<vmem>>) target(%dma_start3A_72 : memref<128x128xf32, #tpu.memory_space<vmem_shared>>) target_semaphore(%run_scoped3A : memref<!tpu.dma_semaphore, #tpu.memory_space<semaphore_mem>>)
        %dma_wait3A_73 = arith.constant 0 : i32
        %dma_wait3A_74 = tpu.memref_slice %arg10[%add3A_67, %dma_wait3A_73] : memref<10240x128xf32, #tpu.memory_space<vmem_shared>> -> memref<128x128xf32, #tpu.memory_space<vmem_shared>>
        %dma_wait3A_75 = arith.constant 0 : i32
        %dma_wait3A_76 = tpu.memref_slice %arg10[%add3A_67, %dma_wait3A_75] : memref<10240x128xf32, #tpu.memory_space<vmem_shared>> -> memref<128x128xf32, #tpu.memory_space<vmem_shared>>
        tpu.wait_dma2 semaphore(%run_scoped3A : memref<!tpu.dma_semaphore, #tpu.memory_space<semaphore_mem>>) src(%arg8 : memref<128x128xf32, #tpu.memory_space<vmem>>) dst(%dma_wait3A_76 : memref<128x128xf32, #tpu.memory_space<vmem_shared>>)
        tpu.yield
      }) : () -> ()
      %scan3A_68 = arith.constant 0 : i32
      scf.yield %scan3A_68 : i32
    }
    %scan3A_13 = arith.constant 5 : i32
    %barrier3A = arith.constant 0 : index
    tpu.barrier barrier_id(%barrier3A)
    %mul3A_14 = arith.constant 16 : i32
    %mul3A_15 = arith.muli %arg0, %mul3A_14 : i32
    %add3A = arith.addi %mul3A_15, %arg1 : i32
    %mul3A_16 = arith.constant 80 : i32
    %mul3A_17 = arith.muli %add3A, %mul3A_16 : i32
    %add3A_18 = arith.constant 0 : i32
    %add3A_19 = arith.addi %mul3A_17, %add3A_18 : i32
    "tpu.region"() ({
      %run_scoped3A = tpu.sem_alloc : memref<!tpu.dma_semaphore, #tpu.memory_space<semaphore_mem>>
      %dma_start3A_63 = arith.constant 0 : i32
      %dma_start3A_64 = tpu.memref_slice %arg3[%add3A_19, %dma_start3A_63] : memref<2560x128xi32, #tpu.memory_space<hbm>> -> memref<40x128xi32, #tpu.memory_space<hbm>>
      %dma_start3A_65 = arith.constant 0 : i32
      %dma_start3A_66 = tpu.memref_slice %arg3[%add3A_19, %dma_start3A_65] : memref<2560x128xi32, #tpu.memory_space<hbm>> -> memref<40x128xi32, #tpu.memory_space<hbm>>
      tpu.enqueue_dma source(%dma_start3A_66 : memref<40x128xi32, #tpu.memory_space<hbm>>) target(%arg6 : memref<40x128xi32, #tpu.memory_space<vmem>>) target_semaphore(%run_scoped3A : memref<!tpu.dma_semaphore, #tpu.memory_space<semaphore_mem>>)
      %dma_wait3A_67 = arith.constant 0 : i32
      %dma_wait3A_68 = tpu.memref_slice %arg3[%add3A_19, %dma_wait3A_67] : memref<2560x128xi32, #tpu.memory_space<hbm>> -> memref<40x128xi32, #tpu.memory_space<hbm>>
      %dma_wait3A_69 = arith.constant 0 : i32
      %dma_wait3A_70 = tpu.memref_slice %arg3[%add3A_19, %dma_wait3A_69] : memref<2560x128xi32, #tpu.memory_space<hbm>> -> memref<40x128xi32, #tpu.memory_space<hbm>>
      tpu.wait_dma2 semaphore(%run_scoped3A : memref<!tpu.dma_semaphore, #tpu.memory_space<semaphore_mem>>) src(%dma_wait3A_70 : memref<40x128xi32, #tpu.memory_space<hbm>>) dst(%arg6 : memref<40x128xi32, #tpu.memory_space<vmem>>)
      tpu.yield
    }) : () -> ()
    "tpu.region"() ({
      %run_scoped3A = tpu.sem_alloc : memref<!tpu.dma_semaphore, #tpu.memory_space<semaphore_mem>>
      %dma_start3A_63 = arith.constant 0 : i32
      %dma_start3A_64 = tpu.memref_slice %arg4[%add3A_19, %dma_start3A_63] : memref<2560x128xi32, #tpu.memory_space<hbm>> -> memref<40x128xi32, #tpu.memory_space<hbm>>
      %dma_start3A_65 = arith.constant 0 : i32
      %dma_start3A_66 = tpu.memref_slice %arg4[%add3A_19, %dma_start3A_65] : memref<2560x128xi32, #tpu.memory_space<hbm>> -> memref<40x128xi32, #tpu.memory_space<hbm>>
      tpu.enqueue_dma source(%dma_start3A_66 : memref<40x128xi32, #tpu.memory_space<hbm>>) target(%arg7 : memref<40x128xi32, #tpu.memory_space<vmem>>) target_semaphore(%run_scoped3A : memref<!tpu.dma_semaphore, #tpu.memory_space<semaphore_mem>>)
      %dma_wait3A_67 = arith.constant 0 : i32
      %dma_wait3A_68 = tpu.memref_slice %arg4[%add3A_19, %dma_wait3A_67] : memref<2560x128xi32, #tpu.memory_space<hbm>> -> memref<40x128xi32, #tpu.memory_space<hbm>>
      %dma_wait3A_69 = arith.constant 0 : i32
      %dma_wait3A_70 = tpu.memref_slice %arg4[%add3A_19, %dma_wait3A_69] : memref<2560x128xi32, #tpu.memory_space<hbm>> -> memref<40x128xi32, #tpu.memory_space<hbm>>
      tpu.wait_dma2 semaphore(%run_scoped3A : memref<!tpu.dma_semaphore, #tpu.memory_space<semaphore_mem>>) src(%dma_wait3A_70 : memref<40x128xi32, #tpu.memory_space<hbm>>) dst(%arg7 : memref<40x128xi32, #tpu.memory_space<vmem>>)
      tpu.yield
    }) : () -> ()
    %dma_start3A = arith.constant 0 : i32
    %dma_start3A_20 = arith.constant 0 : i32
    %dma_start3A_21 = tpu.memref_slice %arg6[%dma_start3A, %dma_start3A_20] : memref<40x128xi32, #tpu.memory_space<vmem>> -> memref<1x128xi32, #tpu.memory_space<vmem>>
    %dma_start3A_22 = tpu.memref_squeeze %dma_start3A_21 : memref<1x128xi32, #tpu.memory_space<vmem>> -> memref<128xi32, #tpu.memory_space<vmem>>
    %dma_start3A_23 = arith.constant 0 : i32
    %dma_start3A_24 = arith.constant 0 : i32
    %dma_start3A_25 = tpu.memref_slice %arg2[%dma_start3A_23, %dma_start3A_24] : memref<10240x128xf32, #tpu.memory_space<hbm>> -> memref<10240x128xf32, #tpu.memory_space<hbm>>
    tpu.enqueue_indirect_dma source(%dma_start3A_25 : memref<10240x128xf32, #tpu.memory_space<hbm>>) target(%arg8 : memref<128x128xf32, #tpu.memory_space<vmem>>) offsets(%dma_start3A_22 : memref<128xi32, #tpu.memory_space<vmem>>) semaphore(%arg11 : memref<!tpu.dma_semaphore, #tpu.memory_space<semaphore_mem>>)
    %scan3A_26 = arith.constant 0 : i32
    %scan3A_27 = arith.constant 0 : i32
    %scan3A_28 = arith.constant 20 : i32
    %scan3A_29 = arith.addi %scan3A_27, %scan3A_28 : i32
    %scan3A_30 = arith.constant 1 : i32
    %scan3A_31 = scf.for %scan3A_63 = %scan3A_27 to %scan3A_29 step %scan3A_30 iter_args(%scan3A_64 = %scan3A_26) -> (i32)  : i32 {
      %mul3A_65 = arith.constant 2 : i32
      %mul3A_66 = arith.muli %mul3A_65, %scan3A_63 : i32
      %dma_wait3A_67 = arith.constant 0 : i32
      %dma_wait3A_68 = arith.constant 0 : i32
      %dma_wait3A_69 = tpu.memref_slice %arg6[%dma_wait3A_67, %dma_wait3A_68] : memref<40x128xi32, #tpu.memory_space<vmem>> -> memref<1x128xi32, #tpu.memory_space<vmem>>
      %dma_wait3A_70 = tpu.memref_squeeze %dma_wait3A_69 : memref<1x128xi32, #tpu.memory_space<vmem>> -> memref<128xi32, #tpu.memory_space<vmem>>
      %dma_wait3A_71 = arith.constant 0 : i32
      %dma_wait3A_72 = arith.constant 0 : i32
      %dma_wait3A_73 = tpu.memref_slice %arg2[%dma_wait3A_71, %dma_wait3A_72] : memref<10240x128xf32, #tpu.memory_space<hbm>> -> memref<10240x128xf32, #tpu.memory_space<hbm>>
      tpu.wait_indirect_dma semaphore(%arg11 : memref<!tpu.dma_semaphore, #tpu.memory_space<semaphore_mem>>) src(%dma_wait3A_73 : memref<10240x128xf32, #tpu.memory_space<hbm>>) dst(%arg8 : memref<128x128xf32, #tpu.memory_space<vmem>>)
      %add3A_74 = arith.constant 1 : i32
      %add3A_75 = arith.addi %mul3A_66, %add3A_74 : i32
      %dma_start3A_76 = arith.constant 0 : i32
      %dma_start3A_77 = tpu.memref_slice %arg6[%add3A_75, %dma_start3A_76] : memref<40x128xi32, #tpu.memory_space<vmem>> -> memref<1x128xi32, #tpu.memory_space<vmem>>
      %dma_start3A_78 = tpu.memref_squeeze %dma_start3A_77 : memref<1x128xi32, #tpu.memory_space<vmem>> -> memref<128xi32, #tpu.memory_space<vmem>>
      %dma_start3A_79 = arith.constant 0 : i32
      %dma_start3A_80 = arith.constant 0 : i32
      %dma_start3A_81 = tpu.memref_slice %arg2[%dma_start3A_79, %dma_start3A_80] : memref<10240x128xf32, #tpu.memory_space<hbm>> -> memref<10240x128xf32, #tpu.memory_space<hbm>>
      tpu.enqueue_indirect_dma source(%dma_start3A_81 : memref<10240x128xf32, #tpu.memory_space<hbm>>) target(%arg9 : memref<128x128xf32, #tpu.memory_space<vmem>>) offsets(%dma_start3A_78 : memref<128xi32, #tpu.memory_space<vmem>>) semaphore(%arg12 : memref<!tpu.dma_semaphore, #tpu.memory_space<semaphore_mem>>)
      "tpu.region"() ({
        %run_scoped3A = tpu.sem_alloc : memref<!tpu.dma_semaphore, #tpu.memory_space<semaphore_mem>>
        %dma_start3A_101 = arith.constant 0 : i32
        %dma_start3A_102 = tpu.memref_slice %arg7[%mul3A_66, %dma_start3A_101] : memref<40x128xi32, #tpu.memory_space<vmem>> -> memref<1x128xi32, #tpu.memory_space<vmem>>
        %dma_start3A_103 = tpu.memref_squeeze %dma_start3A_102 : memref<1x128xi32, #tpu.memory_space<vmem>> -> memref<128xi32, #tpu.memory_space<vmem>>
        %dma_start3A_104 = arith.constant 0 : i32
        %dma_start3A_105 = arith.constant 0 : i32
        %dma_start3A_106 = tpu.memref_slice %arg10[%dma_start3A_104, %dma_start3A_105] : memref<10240x128xf32, #tpu.memory_space<vmem_shared>> -> memref<10240x128xf32, #tpu.memory_space<vmem_shared>>
        tpu.enqueue_indirect_dma source(%arg8 : memref<128x128xf32, #tpu.memory_space<vmem>>) target(%dma_start3A_106 : memref<10240x128xf32, #tpu.memory_space<vmem_shared>>) offsets(%dma_start3A_103 : memref<128xi32, #tpu.memory_space<vmem>>) semaphore(%run_scoped3A : memref<!tpu.dma_semaphore, #tpu.memory_space<semaphore_mem>>) {add = true}
        %dma_wait3A_107 = arith.constant 0 : i32
        %dma_wait3A_108 = tpu.memref_slice %arg7[%mul3A_66, %dma_wait3A_107] : memref<40x128xi32, #tpu.memory_space<vmem>> -> memref<1x128xi32, #tpu.memory_space<vmem>>
        %dma_wait3A_109 = tpu.memref_squeeze %dma_wait3A_108 : memref<1x128xi32, #tpu.memory_space<vmem>> -> memref<128xi32, #tpu.memory_space<vmem>>
        %dma_wait3A_110 = arith.constant 0 : i32
        %dma_wait3A_111 = arith.constant 0 : i32
        %dma_wait3A_112 = tpu.memref_slice %arg10[%dma_wait3A_110, %dma_wait3A_111] : memref<10240x128xf32, #tpu.memory_space<vmem_shared>> -> memref<10240x128xf32, #tpu.memory_space<vmem_shared>>
        tpu.wait_indirect_dma semaphore(%run_scoped3A : memref<!tpu.dma_semaphore, #tpu.memory_space<semaphore_mem>>) src(%arg8 : memref<128x128xf32, #tpu.memory_space<vmem>>) dst(%dma_wait3A_112 : memref<10240x128xf32, #tpu.memory_space<vmem_shared>>)
        tpu.yield
      }) : () -> ()
      %dma_wait3A_82 = arith.constant 0 : i32
      %dma_wait3A_83 = arith.constant 0 : i32
      %dma_wait3A_84 = tpu.memref_slice %arg6[%dma_wait3A_82, %dma_wait3A_83] : memref<40x128xi32, #tpu.memory_space<vmem>> -> memref<1x128xi32, #tpu.memory_space<vmem>>
      %dma_wait3A_85 = tpu.memref_squeeze %dma_wait3A_84 : memref<1x128xi32, #tpu.memory_space<vmem>> -> memref<128xi32, #tpu.memory_space<vmem>>
      %dma_wait3A_86 = arith.constant 0 : i32
      %dma_wait3A_87 = arith.constant 0 : i32
      %dma_wait3A_88 = tpu.memref_slice %arg2[%dma_wait3A_86, %dma_wait3A_87] : memref<10240x128xf32, #tpu.memory_space<hbm>> -> memref<10240x128xf32, #tpu.memory_space<hbm>>
      tpu.wait_indirect_dma semaphore(%arg12 : memref<!tpu.dma_semaphore, #tpu.memory_space<semaphore_mem>>) src(%dma_wait3A_88 : memref<10240x128xf32, #tpu.memory_space<hbm>>) dst(%arg9 : memref<128x128xf32, #tpu.memory_space<vmem>>)
      %add3A_89 = arith.constant 2 : i32
      %add3A_90 = arith.addi %mul3A_66, %add3A_89 : i32
      %min3A = arith.constant 39 : i32
      %min3A_91 = arith.minsi %add3A_90, %min3A : i32
      %dma_start3A_92 = arith.constant 0 : i32
      %dma_start3A_93 = tpu.memref_slice %arg6[%min3A_91, %dma_start3A_92] : memref<40x128xi32, #tpu.memory_space<vmem>> -> memref<1x128xi32, #tpu.memory_space<vmem>>
      %dma_start3A_94 = tpu.memref_squeeze %dma_start3A_93 : memref<1x128xi32, #tpu.memory_space<vmem>> -> memref<128xi32, #tpu.memory_space<vmem>>
      %dma_start3A_95 = arith.constant 0 : i32
      %dma_start3A_96 = arith.constant 0 : i32
      %dma_start3A_97 = tpu.memref_slice %arg2[%dma_start3A_95, %dma_start3A_96] : memref<10240x128xf32, #tpu.memory_space<hbm>> -> memref<10240x128xf32, #tpu.memory_space<hbm>>
      tpu.enqueue_indirect_dma source(%dma_start3A_97 : memref<10240x128xf32, #tpu.memory_space<hbm>>) target(%arg8 : memref<128x128xf32, #tpu.memory_space<vmem>>) offsets(%dma_start3A_94 : memref<128xi32, #tpu.memory_space<vmem>>) semaphore(%arg11 : memref<!tpu.dma_semaphore, #tpu.memory_space<semaphore_mem>>)
      %add3A_98 = arith.constant 1 : i32
      %add3A_99 = arith.addi %mul3A_66, %add3A_98 : i32
      "tpu.region"() ({
        %run_scoped3A = tpu.sem_alloc : memref<!tpu.dma_semaphore, #tpu.memory_space<semaphore_mem>>
        %dma_start3A_101 = arith.constant 0 : i32
        %dma_start3A_102 = tpu.memref_slice %arg7[%add3A_99, %dma_start3A_101] : memref<40x128xi32, #tpu.memory_space<vmem>> -> memref<1x128xi32, #tpu.memory_space<vmem>>
        %dma_start3A_103 = tpu.memref_squeeze %dma_start3A_102 : memref<1x128xi32, #tpu.memory_space<vmem>> -> memref<128xi32, #tpu.memory_space<vmem>>
        %dma_start3A_104 = arith.constant 0 : i32
        %dma_start3A_105 = arith.constant 0 : i32
        %dma_start3A_106 = tpu.memref_slice %arg10[%dma_start3A_104, %dma_start3A_105] : memref<10240x128xf32, #tpu.memory_space<vmem_shared>> -> memref<10240x128xf32, #tpu.memory_space<vmem_shared>>
        tpu.enqueue_indirect_dma source(%arg9 : memref<128x128xf32, #tpu.memory_space<vmem>>) target(%dma_start3A_106 : memref<10240x128xf32, #tpu.memory_space<vmem_shared>>) offsets(%dma_start3A_103 : memref<128xi32, #tpu.memory_space<vmem>>) semaphore(%run_scoped3A : memref<!tpu.dma_semaphore, #tpu.memory_space<semaphore_mem>>) {add = true}
        %dma_wait3A_107 = arith.constant 0 : i32
        %dma_wait3A_108 = tpu.memref_slice %arg7[%add3A_99, %dma_wait3A_107] : memref<40x128xi32, #tpu.memory_space<vmem>> -> memref<1x128xi32, #tpu.memory_space<vmem>>
        %dma_wait3A_109 = tpu.memref_squeeze %dma_wait3A_108 : memref<1x128xi32, #tpu.memory_space<vmem>> -> memref<128xi32, #tpu.memory_space<vmem>>
        %dma_wait3A_110 = arith.constant 0 : i32
        %dma_wait3A_111 = arith.constant 0 : i32
        %dma_wait3A_112 = tpu.memref_slice %arg10[%dma_wait3A_110, %dma_wait3A_111] : memref<10240x128xf32, #tpu.memory_space<vmem_shared>> -> memref<10240x128xf32, #tpu.memory_space<vmem_shared>>
        tpu.wait_indirect_dma semaphore(%run_scoped3A : memref<!tpu.dma_semaphore, #tpu.memory_space<semaphore_mem>>) src(%arg9 : memref<128x128xf32, #tpu.memory_space<vmem>>) dst(%dma_wait3A_112 : memref<10240x128xf32, #tpu.memory_space<vmem_shared>>)
        tpu.yield
      }) : () -> ()
      %scan3A_100 = arith.constant 0 : i32
      scf.yield %scan3A_100 : i32
    }
    %scan3A_32 = arith.constant 20 : i32
    %dma_wait3A = arith.constant 0 : i32
    %dma_wait3A_33 = arith.constant 0 : i32
    %dma_wait3A_34 = tpu.memref_slice %arg6[%dma_wait3A, %dma_wait3A_33] : memref<40x128xi32, #tpu.memory_space<vmem>> -> memref<1x128xi32, #tpu.memory_space<vmem>>
    %dma_wait3A_35 = tpu.memref_squeeze %dma_wait3A_34 : memref<1x128xi32, #tpu.memory_space<vmem>> -> memref<128xi32, #tpu.memory_space<vmem>>
    %dma_wait3A_36 = arith.constant 0 : i32
    %dma_wait3A_37 = arith.constant 0 : i32
    %dma_wait3A_38 = tpu.memref_slice %arg2[%dma_wait3A_36, %dma_wait3A_37] : memref<10240x128xf32, #tpu.memory_space<hbm>> -> memref<10240x128xf32, #tpu.memory_space<hbm>>
    tpu.wait_indirect_dma semaphore(%arg11 : memref<!tpu.dma_semaphore, #tpu.memory_space<semaphore_mem>>) src(%dma_wait3A_38 : memref<10240x128xf32, #tpu.memory_space<hbm>>) dst(%arg8 : memref<128x128xf32, #tpu.memory_space<vmem>>)
    %add3A_39 = arith.constant 40 : i32
    %add3A_40 = arith.addi %mul3A_17, %add3A_39 : i32
    "tpu.region"() ({
      %run_scoped3A = tpu.sem_alloc : memref<!tpu.dma_semaphore, #tpu.memory_space<semaphore_mem>>
      %dma_start3A_63 = arith.constant 0 : i32
      %dma_start3A_64 = tpu.memref_slice %arg3[%add3A_40, %dma_start3A_63] : memref<2560x128xi32, #tpu.memory_space<hbm>> -> memref<40x128xi32, #tpu.memory_space<hbm>>
      %dma_start3A_65 = arith.constant 0 : i32
      %dma_start3A_66 = tpu.memref_slice %arg3[%add3A_40, %dma_start3A_65] : memref<2560x128xi32, #tpu.memory_space<hbm>> -> memref<40x128xi32, #tpu.memory_space<hbm>>
      tpu.enqueue_dma source(%dma_start3A_66 : memref<40x128xi32, #tpu.memory_space<hbm>>) target(%arg6 : memref<40x128xi32, #tpu.memory_space<vmem>>) target_semaphore(%run_scoped3A : memref<!tpu.dma_semaphore, #tpu.memory_space<semaphore_mem>>)
      %dma_wait3A_67 = arith.constant 0 : i32
      %dma_wait3A_68 = tpu.memref_slice %arg3[%add3A_40, %dma_wait3A_67] : memref<2560x128xi32, #tpu.memory_space<hbm>> -> memref<40x128xi32, #tpu.memory_space<hbm>>
      %dma_wait3A_69 = arith.constant 0 : i32
      %dma_wait3A_70 = tpu.memref_slice %arg3[%add3A_40, %dma_wait3A_69] : memref<2560x128xi32, #tpu.memory_space<hbm>> -> memref<40x128xi32, #tpu.memory_space<hbm>>
      tpu.wait_dma2 semaphore(%run_scoped3A : memref<!tpu.dma_semaphore, #tpu.memory_space<semaphore_mem>>) src(%dma_wait3A_70 : memref<40x128xi32, #tpu.memory_space<hbm>>) dst(%arg6 : memref<40x128xi32, #tpu.memory_space<vmem>>)
      tpu.yield
    }) : () -> ()
    "tpu.region"() ({
      %run_scoped3A = tpu.sem_alloc : memref<!tpu.dma_semaphore, #tpu.memory_space<semaphore_mem>>
      %dma_start3A_63 = arith.constant 0 : i32
      %dma_start3A_64 = tpu.memref_slice %arg4[%add3A_40, %dma_start3A_63] : memref<2560x128xi32, #tpu.memory_space<hbm>> -> memref<40x128xi32, #tpu.memory_space<hbm>>
      %dma_start3A_65 = arith.constant 0 : i32
      %dma_start3A_66 = tpu.memref_slice %arg4[%add3A_40, %dma_start3A_65] : memref<2560x128xi32, #tpu.memory_space<hbm>> -> memref<40x128xi32, #tpu.memory_space<hbm>>
      tpu.enqueue_dma source(%dma_start3A_66 : memref<40x128xi32, #tpu.memory_space<hbm>>) target(%arg7 : memref<40x128xi32, #tpu.memory_space<vmem>>) target_semaphore(%run_scoped3A : memref<!tpu.dma_semaphore, #tpu.memory_space<semaphore_mem>>)
      %dma_wait3A_67 = arith.constant 0 : i32
      %dma_wait3A_68 = tpu.memref_slice %arg4[%add3A_40, %dma_wait3A_67] : memref<2560x128xi32, #tpu.memory_space<hbm>> -> memref<40x128xi32, #tpu.memory_space<hbm>>
      %dma_wait3A_69 = arith.constant 0 : i32
      %dma_wait3A_70 = tpu.memref_slice %arg4[%add3A_40, %dma_wait3A_69] : memref<2560x128xi32, #tpu.memory_space<hbm>> -> memref<40x128xi32, #tpu.memory_space<hbm>>
      tpu.wait_dma2 semaphore(%run_scoped3A : memref<!tpu.dma_semaphore, #tpu.memory_space<semaphore_mem>>) src(%dma_wait3A_70 : memref<40x128xi32, #tpu.memory_space<hbm>>) dst(%arg7 : memref<40x128xi32, #tpu.memory_space<vmem>>)
      tpu.yield
    }) : () -> ()
    %dma_start3A_41 = arith.constant 0 : i32
    %dma_start3A_42 = arith.constant 0 : i32
    %dma_start3A_43 = tpu.memref_slice %arg6[%dma_start3A_41, %dma_start3A_42] : memref<40x128xi32, #tpu.memory_space<vmem>> -> memref<1x128xi32, #tpu.memory_space<vmem>>
    %dma_start3A_44 = tpu.memref_squeeze %dma_start3A_43 : memref<1x128xi32, #tpu.memory_space<vmem>> -> memref<128xi32, #tpu.memory_space<vmem>>
    %dma_start3A_45 = arith.constant 0 : i32
    %dma_start3A_46 = arith.constant 0 : i32
    %dma_start3A_47 = tpu.memref_slice %arg2[%dma_start3A_45, %dma_start3A_46] : memref<10240x128xf32, #tpu.memory_space<hbm>> -> memref<10240x128xf32, #tpu.memory_space<hbm>>
    tpu.enqueue_indirect_dma source(%dma_start3A_47 : memref<10240x128xf32, #tpu.memory_space<hbm>>) target(%arg8 : memref<128x128xf32, #tpu.memory_space<vmem>>) offsets(%dma_start3A_44 : memref<128xi32, #tpu.memory_space<vmem>>) semaphore(%arg11 : memref<!tpu.dma_semaphore, #tpu.memory_space<semaphore_mem>>)
    %scan3A_48 = arith.constant 0 : i32
    %scan3A_49 = arith.constant 0 : i32
    %scan3A_50 = arith.constant 20 : i32
    %scan3A_51 = arith.addi %scan3A_49, %scan3A_50 : i32
    %scan3A_52 = arith.constant 1 : i32
    %scan3A_53 = scf.for %scan3A_63 = %scan3A_49 to %scan3A_51 step %scan3A_52 iter_args(%scan3A_64 = %scan3A_48) -> (i32)  : i32 {
      %mul3A_65 = arith.constant 2 : i32
      %mul3A_66 = arith.muli %mul3A_65, %scan3A_63 : i32
      %dma_wait3A_67 = arith.constant 0 : i32
      %dma_wait3A_68 = arith.constant 0 : i32
      %dma_wait3A_69 = tpu.memref_slice %arg6[%dma_wait3A_67, %dma_wait3A_68] : memref<40x128xi32, #tpu.memory_space<vmem>> -> memref<1x128xi32, #tpu.memory_space<vmem>>
      %dma_wait3A_70 = tpu.memref_squeeze %dma_wait3A_69 : memref<1x128xi32, #tpu.memory_space<vmem>> -> memref<128xi32, #tpu.memory_space<vmem>>
      %dma_wait3A_71 = arith.constant 0 : i32
      %dma_wait3A_72 = arith.constant 0 : i32
      %dma_wait3A_73 = tpu.memref_slice %arg2[%dma_wait3A_71, %dma_wait3A_72] : memref<10240x128xf32, #tpu.memory_space<hbm>> -> memref<10240x128xf32, #tpu.memory_space<hbm>>
      tpu.wait_indirect_dma semaphore(%arg11 : memref<!tpu.dma_semaphore, #tpu.memory_space<semaphore_mem>>) src(%dma_wait3A_73 : memref<10240x128xf32, #tpu.memory_space<hbm>>) dst(%arg8 : memref<128x128xf32, #tpu.memory_space<vmem>>)
      %add3A_74 = arith.constant 1 : i32
      %add3A_75 = arith.addi %mul3A_66, %add3A_74 : i32
      %dma_start3A_76 = arith.constant 0 : i32
      %dma_start3A_77 = tpu.memref_slice %arg6[%add3A_75, %dma_start3A_76] : memref<40x128xi32, #tpu.memory_space<vmem>> -> memref<1x128xi32, #tpu.memory_space<vmem>>
      %dma_start3A_78 = tpu.memref_squeeze %dma_start3A_77 : memref<1x128xi32, #tpu.memory_space<vmem>> -> memref<128xi32, #tpu.memory_space<vmem>>
      %dma_start3A_79 = arith.constant 0 : i32
      %dma_start3A_80 = arith.constant 0 : i32
      %dma_start3A_81 = tpu.memref_slice %arg2[%dma_start3A_79, %dma_start3A_80] : memref<10240x128xf32, #tpu.memory_space<hbm>> -> memref<10240x128xf32, #tpu.memory_space<hbm>>
      tpu.enqueue_indirect_dma source(%dma_start3A_81 : memref<10240x128xf32, #tpu.memory_space<hbm>>) target(%arg9 : memref<128x128xf32, #tpu.memory_space<vmem>>) offsets(%dma_start3A_78 : memref<128xi32, #tpu.memory_space<vmem>>) semaphore(%arg12 : memref<!tpu.dma_semaphore, #tpu.memory_space<semaphore_mem>>)
      "tpu.region"() ({
        %run_scoped3A = tpu.sem_alloc : memref<!tpu.dma_semaphore, #tpu.memory_space<semaphore_mem>>
        %dma_start3A_101 = arith.constant 0 : i32
        %dma_start3A_102 = tpu.memref_slice %arg7[%mul3A_66, %dma_start3A_101] : memref<40x128xi32, #tpu.memory_space<vmem>> -> memref<1x128xi32, #tpu.memory_space<vmem>>
        %dma_start3A_103 = tpu.memref_squeeze %dma_start3A_102 : memref<1x128xi32, #tpu.memory_space<vmem>> -> memref<128xi32, #tpu.memory_space<vmem>>
        %dma_start3A_104 = arith.constant 0 : i32
        %dma_start3A_105 = arith.constant 0 : i32
        %dma_start3A_106 = tpu.memref_slice %arg10[%dma_start3A_104, %dma_start3A_105] : memref<10240x128xf32, #tpu.memory_space<vmem_shared>> -> memref<10240x128xf32, #tpu.memory_space<vmem_shared>>
        tpu.enqueue_indirect_dma source(%arg8 : memref<128x128xf32, #tpu.memory_space<vmem>>) target(%dma_start3A_106 : memref<10240x128xf32, #tpu.memory_space<vmem_shared>>) offsets(%dma_start3A_103 : memref<128xi32, #tpu.memory_space<vmem>>) semaphore(%run_scoped3A : memref<!tpu.dma_semaphore, #tpu.memory_space<semaphore_mem>>) {add = true}
        %dma_wait3A_107 = arith.constant 0 : i32
        %dma_wait3A_108 = tpu.memref_slice %arg7[%mul3A_66, %dma_wait3A_107] : memref<40x128xi32, #tpu.memory_space<vmem>> -> memref<1x128xi32, #tpu.memory_space<vmem>>
        %dma_wait3A_109 = tpu.memref_squeeze %dma_wait3A_108 : memref<1x128xi32, #tpu.memory_space<vmem>> -> memref<128xi32, #tpu.memory_space<vmem>>
        %dma_wait3A_110 = arith.constant 0 : i32
        %dma_wait3A_111 = arith.constant 0 : i32
        %dma_wait3A_112 = tpu.memref_slice %arg10[%dma_wait3A_110, %dma_wait3A_111] : memref<10240x128xf32, #tpu.memory_space<vmem_shared>> -> memref<10240x128xf32, #tpu.memory_space<vmem_shared>>
        tpu.wait_indirect_dma semaphore(%run_scoped3A : memref<!tpu.dma_semaphore, #tpu.memory_space<semaphore_mem>>) src(%arg8 : memref<128x128xf32, #tpu.memory_space<vmem>>) dst(%dma_wait3A_112 : memref<10240x128xf32, #tpu.memory_space<vmem_shared>>)
        tpu.yield
      }) : () -> ()
      %dma_wait3A_82 = arith.constant 0 : i32
      %dma_wait3A_83 = arith.constant 0 : i32
      %dma_wait3A_84 = tpu.memref_slice %arg6[%dma_wait3A_82, %dma_wait3A_83] : memref<40x128xi32, #tpu.memory_space<vmem>> -> memref<1x128xi32, #tpu.memory_space<vmem>>
      %dma_wait3A_85 = tpu.memref_squeeze %dma_wait3A_84 : memref<1x128xi32, #tpu.memory_space<vmem>> -> memref<128xi32, #tpu.memory_space<vmem>>
      %dma_wait3A_86 = arith.constant 0 : i32
      %dma_wait3A_87 = arith.constant 0 : i32
      %dma_wait3A_88 = tpu.memref_slice %arg2[%dma_wait3A_86, %dma_wait3A_87] : memref<10240x128xf32, #tpu.memory_space<hbm>> -> memref<10240x128xf32, #tpu.memory_space<hbm>>
      tpu.wait_indirect_dma semaphore(%arg12 : memref<!tpu.dma_semaphore, #tpu.memory_space<semaphore_mem>>) src(%dma_wait3A_88 : memref<10240x128xf32, #tpu.memory_space<hbm>>) dst(%arg9 : memref<128x128xf32, #tpu.memory_space<vmem>>)
      %add3A_89 = arith.constant 2 : i32
      %add3A_90 = arith.addi %mul3A_66, %add3A_89 : i32
      %min3A = arith.constant 39 : i32
      %min3A_91 = arith.minsi %add3A_90, %min3A : i32
      %dma_start3A_92 = arith.constant 0 : i32
      %dma_start3A_93 = tpu.memref_slice %arg6[%min3A_91, %dma_start3A_92] : memref<40x128xi32, #tpu.memory_space<vmem>> -> memref<1x128xi32, #tpu.memory_space<vmem>>
      %dma_start3A_94 = tpu.memref_squeeze %dma_start3A_93 : memref<1x128xi32, #tpu.memory_space<vmem>> -> memref<128xi32, #tpu.memory_space<vmem>>
      %dma_start3A_95 = arith.constant 0 : i32
      %dma_start3A_96 = arith.constant 0 : i32
      %dma_start3A_97 = tpu.memref_slice %arg2[%dma_start3A_95, %dma_start3A_96] : memref<10240x128xf32, #tpu.memory_space<hbm>> -> memref<10240x128xf32, #tpu.memory_space<hbm>>
      tpu.enqueue_indirect_dma source(%dma_start3A_97 : memref<10240x128xf32, #tpu.memory_space<hbm>>) target(%arg8 : memref<128x128xf32, #tpu.memory_space<vmem>>) offsets(%dma_start3A_94 : memref<128xi32, #tpu.memory_space<vmem>>) semaphore(%arg11 : memref<!tpu.dma_semaphore, #tpu.memory_space<semaphore_mem>>)
      %add3A_98 = arith.constant 1 : i32
      %add3A_99 = arith.addi %mul3A_66, %add3A_98 : i32
      "tpu.region"() ({
        %run_scoped3A = tpu.sem_alloc : memref<!tpu.dma_semaphore, #tpu.memory_space<semaphore_mem>>
        %dma_start3A_101 = arith.constant 0 : i32
        %dma_start3A_102 = tpu.memref_slice %arg7[%add3A_99, %dma_start3A_101] : memref<40x128xi32, #tpu.memory_space<vmem>> -> memref<1x128xi32, #tpu.memory_space<vmem>>
        %dma_start3A_103 = tpu.memref_squeeze %dma_start3A_102 : memref<1x128xi32, #tpu.memory_space<vmem>> -> memref<128xi32, #tpu.memory_space<vmem>>
        %dma_start3A_104 = arith.constant 0 : i32
        %dma_start3A_105 = arith.constant 0 : i32
        %dma_start3A_106 = tpu.memref_slice %arg10[%dma_start3A_104, %dma_start3A_105] : memref<10240x128xf32, #tpu.memory_space<vmem_shared>> -> memref<10240x128xf32, #tpu.memory_space<vmem_shared>>
        tpu.enqueue_indirect_dma source(%arg9 : memref<128x128xf32, #tpu.memory_space<vmem>>) target(%dma_start3A_106 : memref<10240x128xf32, #tpu.memory_space<vmem_shared>>) offsets(%dma_start3A_103 : memref<128xi32, #tpu.memory_space<vmem>>) semaphore(%run_scoped3A : memref<!tpu.dma_semaphore, #tpu.memory_space<semaphore_mem>>) {add = true}
        %dma_wait3A_107 = arith.constant 0 : i32
        %dma_wait3A_108 = tpu.memref_slice %arg7[%add3A_99, %dma_wait3A_107] : memref<40x128xi32, #tpu.memory_space<vmem>> -> memref<1x128xi32, #tpu.memory_space<vmem>>
        %dma_wait3A_109 = tpu.memref_squeeze %dma_wait3A_108 : memref<1x128xi32, #tpu.memory_space<vmem>> -> memref<128xi32, #tpu.memory_space<vmem>>
        %dma_wait3A_110 = arith.constant 0 : i32
        %dma_wait3A_111 = arith.constant 0 : i32
        %dma_wait3A_112 = tpu.memref_slice %arg10[%dma_wait3A_110, %dma_wait3A_111] : memref<10240x128xf32, #tpu.memory_space<vmem_shared>> -> memref<10240x128xf32, #tpu.memory_space<vmem_shared>>
        tpu.wait_indirect_dma semaphore(%run_scoped3A : memref<!tpu.dma_semaphore, #tpu.memory_space<semaphore_mem>>) src(%arg9 : memref<128x128xf32, #tpu.memory_space<vmem>>) dst(%dma_wait3A_112 : memref<10240x128xf32, #tpu.memory_space<vmem_shared>>)
        tpu.yield
      }) : () -> ()
      %scan3A_100 = arith.constant 0 : i32
      scf.yield %scan3A_100 : i32
    }
    %scan3A_54 = arith.constant 20 : i32
    %dma_wait3A_55 = arith.constant 0 : i32
    %dma_wait3A_56 = arith.constant 0 : i32
    %dma_wait3A_57 = tpu.memref_slice %arg6[%dma_wait3A_55, %dma_wait3A_56] : memref<40x128xi32, #tpu.memory_space<vmem>> -> memref<1x128xi32, #tpu.memory_space<vmem>>
    %dma_wait3A_58 = tpu.memref_squeeze %dma_wait3A_57 : memref<1x128xi32, #tpu.memory_space<vmem>> -> memref<128xi32, #tpu.memory_space<vmem>>
    %dma_wait3A_59 = arith.constant 0 : i32
    %dma_wait3A_60 = arith.constant 0 : i32
    %dma_wait3A_61 = tpu.memref_slice %arg2[%dma_wait3A_59, %dma_wait3A_60] : memref<10240x128xf32, #tpu.memory_space<hbm>> -> memref<10240x128xf32, #tpu.memory_space<hbm>>
    tpu.wait_indirect_dma semaphore(%arg11 : memref<!tpu.dma_semaphore, #tpu.memory_space<semaphore_mem>>) src(%dma_wait3A_61 : memref<10240x128xf32, #tpu.memory_space<hbm>>) dst(%arg8 : memref<128x128xf32, #tpu.memory_space<vmem>>)
    %barrier3A_62 = arith.constant 0 : index
    tpu.barrier barrier_id(%barrier3A_62)
    "tpu.region"() ({
      %run_scoped3A = tpu.sem_alloc : memref<!tpu.dma_semaphore, #tpu.memory_space<semaphore_mem>>
      %dma_start3A_63 = arith.constant 0 : i32
      %dma_start3A_64 = tpu.memref_slice %arg5[%arg0, %mul3A_0, %dma_start3A_63] : memref<2x10240x128xf32, #tpu.memory_space<hbm>> -> memref<1x640x128xf32, #tpu.memory_space<hbm>>
      %dma_start3A_65 = tpu.memref_squeeze %dma_start3A_64 : memref<1x640x128xf32, #tpu.memory_space<hbm>> -> memref<640x128xf32, #tpu.memory_space<hbm>>
      %dma_start3A_66 = arith.constant 0 : i32
      %dma_start3A_67 = tpu.memref_slice %arg10[%mul3A_0, %dma_start3A_66] : memref<10240x128xf32, #tpu.memory_space<vmem_shared>> -> memref<640x128xf32, #tpu.memory_space<vmem_shared>>
      tpu.enqueue_dma source(%dma_start3A_67 : memref<640x128xf32, #tpu.memory_space<vmem_shared>>) target(%dma_start3A_65 : memref<640x128xf32, #tpu.memory_space<hbm>>) target_semaphore(%run_scoped3A : memref<!tpu.dma_semaphore, #tpu.memory_space<semaphore_mem>>)
      %dma_wait3A_68 = arith.constant 0 : i32
      %dma_wait3A_69 = tpu.memref_slice %arg5[%arg0, %mul3A_0, %dma_wait3A_68] : memref<2x10240x128xf32, #tpu.memory_space<hbm>> -> memref<1x640x128xf32, #tpu.memory_space<hbm>>
      %dma_wait3A_70 = tpu.memref_squeeze %dma_wait3A_69 : memref<1x640x128xf32, #tpu.memory_space<hbm>> -> memref<640x128xf32, #tpu.memory_space<hbm>>
      %dma_wait3A_71 = arith.constant 0 : i32
      %dma_wait3A_72 = tpu.memref_slice %arg10[%mul3A_0, %dma_wait3A_71] : memref<10240x128xf32, #tpu.memory_space<vmem_shared>> -> memref<640x128xf32, #tpu.memory_space<vmem_shared>>
      tpu.wait_dma2 semaphore(%run_scoped3A : memref<!tpu.dma_semaphore, #tpu.memory_space<semaphore_mem>>) src(%dma_wait3A_72 : memref<640x128xf32, #tpu.memory_space<vmem_shared>>) dst(%dma_wait3A_70 : memref<640x128xf32, #tpu.memory_space<hbm>>)
      tpu.yield
    }) : () -> ()
    return
  }
}

module attributes {stable_mosaic.version = 14 : i64} {
  func.func @_mlp_body(%arg0: i32, %arg1: memref<1024x128xf32, #tpu.memory_space<vmem>>, %arg2: memref<128x128xf32, #tpu.memory_space<vmem>>, %arg3: memref<128xf32, #tpu.memory_space<vmem>>, %arg4: memref<128x128xf32, #tpu.memory_space<vmem>>, %arg5: memref<128xf32, #tpu.memory_space<vmem>>, %arg6: memref<1x1024x128xf32, #tpu.memory_space<vmem>>, %arg7: memref<1x1024x128xf32, #tpu.memory_space<vmem>>, %arg8: memref<1024x128xf32, #tpu.memory_space<vmem>>) attributes {dimension_semantics = [#tpu.dimension_semantics<arbitrary>], iteration_bounds = array<i64: 10>, scalar_prefetch = 0 : i64, scratch_operands = 0 : i64, tpu.core_type = #tpu.core_type<tc>, window_params = [{transform_indices = @transform_0, window_bounds = array<i64: 1024, 128>}, {pipeline_mode = #tpu.pipeline_mode<synchronous>, transform_indices = @transform_1, window_bounds = array<i64: 128, 128>}, {pipeline_mode = #tpu.pipeline_mode<synchronous>, transform_indices = @transform_2, window_bounds = array<i64: 128>}, {pipeline_mode = #tpu.pipeline_mode<synchronous>, transform_indices = @transform_3, window_bounds = array<i64: 128, 128>}, {pipeline_mode = #tpu.pipeline_mode<synchronous>, transform_indices = @transform_4, window_bounds = array<i64: 128>}, {transform_indices = @transform_5, window_bounds = array<i64: 1, 1024, 128>}, {transform_indices = @transform_6, window_bounds = array<i64: 1, 1024, 128>}, {transform_indices = @transform_7, window_bounds = array<i64: 1024, 128>}]} {
    %get3A = arith.constant 0 : index
    %get3A_0 = arith.constant 0 : index
    %get3A_1 = vector.load %arg1[%get3A, %get3A_0] : memref<1024x128xf32, #tpu.memory_space<vmem>>, vector<1024x128xf32>
    %get3A_2 = arith.constant 0 : index
    %get3A_3 = arith.constant 0 : index
    %get3A_4 = vector.load %arg2[%get3A_2, %get3A_3] : memref<128x128xf32, #tpu.memory_space<vmem>>, vector<128x128xf32>
    %dot_general3A = arith.constant dense<0.000000e+00> : vector<1024x128xf32>
    %dot_general3A_5 = tpu.matmul %get3A_1, %get3A_4, %dot_general3A {dimension_numbers = #tpu.dot_dimension_numbers<[1], [0], [0], [1], [0, 0, 1, 1], [], []>, transpose_lhs_hint = false} : vector<1024x128xf32>, vector<128x128xf32>, vector<1024x128xf32> -> vector<1024x128xf32>
    %get3A_6 = arith.constant 0 : index
    %get3A_7 = vector.load %arg3[%get3A_6] : memref<128xf32, #tpu.memory_space<vmem>>, vector<128xf32>
    %broadcast_in_dim3A = vector.shape_cast %get3A_7 : vector<128xf32> to vector<1x128xf32>
    %add3A = vector.broadcast %broadcast_in_dim3A : vector<1x128xf32> to vector<1024x128xf32>
    %add3A_8 = arith.addf %dot_general3A_5, %add3A : vector<1024x128xf32>
    %ge3A = arith.constant 0.000000e+00 : f32
    %ge3A_9 = vector.broadcast %ge3A : f32 to vector<1024x128xf32>
    %ge3A_10 = arith.cmpf oge, %add3A_8, %ge3A_9 : vector<1024x128xf32>
    %mul3A = arith.constant 0.00999999977 : f32
    %mul3A_11 = vector.broadcast %mul3A : f32 to vector<1024x128xf32>
    %mul3A_12 = arith.mulf %mul3A_11, %add3A_8 : vector<1024x128xf32>
    %select_n3A = arith.select %ge3A_10, %add3A_8, %mul3A_12 : vector<1024x128xi1>, vector<1024x128xf32>
    %get3A_13 = arith.constant 0 : index
    %get3A_14 = arith.constant 0 : index
    %get3A_15 = vector.load %arg4[%get3A_13, %get3A_14] : memref<128x128xf32, #tpu.memory_space<vmem>>, vector<128x128xf32>
    %dot_general3A_16 = arith.constant dense<0.000000e+00> : vector<1024x128xf32>
    %dot_general3A_17 = tpu.matmul %select_n3A, %get3A_15, %dot_general3A_16 {dimension_numbers = #tpu.dot_dimension_numbers<[1], [0], [0], [1], [0, 0, 1, 1], [], []>, transpose_lhs_hint = false} : vector<1024x128xf32>, vector<128x128xf32>, vector<1024x128xf32> -> vector<1024x128xf32>
    %get3A_18 = arith.constant 0 : index
    %get3A_19 = vector.load %arg5[%get3A_18] : memref<128xf32, #tpu.memory_space<vmem>>, vector<128xf32>
    %broadcast_in_dim3A_20 = vector.shape_cast %get3A_19 : vector<128xf32> to vector<1x128xf32>
    %add3A_21 = vector.broadcast %broadcast_in_dim3A_20 : vector<1x128xf32> to vector<1024x128xf32>
    %add3A_22 = arith.addf %dot_general3A_17, %add3A_21 : vector<1024x128xf32>
    %ge3A_23 = arith.constant 0.000000e+00 : f32
    %ge3A_24 = vector.broadcast %ge3A_23 : f32 to vector<1024x128xf32>
    %ge3A_25 = arith.cmpf oge, %add3A_22, %ge3A_24 : vector<1024x128xf32>
    %mul3A_26 = arith.constant 0.00999999977 : f32
    %mul3A_27 = vector.broadcast %mul3A_26 : f32 to vector<1024x128xf32>
    %mul3A_28 = arith.mulf %mul3A_27, %add3A_22 : vector<1024x128xf32>
    %select_n3A_29 = arith.select %ge3A_25, %add3A_22, %mul3A_28 : vector<1024x128xi1>, vector<1024x128xf32>
    %get3A_30 = arith.constant 0 : index
    %get3A_31 = arith.constant 0 : index
    %get3A_32 = arith.constant 0 : index
    %get3A_33 = vector.load %arg6[%get3A_30, %get3A_31, %get3A_32] : memref<1x1024x128xf32, #tpu.memory_space<vmem>>, vector<1x1024x128xf32>
    %get3A_34 = vector.shape_cast %get3A_33 : vector<1x1024x128xf32> to vector<1024x128xf32>
    %get3A_35 = arith.constant 0 : index
    %get3A_36 = arith.constant 0 : index
    %get3A_37 = arith.constant 0 : index
    %get3A_38 = vector.load %arg7[%get3A_35, %get3A_36, %get3A_37] : memref<1x1024x128xf32, #tpu.memory_space<vmem>>, vector<1x1024x128xf32>
    %get3A_39 = vector.shape_cast %get3A_38 : vector<1x1024x128xf32> to vector<1024x128xf32>
    %add3A_40 = arith.addf %get3A_34, %get3A_39 : vector<1024x128xf32>
    %slice3A = vector.extract_strided_slice %add3A_40 {offsets = [0, 0], sizes = [1024, 1], strides = [1, 1]} : vector<1024x128xf32> to vector<1024x1xf32>
    %max3A = arith.constant 1.000000e+00 : f32
    %max3A_41 = vector.broadcast %max3A : f32 to vector<1024x1xf32>
    %max3A_42 = arith.maximumf %slice3A, %max3A_41 : vector<1024x1xf32>
    %rsqrt3A = math.rsqrt %max3A_42 : vector<1024x1xf32>
    %mul3A_43 = vector.broadcast %rsqrt3A : vector<1024x1xf32> to vector<1024x128xf32>
    %mul3A_44 = arith.mulf %select_n3A_29, %mul3A_43 : vector<1024x128xf32>
    %swap3A = arith.constant 0 : index
    %swap3A_45 = arith.constant 0 : index
    %swap3A_46 = vector.load %arg8[%swap3A, %swap3A_45] : memref<1024x128xf32, #tpu.memory_space<vmem>>, vector<1024x128xf32>
    tpu.vector_store %arg8[%swap3A, %swap3A_45], %mul3A_44 {strides = array<i32>} : memref<1024x128xf32, #tpu.memory_space<vmem>>, vector<1024x128xf32>,
    return
  }
  func.func @transform_0(%arg0: i32) -> (i32, i32) {
    %c0_i32 = arith.constant 0 : i32
    %c0_i32_0 = arith.constant 0 : i32
    return %arg0, %c0_i32 : i32, i32
  }
  func.func @transform_1(%arg0: i32) -> (i32, i32) {
    %c0_i32 = arith.constant 0 : i32
    %c0_i32_0 = arith.constant 0 : i32
    %c0_i32_1 = arith.constant 0 : i32
    return %c0_i32, %c0_i32_0 : i32, i32
  }
  func.func @transform_2(%arg0: i32) -> i32 {
    %c0_i32 = arith.constant 0 : i32
    %c0_i32_0 = arith.constant 0 : i32
    return %c0_i32 : i32
  }
  func.func @transform_3(%arg0: i32) -> (i32, i32) {
    %c0_i32 = arith.constant 0 : i32
    %c0_i32_0 = arith.constant 0 : i32
    %c0_i32_1 = arith.constant 0 : i32
    return %c0_i32, %c0_i32_0 : i32, i32
  }
  func.func @transform_4(%arg0: i32) -> i32 {
    %c0_i32 = arith.constant 0 : i32
    %c0_i32_0 = arith.constant 0 : i32
    return %c0_i32 : i32
  }
  func.func @transform_5(%arg0: i32) -> (i32, i32, i32) {
    %c0_i32 = arith.constant 0 : i32
    %c0_i32_0 = arith.constant 0 : i32
    %c0_i32_1 = arith.constant 0 : i32
    return %c0_i32, %arg0, %c0_i32_0 : i32, i32, i32
  }
  func.func @transform_6(%arg0: i32) -> (i32, i32, i32) {
    %c1_i32 = arith.constant 1 : i32
    %c0_i32 = arith.constant 0 : i32
    %c0_i32_0 = arith.constant 0 : i32
    return %c1_i32, %arg0, %c0_i32 : i32, i32, i32
  }
  func.func @transform_7(%arg0: i32) -> (i32, i32) {
    %c0_i32 = arith.constant 0 : i32
    %c0_i32_0 = arith.constant 0 : i32
    return %arg0, %c0_i32 : i32, i32
  }
}

module attributes {stable_mosaic.version = 14 : i64} {
  func.func @_proj_body(%arg0: i32, %arg1: memref<1x1024x128xf32, #tpu.memory_space<vmem>>, %arg2: memref<1x1024x128xf32, #tpu.memory_space<vmem>>, %arg3: memref<1x1024x128xf32, #tpu.memory_space<vmem>>, %arg4: memref<1x1024x128xf32, #tpu.memory_space<vmem>>, %arg5: memref<1x1024x128xf32, #tpu.memory_space<vmem>>, %arg6: memref<1x1024x128xf32, #tpu.memory_space<vmem>>, %arg7: memref<128x128xf32, #tpu.memory_space<vmem>>, %arg8: memref<128xf32, #tpu.memory_space<vmem>>, %arg9: memref<1024x128xf32, #tpu.memory_space<vmem>>) attributes {dimension_semantics = [#tpu.dimension_semantics<arbitrary>], iteration_bounds = array<i64: 10>, scalar_prefetch = 0 : i64, scratch_operands = 0 : i64, tpu.core_type = #tpu.core_type<tc>, window_params = [{transform_indices = @transform_0, window_bounds = array<i64: 1, 1024, 128>}, {transform_indices = @transform_1, window_bounds = array<i64: 1, 1024, 128>}, {transform_indices = @transform_2, window_bounds = array<i64: 1, 1024, 128>}, {transform_indices = @transform_3, window_bounds = array<i64: 1, 1024, 128>}, {transform_indices = @transform_4, window_bounds = array<i64: 1, 1024, 128>}, {transform_indices = @transform_5, window_bounds = array<i64: 1, 1024, 128>}, {pipeline_mode = #tpu.pipeline_mode<synchronous>, transform_indices = @transform_6, window_bounds = array<i64: 128, 128>}, {pipeline_mode = #tpu.pipeline_mode<synchronous>, transform_indices = @transform_7, window_bounds = array<i64: 128>}, {transform_indices = @transform_8, window_bounds = array<i64: 1024, 128>}]} {
    %get3A = arith.constant 0 : index
    %get3A_0 = arith.constant 0 : index
    %get3A_1 = arith.constant 0 : index
    %get3A_2 = vector.load %arg1[%get3A, %get3A_0, %get3A_1] : memref<1x1024x128xf32, #tpu.memory_space<vmem>>, vector<1x1024x128xf32>
    %get3A_3 = vector.shape_cast %get3A_2 : vector<1x1024x128xf32> to vector<1024x128xf32>
    %get3A_4 = arith.constant 0 : index
    %get3A_5 = arith.constant 0 : index
    %get3A_6 = arith.constant 0 : index
    %get3A_7 = vector.load %arg2[%get3A_4, %get3A_5, %get3A_6] : memref<1x1024x128xf32, #tpu.memory_space<vmem>>, vector<1x1024x128xf32>
    %get3A_8 = vector.shape_cast %get3A_7 : vector<1x1024x128xf32> to vector<1024x128xf32>
    %add3A = arith.addf %get3A_3, %get3A_8 : vector<1024x128xf32>
    %get3A_9 = arith.constant 0 : index
    %get3A_10 = arith.constant 0 : index
    %get3A_11 = arith.constant 0 : index
    %get3A_12 = vector.load %arg3[%get3A_9, %get3A_10, %get3A_11] : memref<1x1024x128xf32, #tpu.memory_space<vmem>>, vector<1x1024x128xf32>
    %get3A_13 = vector.shape_cast %get3A_12 : vector<1x1024x128xf32> to vector<1024x128xf32>
    %get3A_14 = arith.constant 0 : index
    %get3A_15 = arith.constant 0 : index
    %get3A_16 = arith.constant 0 : index
    %get3A_17 = vector.load %arg4[%get3A_14, %get3A_15, %get3A_16] : memref<1x1024x128xf32, #tpu.memory_space<vmem>>, vector<1x1024x128xf32>
    %get3A_18 = vector.shape_cast %get3A_17 : vector<1x1024x128xf32> to vector<1024x128xf32>
    %add3A_19 = arith.addf %get3A_13, %get3A_18 : vector<1024x128xf32>
    %slice3A = vector.extract_strided_slice %add3A_19 {offsets = [0, 0], sizes = [1024, 1], strides = [1, 1]} : vector<1024x128xf32> to vector<1024x1xf32>
    %max3A = arith.constant 1.000000e+00 : f32
    %max3A_20 = vector.broadcast %max3A : f32 to vector<1024x1xf32>
    %max3A_21 = arith.maximumf %slice3A, %max3A_20 : vector<1024x1xf32>
    %rsqrt3A = math.rsqrt %max3A_21 : vector<1024x1xf32>
    %mul3A = vector.broadcast %rsqrt3A : vector<1024x1xf32> to vector<1024x128xf32>
    %mul3A_22 = arith.mulf %add3A, %mul3A : vector<1024x128xf32>
    %get3A_23 = arith.constant 0 : index
    %get3A_24 = arith.constant 0 : index
    %get3A_25 = vector.load %arg7[%get3A_23, %get3A_24] : memref<128x128xf32, #tpu.memory_space<vmem>>, vector<128x128xf32>
    %dot_general3A = arith.constant dense<0.000000e+00> : vector<1024x128xf32>
    %dot_general3A_26 = tpu.matmul %mul3A_22, %get3A_25, %dot_general3A {dimension_numbers = #tpu.dot_dimension_numbers<[1], [0], [0], [1], [0, 0, 1, 1], [], []>, transpose_lhs_hint = false} : vector<1024x128xf32>, vector<128x128xf32>, vector<1024x128xf32> -> vector<1024x128xf32>
    %get3A_27 = arith.constant 0 : index
    %get3A_28 = vector.load %arg8[%get3A_27] : memref<128xf32, #tpu.memory_space<vmem>>, vector<128xf32>
    %broadcast_in_dim3A = vector.shape_cast %get3A_28 : vector<128xf32> to vector<1x128xf32>
    %add3A_29 = vector.broadcast %broadcast_in_dim3A : vector<1x128xf32> to vector<1024x128xf32>
    %add3A_30 = arith.addf %dot_general3A_26, %add3A_29 : vector<1024x128xf32>
    %get3A_31 = arith.constant 0 : index
    %get3A_32 = arith.constant 0 : index
    %get3A_33 = arith.constant 0 : index
    %get3A_34 = vector.load %arg5[%get3A_31, %get3A_32, %get3A_33] : memref<1x1024x128xf32, #tpu.memory_space<vmem>>, vector<1x1024x128xf32>
    %get3A_35 = vector.shape_cast %get3A_34 : vector<1x1024x128xf32> to vector<1024x128xf32>
    %get3A_36 = arith.constant 0 : index
    %get3A_37 = arith.constant 0 : index
    %get3A_38 = arith.constant 0 : index
    %get3A_39 = vector.load %arg6[%get3A_36, %get3A_37, %get3A_38] : memref<1x1024x128xf32, #tpu.memory_space<vmem>>, vector<1x1024x128xf32>
    %get3A_40 = vector.shape_cast %get3A_39 : vector<1x1024x128xf32> to vector<1024x128xf32>
    %add3A_41 = arith.addf %get3A_35, %get3A_40 : vector<1024x128xf32>
    %slice3A_42 = vector.extract_strided_slice %add3A_41 {offsets = [0, 0], sizes = [1024, 1], strides = [1, 1]} : vector<1024x128xf32> to vector<1024x1xf32>
    %max3A_43 = arith.constant 1.000000e+00 : f32
    %max3A_44 = vector.broadcast %max3A_43 : f32 to vector<1024x1xf32>
    %max3A_45 = arith.maximumf %slice3A_42, %max3A_44 : vector<1024x1xf32>
    %rsqrt3A_46 = math.rsqrt %max3A_45 : vector<1024x1xf32>
    %mul3A_47 = vector.broadcast %rsqrt3A_46 : vector<1024x1xf32> to vector<1024x128xf32>
    %mul3A_48 = arith.mulf %add3A_30, %mul3A_47 : vector<1024x128xf32>
    %swap3A = arith.constant 0 : index
    %swap3A_49 = arith.constant 0 : index
    %swap3A_50 = vector.load %arg9[%swap3A, %swap3A_49] : memref<1024x128xf32, #tpu.memory_space<vmem>>, vector<1024x128xf32>
    tpu.vector_store %arg9[%swap3A, %swap3A_49], %mul3A_48 {strides = array<i32>} : memref<1024x128xf32, #tpu.memory_space<vmem>>, vector<1024x128xf32>,
    return
  }
  func.func @transform_0(%arg0: i32) -> (i32, i32, i32) {
    %c0_i32 = arith.constant 0 : i32
    %c0_i32_0 = arith.constant 0 : i32
    %c0_i32_1 = arith.constant 0 : i32
    return %c0_i32, %arg0, %c0_i32_0 : i32, i32, i32
  }
  func.func @transform_1(%arg0: i32) -> (i32, i32, i32) {
    %c1_i32 = arith.constant 1 : i32
    %c0_i32 = arith.constant 0 : i32
    %c0_i32_0 = arith.constant 0 : i32
    return %c1_i32, %arg0, %c0_i32 : i32, i32, i32
  }
  func.func @transform_2(%arg0: i32) -> (i32, i32, i32) {
    %c0_i32 = arith.constant 0 : i32
    %c0_i32_0 = arith.constant 0 : i32
    %c0_i32_1 = arith.constant 0 : i32
    return %c0_i32, %arg0, %c0_i32_0 : i32, i32, i32
  }
  func.func @transform_3(%arg0: i32) -> (i32, i32, i32) {
    %c1_i32 = arith.constant 1 : i32
    %c0_i32 = arith.constant 0 : i32
    %c0_i32_0 = arith.constant 0 : i32
    return %c1_i32, %arg0, %c0_i32 : i32, i32, i32
  }
  func.func @transform_4(%arg0: i32) -> (i32, i32, i32) {
    %c0_i32 = arith.constant 0 : i32
    %c0_i32_0 = arith.constant 0 : i32
    %c0_i32_1 = arith.constant 0 : i32
    return %c0_i32, %arg0, %c0_i32_0 : i32, i32, i32
  }
  func.func @transform_5(%arg0: i32) -> (i32, i32, i32) {
    %c1_i32 = arith.constant 1 : i32
    %c0_i32 = arith.constant 0 : i32
    %c0_i32_0 = arith.constant 0 : i32
    return %c1_i32, %arg0, %c0_i32 : i32, i32, i32
  }
  func.func @transform_6(%arg0: i32) -> (i32, i32) {
    %c0_i32 = arith.constant 0 : i32
    %c0_i32_0 = arith.constant 0 : i32
    %c0_i32_1 = arith.constant 0 : i32
    return %c0_i32, %c0_i32_0 : i32, i32
  }
  func.func @transform_7(%arg0: i32) -> i32 {
    %c0_i32 = arith.constant 0 : i32
    %c0_i32_0 = arith.constant 0 : i32
    return %c0_i32 : i32
  }
  func.func @transform_8(%arg0: i32) -> (i32, i32) {
    %c0_i32 = arith.constant 0 : i32
    %c0_i32_0 = arith.constant 0 : i32
    return %arg0, %c0_i32 : i32, i32
  }
}

module attributes {stable_mosaic.version = 14 : i64} {
  func.func @_softmax_body(%arg0: i32, %arg1: memref<1x1024x128xf32, #tpu.memory_space<vmem>>, %arg2: memref<1x1024x128xf32, #tpu.memory_space<vmem>>, %arg3: memref<1x1024x128xf32, #tpu.memory_space<vmem>>, %arg4: memref<1x1024x128xf32, #tpu.memory_space<vmem>>, %arg5: memref<1024x128xf32, #tpu.memory_space<vmem>>) attributes {dimension_semantics = [#tpu.dimension_semantics<arbitrary>], iteration_bounds = array<i64: 10>, scalar_prefetch = 0 : i64, scratch_operands = 0 : i64, tpu.core_type = #tpu.core_type<tc>, window_params = [{transform_indices = @transform_0, window_bounds = array<i64: 1, 1024, 128>}, {transform_indices = @transform_1, window_bounds = array<i64: 1, 1024, 128>}, {transform_indices = @transform_2, window_bounds = array<i64: 1, 1024, 128>}, {transform_indices = @transform_3, window_bounds = array<i64: 1, 1024, 128>}, {transform_indices = @transform_4, window_bounds = array<i64: 1024, 128>}]} {
    %get3A = arith.constant 0 : index
    %get3A_0 = arith.constant 0 : index
    %get3A_1 = arith.constant 0 : index
    %get3A_2 = vector.load %arg1[%get3A, %get3A_0, %get3A_1] : memref<1x1024x128xf32, #tpu.memory_space<vmem>>, vector<1x1024x128xf32>
    %get3A_3 = vector.shape_cast %get3A_2 : vector<1x1024x128xf32> to vector<1024x128xf32>
    %get3A_4 = arith.constant 0 : index
    %get3A_5 = arith.constant 0 : index
    %get3A_6 = arith.constant 0 : index
    %get3A_7 = vector.load %arg2[%get3A_4, %get3A_5, %get3A_6] : memref<1x1024x128xf32, #tpu.memory_space<vmem>>, vector<1x1024x128xf32>
    %get3A_8 = vector.shape_cast %get3A_7 : vector<1x1024x128xf32> to vector<1024x128xf32>
    %add3A = arith.addf %get3A_3, %get3A_8 : vector<1024x128xf32>
    %get3A_9 = arith.constant 0 : index
    %get3A_10 = arith.constant 0 : index
    %get3A_11 = arith.constant 0 : index
    %get3A_12 = vector.load %arg3[%get3A_9, %get3A_10, %get3A_11] : memref<1x1024x128xf32, #tpu.memory_space<vmem>>, vector<1x1024x128xf32>
    %get3A_13 = vector.shape_cast %get3A_12 : vector<1x1024x128xf32> to vector<1024x128xf32>
    %get3A_14 = arith.constant 0 : index
    %get3A_15 = arith.constant 0 : index
    %get3A_16 = arith.constant 0 : index
    %get3A_17 = vector.load %arg4[%get3A_14, %get3A_15, %get3A_16] : memref<1x1024x128xf32, #tpu.memory_space<vmem>>, vector<1x1024x128xf32>
    %get3A_18 = vector.shape_cast %get3A_17 : vector<1x1024x128xf32> to vector<1024x128xf32>
    %add3A_19 = arith.addf %get3A_13, %get3A_18 : vector<1024x128xf32>
    %slice3A = vector.extract_strided_slice %add3A_19 {offsets = [0, 0], sizes = [1024, 1], strides = [1, 1]} : vector<1024x128xf32> to vector<1024x1xf32>
    %max3A = arith.constant 1.000000e+00 : f32
    %max3A_20 = vector.broadcast %max3A : f32 to vector<1024x1xf32>
    %max3A_21 = arith.maximumf %slice3A, %max3A_20 : vector<1024x1xf32>
    %rsqrt3A = math.rsqrt %max3A_21 : vector<1024x1xf32>
    %mul3A = vector.broadcast %rsqrt3A : vector<1024x1xf32> to vector<1024x128xf32>
    %mul3A_22 = arith.mulf %add3A, %mul3A : vector<1024x128xf32>
    %iota3A = tpu.iota {dimensions = array<i32: 1>} : vector<1024x128xi32>
    %lt3A = arith.constant 40 : i32
    %lt3A_23 = vector.broadcast %lt3A : i32 to vector<1024x128xi32>
    %lt3A_24 = arith.cmpi slt, %iota3A, %lt3A_23 : vector<1024x128xi32>
    %jit3A = arith.constant 0xFF800000 : f32
    %broadcast_in_dim3A = vector.broadcast %jit3A : f32 to vector<1024x128xf32>
    %select_n3A = arith.select %lt3A_24, %mul3A_22, %broadcast_in_dim3A : vector<1024x128xi1>, vector<1024x128xf32>
    %reduce_max3A = arith.constant dense<0xFF800000> : vector<1024xf32>
    %reduce_max3A_25 = vector.multi_reduction <maximumf>, %select_n3A, %reduce_max3A [1] : vector<1024x128xf32> to vector<1024xf32>
    %broadcast_in_dim3A_26 = vector.shape_cast %reduce_max3A_25 : vector<1024xf32> to vector<1024x1xf32>
    %sub3A = vector.broadcast %broadcast_in_dim3A_26 : vector<1024x1xf32> to vector<1024x128xf32>
    %sub3A_27 = arith.subf %select_n3A, %sub3A : vector<1024x128xf32>
    %exp3A = math.exp %sub3A_27 : vector<1024x128xf32>
    %jit3A_28 = arith.constant 0.000000e+00 : f32
    %broadcast_in_dim3A_29 = vector.broadcast %jit3A_28 : f32 to vector<1024x128xf32>
    %select_n3A_30 = arith.select %lt3A_24, %exp3A, %broadcast_in_dim3A_29 : vector<1024x128xi1>, vector<1024x128xf32>
    %reduce_sum3A = arith.constant dense<0.000000e+00> : vector<1024xf32>
    %reduce_sum3A_31 = vector.multi_reduction <add>, %select_n3A_30, %reduce_sum3A [1] : vector<1024x128xf32> to vector<1024xf32>
    %broadcast_in_dim3A_32 = vector.shape_cast %reduce_sum3A_31 : vector<1024xf32> to vector<1024x1xf32>
    %div3A = vector.broadcast %broadcast_in_dim3A_32 : vector<1024x1xf32> to vector<1024x128xf32>
    %div3A_33 = arith.divf %select_n3A_30, %div3A : vector<1024x128xf32>
    %swap3A = arith.constant 0 : index
    %swap3A_34 = arith.constant 0 : index
    %swap3A_35 = vector.load %arg5[%swap3A, %swap3A_34] : memref<1024x128xf32, #tpu.memory_space<vmem>>, vector<1024x128xf32>
    tpu.vector_store %arg5[%swap3A, %swap3A_34], %div3A_33 {strides = array<i32>} : memref<1024x128xf32, #tpu.memory_space<vmem>>, vector<1024x128xf32>,
    return
  }
  func.func @transform_0(%arg0: i32) -> (i32, i32, i32) {
    %c0_i32 = arith.constant 0 : i32
    %c0_i32_0 = arith.constant 0 : i32
    %c0_i32_1 = arith.constant 0 : i32
    return %c0_i32, %arg0, %c0_i32_0 : i32, i32, i32
  }
  func.func @transform_1(%arg0: i32) -> (i32, i32, i32) {
    %c1_i32 = arith.constant 1 : i32
    %c0_i32 = arith.constant 0 : i32
    %c0_i32_0 = arith.constant 0 : i32
    return %c1_i32, %arg0, %c0_i32 : i32, i32, i32
  }
  func.func @transform_2(%arg0: i32) -> (i32, i32, i32) {
    %c0_i32 = arith.constant 0 : i32
    %c0_i32_0 = arith.constant 0 : i32
    %c0_i32_1 = arith.constant 0 : i32
    return %c0_i32, %arg0, %c0_i32_0 : i32, i32, i32
  }
  func.func @transform_3(%arg0: i32) -> (i32, i32, i32) {
    %c1_i32 = arith.constant 1 : i32
    %c0_i32 = arith.constant 0 : i32
    %c0_i32_0 = arith.constant 0 : i32
    return %c1_i32, %arg0, %c0_i32 : i32, i32, i32
  }
  func.func @transform_4(%arg0: i32) -> (i32, i32) {
    %c0_i32 = arith.constant 0 : i32
    %c0_i32_0 = arith.constant 0 : i32
    return %arg0, %c0_i32 : i32, i32
  }
}

</mosaic_0001>

<sc_bundles>
// kernel: kernel.12.cloned.1.call-start
scs
__scs_entry_jumppad:
0x0: {  	(pc) =	sbr.rel $0x88, $3  }
0x1: {  	(tag) =	ssettag $0x0;
	lr =	simm.s32 $0x1  }
0x2: {  	[smem:$0x3F99] =	sst lr;
	_ =	strace $0xD0000000  }
0x3: {  	_ = 	snop  }
0x4: {  	_ = 	snop  }
0x5: {  	_ = 	snop  }
0x6: {  	_ = 	snop  }
0x7: {  	_ = 	snop  }
__scs_overlays_trampoline_lowered:
0x8: {  	[smem:$0x3FA8] =	sst s0  }
0x9: {  	[smem:$0x3FA9] =	sst s1  }
0xa: {  	[smem:$0x3FAA] =	sst s2  }
0xb: {  	[smem:$0x3FAB] =	sst s3  }
0xc: {  	[smem:$0x3FAC] =	sst s4  }
0xd: {  	[smem:$0x3FAD] =	sst s5  }
0xe: {  	[smem:$0x3FAE] =	sst s6  }
0xf: {  	[smem:$0x3FAF] =	sst s7  }
0x10: {  	[smem:$0x3FB0] =	sst s8  }
0x11: {  	[smem:$0x3FB1] =	sst s9;
	s0 =	simm.s32 @!p0 $0x0  }
0x12: {  	s1 =	sld [smem:$0x3F97];
	s0 =	simm.s32 @p0 $0x1  }
0x13: {  	[smem:$0x3FB2] =	sst s0;
	s0 =	simm.s32 @!p1 $0x0  }
0x14: {  	s2 =	sld [smem:$0x3F96];
	s0 =	simm.s32 @p1 $0x1  }
0x15: {  	[smem:$0x3FB3] =	sst s0;
	s0 =	simm.s32 @!p2 $0x0  }
0x16: {  	s3 =	sld [smem:$0x3FDB];
	s0 =	simm.s32 @p2 $0x1  }
0x17: {  	s4 =	simm.s32 $0x1BF5;
	[smem:$0x3FB5] =	sst s0  }
0x18: {  	s0 =	sld [smem:$0x3F98];
	_ =	swait.ge [sflag:s4], $0x0  }
0x19: {  	s7 =	sld [smem:$0x3F99]  }
0x1a: {  	s8 =	sadd.s32 $0xFFFFE003, lr  }
0x1b: {  	s9 =	sadd.s32 $0xFFFFFEF7, lr;
	s5 =	simm.s32 $0xFFFFFFFF;
	p2 =	slt.u32 s8, $0xFFFFF086  }
0x1c: {  	p1 =	slt.u32 s9, $0xF7A;
	s5 =	simm.s32 @!p2 $0x0  }
0x1d: {  	s5 =	simm.s32 @p1 $0x1;
	p0 =	seq.s32 s7, s2  }
0x1e: {  	s7 =	smul.u32 @!p0 $0xF7A, s2;
	p2 =	seq.s32 @!p0 s5, $0x0  }
0x1f: {  	s9 =	smul.u32 $0xF7A, s1;
	s8 =	simm.s32 @!p0 $0x1BF5;
	p2 =	por !p2, p0  }
0x20: {  	[sflag:s8] =	ssyncset.s32 @!p0 $0xFFFFF086;
	s6 =	sadd.s32 @!p0 s3, s7;
	s7 =	simm.s32 @!p0 $0x108  }
0x21: {  	s3 =	sadd.s32 s3, s9;
	s6 =	sadd.s32 @!p0 $0x88, s6;
	s7 =	simm.s32 @p2 $0x1082  }
0x22: {  	[simem:s7], [sflag:s8] =	dma.local @!p0 [hbm:s6], $0xF7A  }
0x23: {  	s9 =	sor.u32 $0xD0000000, s2;
	s6 =	simm.s32 $0x108;
	_ =	swait.ge @!p0 [sflag:s8], $0x0  }
0x24: {  	s3 =	sadd.s32 $0x88, s3;
	s6 =	simm.s32 @!p1 $0x1082;
	[sflag:s4] =	ssyncset.s32 $0xFFFFF086  }
0x25: {  	[simem:s6], [sflag:s4] =	dma.local [hbm:s3], $0xF7A  }
0x26: {  	[smem:$0x3F99] =	sst s1;
	(tag) =	ssettag s2;
	_ =	strace s9  }
0x27: {  	s1 =	sld [smem:$0x3FA9]  }
0x28: {  	s2 =	sld [smem:$0x3FAA]  }
0x29: {  	s4 =	sld [smem:$0x3FAC]  }
0x2a: {  	p0 =	seq.s32 s5, $0x0;
	s5 =	sld [smem:$0x3FAD]  }
0x2b: {  	s6 =	sld [smem:$0x3FAE]  }
0x2c: {  	s7 =	sld [smem:$0x3FAF]  }
0x2d: {  	s3 =	simm.s32 $0x108;
	s8 =	sld [smem:$0x3FB0]  }
0x2e: {  	s3 =	simm.s32 @!p0 $0x1082;
	s9 =	sld [smem:$0x3FB1]  }
0x2f: {  	lr =	sadd.s32 s0, s3;
	s0 =	sld [smem:$0x3FA8]  }
0x30: {  	s3 =	sld [smem:$0x3FAB]  }
0x31: {  	[smem:$0x3FB4] =	sst s10  }
0x32: {  	s10 =	sld [smem:$0x3FB2];
	_ =	sdelay $0x3  }
0x33: {  	p0 =	seq.s32 s10, $0x1;
	s10 =	sld [smem:$0x3FB4];
	_ =	sdelay $0x3  }
0x34: {  	[smem:$0x3FB4] =	sst s10  }
0x35: {  	s10 =	sld [smem:$0x3FB3];
	_ =	sdelay $0x3  }
0x36: {  	p1 =	seq.s32 s10, $0x1;
	s10 =	sld [smem:$0x3FB4];
	_ =	sdelay $0x3  }
0x37: {  	[smem:$0x3FB4] =	sst s10  }
0x38: {  	s10 =	sld [smem:$0x3FB5]  }
0x39: {  	_ = 	snop;
	(pc) =	sbr.ind lr, $3  }
0x3a: {  	_ = 	snop  }
0x3b: {  	_ = 	snop  }
0x3c: {  	p2 =	seq.s32 s10, $0x1;
	s10 =	sld [smem:$0x3FB4]  }
0x3d: {  	_ =	shalt  }
0x3e: {  	_ =	shalt  }
0x3f: {  	_ =	shalt  }
0x40: {  	_ =	shalt  }
0x41: {  	_ =	shalt  }
0x42: {  	_ =	shalt  }
0x43: {  	_ =	shalt  }
0x44: {  	_ =	shalt  }
0x45: {  	_ =	shalt  }
0x46: {  	_ =	shalt  }
0x47: {  	_ =	shalt  }
0x48: {  	_ =	shalt  }
0x49: {  	_ =	shalt  }
0x4a: {  	_ =	shalt  }
0x4b: {  	_ =	shalt  }
0x4c: {  	_ =	shalt  }
0x4d: {  	_ =	shalt  }
0x4e: {  	_ =	shalt  }
0x4f: {  	_ =	shalt  }
0x50: {  	_ =	shalt  }
0x51: {  	_ =	shalt  }
0x52: {  	_ =	shalt  }
0x53: {  	_ =	shalt  }
0x54: {  	_ =	shalt  }
0x55: {  	_ =	shalt  }
0x56: {  	_ =	shalt  }
0x57: {  	_ =	shalt  }
0x58: {  	_ =	shalt  }
0x59: {  	_ =	shalt  }
0x5a: {  	_ =	shalt  }
0x5b: {  	_ =	shalt  }
0x5c: {  	_ =	shalt  }
0x5d: {  	_ =	shalt  }
0x5e: {  	_ =	shalt  }
0x5f: {  	_ =	shalt  }
0x60: {  	_ =	shalt  }
0x61: {  	_ =	shalt  }
0x62: {  	_ =	shalt  }
0x63: {  	_ =	shalt  }
0x64: {  	_ =	shalt  }
0x65: {  	_ =	shalt  }
0x66: {  	_ =	shalt  }
0x67: {  	_ =	shalt  }
0x68: {  	_ =	shalt  }
0x69: {  	_ =	shalt  }
0x6a: {  	_ =	shalt  }
0x6b: {  	_ =	shalt  }
0x6c: {  	_ =	shalt  }
0x6d: {  	_ =	shalt  }
0x6e: {  	_ =	shalt  }
0x6f: {  	_ =	shalt  }
0x70: {  	_ =	shalt  }
0x71: {  	_ =	shalt  }
0x72: {  	_ =	shalt  }
0x73: {  	_ =	shalt  }
0x74: {  	_ =	shalt  }
0x75: {  	_ =	shalt  }
0x76: {  	_ =	shalt  }
0x77: {  	_ =	shalt  }
0x78: {  	_ =	shalt  }
0x79: {  	_ =	shalt  }
0x7a: {  	_ =	shalt  }
0x7b: {  	_ =	shalt  }
0x7c: {  	_ =	shalt  }
0x7d: {  	_ =	shalt  }
0x7e: {  	_ =	shalt  }
0x7f: {  	_ =	shalt  }
0x80: {  	_ =	shalt  }
0x81: {  	_ =	shalt  }
0x82: {  	_ =	shalt  }
0x83: {  	_ =	shalt  }
0x84: {  	_ =	shalt  }
0x85: {  	_ =	shalt  }
0x86: {  	_ =	shalt  }
0x87: {  	_ =	shalt  }
.Lfunc_end0:
.L_simem_size_0:
called_computation.1_lowered:
.L_overlay_start_0:
0x88: {  	s2 =	sld [smem:$0x3FD9]  }
0x89: {  	s3 =	sld [smem:$0x3FFE];
	_ =	sdelay $0x1  }
0x8a: {  	s1 =	srdreg.scid  }
0x8b: {  	s0 =	sand.u32 $0x1, s1  }
0x8c: {  	s17 =	sshll.u32 s0, $0xA;
	s2 =	sadd.s32 s3, s2  }
0x8d: {  	s2 =	sadd.s32 s2, s17  }
0x8e: {  	[smem:$0x3FC0] =	sst s2  }
0x8f: {  	_ = 	snop  }
0x90: {  	s18 =	sld [smem:$0x3FD0];
	(tm) =	ssettm $0x1  }
0x91: {  	s19 =	sld [smem:$0x3FFB];
	_ =	sdelay $0x3  }
0x92: {  	_ =	strace s19  }
0x93: {  	s2 =	sld [smem:$0x3FFC];
	_ =	sdelay $0x3  }
0x94: {  	_ =	strace s2  }
0x95: {  	s2 =	sld [smem:$0x3FFD];
	_ =	sdelay $0x3  }
0x96: {  	_ =	strace s2  }
0x97: {  	_ =	strace $0x8FFFFFFF  }
0x98: {  	s20 =	sld [smem:$0x3FDB];
	_ =	sdelay $0x1  }
0x99: {  	s4 =	simm.s32 $_scs_section_size  }
0x9a: {  	s5 =	simm.s32 $_size__tile_overlayer_lowered;
	s6 =	simm.s32 $_tile_overlayer_lowered  }
0x9b: {  	s7 =	simm.s32 $0x1BFF;
	s21 =	sshll.u32 s6, $0x1;
	s4 =	sadd.s32 s4, s20  }
0x9c: {  	s22 =	simm.s32 $0x0;
	s5 =	sshll.u32 s5, $0x1;
	s6 =	sadd.s32 s21, s4  }
0x9d: {  	[timem:s22], [sflag:s7] =	dma.local [hbm:s6], s5  }
0x9e: {  	_ =	swait.ge [sflag:s7], s5  }
0x9f: {  	s5 =	ssub.s32 $0x0, s5;
	[sflag:s7] =	ssyncset.done $0x0  }
0xa0: {  	[sflag:s7] =	ssyncadd.s32 s5;
	_ =	sdelay $0x1  }
0xa1: {  	s23 =	simm.s32 $0x1B8B  }
0xa2: {  	_ =	swait.ge [sflag:s23], $0x1  }
0xa3: {  	[sflag:s23] =	ssyncset.done $0x0  }
0xa4: {  	[sflag:s23] =	ssyncadd.s32 $0xFFFFFFFF  }
0xa5: {  	s5 =	sld [smem:$0x0]  }
0xa6: {  	s6 =	sand.u32 $0xFFFFFFFE, s1  }
0xa7: {  	p0 =	sne.s32 s1, s6  }
0xa8: {  	s6 =	sshll.u32 @p0 s6, $0xE  }
0xa9: {  	s6 =	sadd.s32 @p0 $0x11B8D, s6;
	s7 =	sshll.u32 @p0 s5, $0x11  }
0xaa: {  	s6 =	sor.u32 @p0 s7, s6  }
0xab: {  	[sflag:s6] =	ssyncadd.remote.s32 @p0 $0x1;
	_ =	sdelay $0x1  }
0xac: {  	s6 =	simm.s32 @p0 $0x1B8D  }
0xad: {  	_ =	swait.eq @p0 [sflag:s6], $0x1  }
0xae: {  	[sflag:s6] =	ssyncadd.s32 @p0 $0xFFFFFFFF  }
0xaf: {  	s7 =	sshll.u32 @!p0 s1, $0xE  }
0xb0: {  	s7 =	sor.u32 @!p0 $0x4000, s7;
	s6 =	simm.s32 @!p0 $0x1B8D  }
0xb1: {  	s5 =	sshll.u32 @!p0 s5, $0x11;
	s7 =	sadd.s32 @!p0 $0x11B8D, s7;
	_ =	swait.eq @!p0 [sflag:s6], $0x1  }
0xb2: {  	s5 =	sor.u32 @!p0 s5, s7;
	[sflag:s6] =	ssyncadd.s32 @!p0 $0xFFFFFFFF  }
0xb3: {  	s25 =	simm.s32 $0x1B8E;
	s24 =	sld [smem:$0x3FFE];
	[sflag:s5] =	ssyncadd.remote.s32 @!p0 $0x1  }
0xb4: {  	s26 =	simm.s32 $execute0_lowered;
	[smem:$0x3FD2] =	sst s25  }
0xb5: {  	s6 =	sshll.u32 s26, $0x1;
	_ =	strace $0x80000049;
	[dreg:$0x1] =	wrdreg $0xFFFFFFFF  }
0xb6: {  	s28 =	simm.s32 $_size_execute0_lowered;
	s4 =	sadd.s32 s4, s6;
	[dreg:$0x0] =	wrdreg $0x0  }
0xb7: {  	s6 =	sshll.u32 s28, $0x1;
	[dreg:$0x2] =	wrdreg s4  }
0xb8: {  	[dreg:$0x3] =	wrdreg s6  }
0xb9: {  	[dreg:$0x4] =	wrdreg $0xC0  }
0xba: {  	_ =	task [dreg:s22], $0x5FFFF  }
0xbb: {  	[dreg:$0x1] =	wrdreg $0xFFFFFFFF  }
0xbc: {  	[dreg:$0x0] =	wrdreg $0x60  }
0xbd: {  	[dreg:$0x2] =	wrdreg s18  }
0xbe: {  	[dreg:$0x3] =	wrdreg s24  }
0xbf: {  	[dreg:$0x4] =	wrdreg $0x68000  }
0xc0: {  	[dreg:$0x5] =	wrdreg $0x9  }
0xc1: {  	_ =	task.clear_ibuf [dreg:s22], $0x6FFFF;
	_ =	strace $0x90000049  }
0xc2: {  	s29 =	simm.s32 $0x9;
	_ =	strace $0x8000004B  }
0xc3: {  	_ =	swait.ge [sflag:s29], $0x1  }
0xc4: {  	[sflag:s29] =	ssyncadd.s32 $0xFFFFFFFF  }
0xc5: {  	_ =	strace $0x9000004B  }
0xc6: {  	_ =	sfence  }
0xc7: {  	s30 =	sld [smem:$0x0];
	_ =	sdelay $0x2  }
0xc8: {  	s31 =	sshll.u32 s1, $0xD;
	s1 =	sshrl.u32 s1, $0x2  }
0xc9: {  	s4 =	sand.u32 $0x4000, s31;
	s1 =	sadd.s32 s1, s30  }
0xca: {  	s0 =	sor.u32 s4, s0;
	s1 =	sshll.u32 s1, $0x11  }
0xcb: {  	s0 =	sor.u32 s1, s0  }
0xcc: {  	s0 =	sadd.s32 $0x8F2B, s0  }
0xcd: {  	[sflag:s0] =	ssyncadd.remote.s32 $0x1  }
0xce: {  	_ =	sfence.sel $0xFFFF  }
0xcf: {  	[dreg:$0x0] =	wrdreg $0xFFFFFFFF;
	(pc) =	sbr.abs _section_cstart, $3  }
0xd0: {  	[dreg:$0x1] =	wrdreg $0xFFFFFFFF  }
0xd1: {  	_ =	task.clear_ibuf [dreg:s22], $0x2FFFF;
	_ =	strace $0x9FFFFFFF  }
0xd2: {  	(tm) =	ssettm $0x7FFFFFFF  }
0xd3: {  	_ =	shalt  }
tec
execute0_lowered:
.L_overlay_start_1:
0x0: {  	(tag) =	ssettag $0x1  }
0x1: {  	s5 =	rddreg [dreg:$0x0]  }
0x2: {  	s4 =	rddreg [dreg:$0x1]  }
0x3: {  	s1 =	rddreg [dreg:$0x2];
	s2 =	srdreg.scid  }
0x4: {  	s0 =	rddreg [dreg:$0x3];
	s3 =	simm.s32 $0x0;
	s12 =	simm.s32 $0x2800  }
0x5: {  	s13 =	simm.s32 $0x1;
	s6 =	sand.u32 $0x1, s2;
	s2 =	stileid.u32  }
0x6: {  	s14 =	simm.s32 $0x80;
	[smem:$0x7FF] =	sst s3;
	s7 =	smul.u32 $0x140000, s6  }
0x7: {  	s8 =	smul.u32 $0x14000, s2;
	_ =	strace $0x8000004A;
	s9 =	sshll.u32 s6, $0x4  }
0x8: {  	s30 =	smul.u32 $0x50000, s2;
	s6 =	ssub.s32 $0x2, s6;
	s15 =	sshll.u32 s2, $0x6  }
0x9: {  	s9 =	sor.u32 s2, s9;
	s31 =	sshrl.u32 s6, $0x1;
	s7 =	sadd.s32 s8, s7  }
0xa: {  	s15 =	sor.u32 $0x1C01, s15;
	s9 =	smul.u32 $0x500, s9;
	s7 =	sshrl.u32 s7, $0x3  }
0xb: {  	s8 =	sshrl.u32 s30, $0x2;
	s10 =	ssub.s32 s6, s31;
	s7 =	sadd.s32 s7, s4  }
0xc: {  	s4 =	sadd.s32 s8, s1;
	s5 =	sadd.s32 s5, s9;
	s6 =	sadd.s32 $0x5C200, s7  }
0xd: {  	v0 =	vimm.f32 $0.0e+00;
	vm0 =	vcmask $0x300;
	s7 =	smax.u32 s10, $0x1;
	s8 =	sadd.s32 $0x4000, s4;
	s9 =	sadd.s32 $0x8000, s4  }
0xe: {  	v1 =	vsel vm0, $0x3F800000, v0;
	s10 =	sadd.s32 $0xC000, s4;
	s11 =	sadd.s32 $0x10000, s4;
	s16 =	sshrl.u32 s4, $0x3  }
.LBB2_1:
0xf: {  	s17 =	simm.s32 $0x0;
	s18 =	simm.s32 $0x200  }
.LBB2_2:
0x10: {  	p0 =	sne.s32 s18, $0xFE00;
	[tilespmem:s17+$0x2870] =	vst v0  }
0x11: {  	[tilespmem:s17+$0x2800] =	vst v0  }
0x12: {  	[tilespmem:s17+$0x2810] =	vst v0  }
.Ltmp0:
0x13: {  	[tilespmem:s17+$0x2820] =	vst v0;
	(pc) =	sbr.rel @p0 .LBB2_2-.Ltmp0, $4  }
0x14: {  	[tilespmem:s17+$0x2830] =	vst v0  }
0x15: {  	[tilespmem:s17+$0x2840] =	vst v0  }
0x16: {  	[tilespmem:s17+$0x2850] =	vst v0  }
0x17: {  	[tilespmem:s17+$0x2860] =	vst v0;
	s17 =	sshra.s32 s18, $0x2;
	s18 =	sadd.s32 $0x200, s18  }
0x18: {  	[tilespmem:s17+$0x2870] =	vst v0  }
0x19: {  	[tilespmem:s17+$0x2800] =	vst v0  }
0x1a: {  	[tilespmem:s17+$0x2810] =	vst v0  }
0x1b: {  	[tilespmem:s17+$0x2820] =	vst v0  }
0x1c: {  	[tilespmem:s17+$0x2830] =	vst v0  }
0x1d: {  	[tilespmem:s17+$0x2840] =	vst v0  }
0x1e: {  	[tilespmem:s17+$0x2850] =	vst v0  }
0x1f: {  	[tilespmem:s17+$0x2860] =	vst v0  }
0x20: {  	[spmem:s4] =	stream.linear.scatter [tilespmem:s12], [sflag:$0x1], $0x4000, $0x38;
	[tilespmem:$0x1A800] =	vst v63  }
0x21: {  	_ =	swait.ge [sflag:s13], $0x4000  }
0x22: {  	[sflag:s13] =	ssyncset.done $0x0  }
0x23: {  	[sflag:s13] =	ssyncadd.s32 $0xFFFFC000  }
0x24: {  	[spmem:s8] =	stream.linear.scatter [tilespmem:s12], [sflag:$0x1], $0x4000, $0x38;
	[tilespmem:$0x1A800] =	vst v63  }
0x25: {  	_ =	swait.ge [sflag:s13], $0x4000  }
0x26: {  	[sflag:s13] =	ssyncset.done $0x0  }
0x27: {  	[sflag:s13] =	ssyncadd.s32 $0xFFFFC000  }
0x28: {  	[spmem:s9] =	stream.linear.scatter [tilespmem:s12], [sflag:$0x1], $0x4000, $0x38;
	[tilespmem:$0x1A800] =	vst v63  }
0x29: {  	_ =	swait.ge [sflag:s13], $0x4000  }
0x2a: {  	[sflag:s13] =	ssyncset.done $0x0  }
0x2b: {  	[sflag:s13] =	ssyncadd.s32 $0xFFFFC000  }
0x2c: {  	[spmem:s10] =	stream.linear.scatter [tilespmem:s12], [sflag:$0x1], $0x4000, $0x38;
	[tilespmem:$0x1A800] =	vst v63  }
0x2d: {  	_ =	swait.ge [sflag:s13], $0x4000  }
0x2e: {  	[sflag:s13] =	ssyncset.done $0x0  }
0x2f: {  	[sflag:s13] =	ssyncadd.s32 $0xFFFFC000  }
0x30: {  	[spmem:s11] =	stream.linear.scatter [tilespmem:s12], [sflag:$0x1], $0x4000, $0x38;
	[tilespmem:$0x1A800] =	vst v63  }
0x31: {  	_ =	swait.ge [sflag:s13], $0x4000  }
0x32: {  	[sflag:s13] =	ssyncset.done $0x0  }
0x33: {  	s17 =	simm.s32 $0x200;
	s18 =	simm.s32 $0x0;
	[sflag:s13] =	ssyncadd.s32 $0xFFFFC000  }
.LBB2_4:
0x34: {  	p0 =	sne.s32 s17, $0xFE00;
	[tilespmem:s18+$0x2800] =	vst v1;
	s18 =	smov.u32 s17;
	s17 =	sadd.s32 $0x200, s17  }
.Ltmp1:
0x35: {  	(pc) =	sbr.rel @p0 .LBB2_4-.Ltmp1, $2  }
0x36: {  	_ =	sdelay $0x2  }
0x37: {  	s18 =	sshra.s32 s18, $0x2  }
0x38: {  	[tilespmem:s18+$0x2800] =	vst v1  }
0x39: {  	s17 =	simm.s32 $0x0;
	[bflag:$0x0] =	sbarrier.arrive $0xFFFF  }
0x3a: {  	[tilespmem:s17], [sflag:$0x1] =	stream.linear.gather [hbm4b:s5+s17], $0x2800, $0x38;
	[tilespmem:$0x1A800] =	vst v63  }
0x3b: {  	_ =	swait.ge [sflag:s13], $0x2800  }
0x3c: {  	[sflag:s13] =	ssyncset.done $0x0  }
0x3d: {  	s31 =	simm.s32 $0x0;
	[sflag:s13] =	ssyncadd.s32 $0xFFFFD800  }
0x3e: {  	[spmem:s1] =	stream.indirect.scatter.add.f32 [tilespmem:s12], [sflag:$0x1], $0x80, s31, s14, $0xb8;
	[tilespmem:$0x1A800] =	vst v63  }
0x3f: {  	_ =	swait.ge [sflag:s13], $0x4000  }
0x40: {  	s17 =	simm.s32 $0x200;
	[sflag:s13] =	ssyncset.done $0x0  }
.LBB2_6:
0x41: {  	s18 =	sshra.s32 s17, $0x2;
	[sflag:s13] =	ssyncadd.s32 $0xFFFFC000;
	p0 =	sne.s32 s17, $0x9E00  }
0x42: {  	[spmem:s1] =	stream.indirect.scatter.add.f32 [tilespmem:s12], [sflag:$0x1], $0x80, s18, s14, $0xb8;
	[tilespmem:$0x1A800] =	vst v63  }
.Ltmp2:
0x43: {  	_ = 	snop;
	(pc) =	sbr.rel @p0 .LBB2_6-.Ltmp2, $4  }
0x44: {  	_ = 	snop  }
0x45: {  	s17 =	sadd.s32 $0x200, s17  }
0x46: {  	_ =	swait.ge [sflag:s13], $0x4000  }
0x47: {  	[sflag:s13] =	ssyncset.done $0x0  }
0x48: {  	s3 =	sadd.s32 $0x1, s3  }
0x49: {  	[sflag:s13] =	ssyncadd.s32 $0xFFFFC000;
	p0 =	sne.s32 s3, s7  }
.Ltmp3:
0x4a: {  	[bflag:$0x0] =	sbarrier.arrive $0xFFFF;
	(pc) =	sbr.rel @p0 .LBB2_1-.Ltmp3, $4  }
0x4b: {  	[hbm:s6], [sflag:s15] =	dma.local [spmem:s16], $0x2800  }
0x4c: {  	_ =	swait.ge [sflag:s13], $0x2800  }
0x4d: {  	[sflag:s13] =	ssyncset.done $0x0  }
0x4e: {  	[sflag:s13] =	ssyncadd.s32 $0xFFFFD800  }
0x4f: {  	_ =	sfence.sel $0x180000  }
0x50: {  	[bflag:$0x0] =	sbarrier.arrive $0xFFFF  }
0x51: {  	p0 =	sne.s32 s2, $0x0;
	_ =	strace $0x9000004A  }
0x52: {  	s0 =	sadd.s32 @!p0 $0x100000, s0;
	[bflag:$0x2] =	sbarrier.arrive $0xFFFF  }
0x53: {  	[sflag:s0] =	ssyncadd.tile.s32 @!p0 $0x1;
	_ =	shalt  }
.Lfunc_end2:
_tile_overlayer_lowered:
.L_overlay_start_2:
0x54: {  	(tag) =	ssettag $0x2  }
0x55: {  	s0 =	rddreg [dreg:$0x0];
	s2 =	stileid.u32  }
0x56: {  	s1 =	rddreg [dreg:$0x1];
	p0 =	sne.s32 s2, $0x0  }
0x57: {  	s3 =	rddreg [dreg:$0x2];
	[bflag:$0x3] =	sbarrier.arrive $0xFFFF;
	s2 =	simm.s32 @!p0 $0x1C01  }
0x58: {  	[timem:s3], [sflag:s2] =	dma.local @!p0 [hbm:s0], s1  }
0x59: {  	s0 =	simm.s32 @!p0 $0x1  }
0x5a: {  	_ =	swait.ge @!p0 [sflag:s0], s1  }
0x5b: {  	s1 =	ssub.s32 @!p0 $0x0, s1;
	[sflag:s0] =	ssyncset.done @!p0 $0x0  }
0x5c: {  	[sflag:s0] =	ssyncadd.s32 @!p0 s1  }
0x5d: {  	[bflag:$0x3] =	sbarrier.arrive $0xFFFF  }
0x5e: {  	_ =	shalt  }

// kernel: kernel.15.cloned.1.call-start
scs
__scs_entry_jumppad:
0x0: {  	(pc) =	sbr.rel $0x88, $3  }
0x1: {  	(tag) =	ssettag $0x0;
	lr =	simm.s32 $0x1  }
0x2: {  	[smem:$0x3F99] =	sst lr;
	_ =	strace $0xD0000000  }
0x3: {  	_ = 	snop  }
0x4: {  	_ = 	snop  }
0x5: {  	_ = 	snop  }
0x6: {  	_ = 	snop  }
0x7: {  	_ = 	snop  }
__scs_overlays_trampoline_lowered:
0x8: {  	[smem:$0x3FA8] =	sst s0  }
0x9: {  	[smem:$0x3FA9] =	sst s1  }
0xa: {  	[smem:$0x3FAA] =	sst s2  }
0xb: {  	[smem:$0x3FAB] =	sst s3  }
0xc: {  	[smem:$0x3FAC] =	sst s4  }
0xd: {  	[smem:$0x3FAD] =	sst s5  }
0xe: {  	[smem:$0x3FAE] =	sst s6  }
0xf: {  	[smem:$0x3FAF] =	sst s7  }
0x10: {  	[smem:$0x3FB0] =	sst s8  }
0x11: {  	[smem:$0x3FB1] =	sst s9;
	s0 =	simm.s32 @!p0 $0x0  }
0x12: {  	s1 =	sld [smem:$0x3F97];
	s0 =	simm.s32 @p0 $0x1  }
0x13: {  	[smem:$0x3FB2] =	sst s0;
	s0 =	simm.s32 @!p1 $0x0  }
0x14: {  	s2 =	sld [smem:$0x3F96];
	s0 =	simm.s32 @p1 $0x1  }
0x15: {  	[smem:$0x3FB3] =	sst s0;
	s0 =	simm.s32 @!p2 $0x0  }
0x16: {  	s3 =	sld [smem:$0x3FDB];
	s0 =	simm.s32 @p2 $0x1  }
0x17: {  	s4 =	simm.s32 $0x1BF5;
	[smem:$0x3FB5] =	sst s0  }
0x18: {  	s0 =	sld [smem:$0x3F98];
	_ =	swait.ge [sflag:s4], $0x0  }
0x19: {  	s7 =	sld [smem:$0x3F99]  }
0x1a: {  	s8 =	sadd.s32 $0xFFFFE003, lr  }
0x1b: {  	s9 =	sadd.s32 $0xFFFFFEF7, lr;
	s5 =	simm.s32 $0xFFFFFFFF;
	p2 =	slt.u32 s8, $0xFFFFF086  }
0x1c: {  	p1 =	slt.u32 s9, $0xF7A;
	s5 =	simm.s32 @!p2 $0x0  }
0x1d: {  	s5 =	simm.s32 @p1 $0x1;
	p0 =	seq.s32 s7, s2  }
0x1e: {  	s7 =	smul.u32 @!p0 $0xF7A, s2;
	p2 =	seq.s32 @!p0 s5, $0x0  }
0x1f: {  	s9 =	smul.u32 $0xF7A, s1;
	s8 =	simm.s32 @!p0 $0x1BF5;
	p2 =	por !p2, p0  }
0x20: {  	[sflag:s8] =	ssyncset.s32 @!p0 $0xFFFFF086;
	s6 =	sadd.s32 @!p0 s3, s7;
	s7 =	simm.s32 @!p0 $0x108  }
0x21: {  	s3 =	sadd.s32 s3, s9;
	s6 =	sadd.s32 @!p0 $0x88, s6;
	s7 =	simm.s32 @p2 $0x1082  }
0x22: {  	[simem:s7], [sflag:s8] =	dma.local @!p0 [hbm:s6], $0xF7A  }
0x23: {  	s9 =	sor.u32 $0xD0000000, s2;
	s6 =	simm.s32 $0x108;
	_ =	swait.ge @!p0 [sflag:s8], $0x0  }
0x24: {  	s3 =	sadd.s32 $0x88, s3;
	s6 =	simm.s32 @!p1 $0x1082;
	[sflag:s4] =	ssyncset.s32 $0xFFFFF086  }
0x25: {  	[simem:s6], [sflag:s4] =	dma.local [hbm:s3], $0xF7A  }
0x26: {  	[smem:$0x3F99] =	sst s1;
	(tag) =	ssettag s2;
	_ =	strace s9  }
0x27: {  	s1 =	sld [smem:$0x3FA9]  }
0x28: {  	s2 =	sld [smem:$0x3FAA]  }
0x29: {  	s4 =	sld [smem:$0x3FAC]  }
0x2a: {  	p0 =	seq.s32 s5, $0x0;
	s5 =	sld [smem:$0x3FAD]  }
0x2b: {  	s6 =	sld [smem:$0x3FAE]  }
0x2c: {  	s7 =	sld [smem:$0x3FAF]  }
0x2d: {  	s3 =	simm.s32 $0x108;
	s8 =	sld [smem:$0x3FB0]  }
0x2e: {  	s3 =	simm.s32 @!p0 $0x1082;
	s9 =	sld [smem:$0x3FB1]  }
0x2f: {  	lr =	sadd.s32 s0, s3;
	s0 =	sld [smem:$0x3FA8]  }
0x30: {  	s3 =	sld [smem:$0x3FAB]  }
0x31: {  	[smem:$0x3FB4] =	sst s10  }
0x32: {  	s10 =	sld [smem:$0x3FB2];
	_ =	sdelay $0x3  }
0x33: {  	p0 =	seq.s32 s10, $0x1;
	s10 =	sld [smem:$0x3FB4];
	_ =	sdelay $0x3  }
0x34: {  	[smem:$0x3FB4] =	sst s10  }
0x35: {  	s10 =	sld [smem:$0x3FB3];
	_ =	sdelay $0x3  }
0x36: {  	p1 =	seq.s32 s10, $0x1;
	s10 =	sld [smem:$0x3FB4];
	_ =	sdelay $0x3  }
0x37: {  	[smem:$0x3FB4] =	sst s10  }
0x38: {  	s10 =	sld [smem:$0x3FB5]  }
0x39: {  	_ = 	snop;
	(pc) =	sbr.ind lr, $3  }
0x3a: {  	_ = 	snop  }
0x3b: {  	_ = 	snop  }
0x3c: {  	p2 =	seq.s32 s10, $0x1;
	s10 =	sld [smem:$0x3FB4]  }
0x3d: {  	_ =	shalt  }
0x3e: {  	_ =	shalt  }
0x3f: {  	_ =	shalt  }
0x40: {  	_ =	shalt  }
0x41: {  	_ =	shalt  }
0x42: {  	_ =	shalt  }
0x43: {  	_ =	shalt  }
0x44: {  	_ =	shalt  }
0x45: {  	_ =	shalt  }
0x46: {  	_ =	shalt  }
0x47: {  	_ =	shalt  }
0x48: {  	_ =	shalt  }
0x49: {  	_ =	shalt  }
0x4a: {  	_ =	shalt  }
0x4b: {  	_ =	shalt  }
0x4c: {  	_ =	shalt  }
0x4d: {  	_ =	shalt  }
0x4e: {  	_ =	shalt  }
0x4f: {  	_ =	shalt  }
0x50: {  	_ =	shalt  }
0x51: {  	_ =	shalt  }
0x52: {  	_ =	shalt  }
0x53: {  	_ =	shalt  }
0x54: {  	_ =	shalt  }
0x55: {  	_ =	shalt  }
0x56: {  	_ =	shalt  }
0x57: {  	_ =	shalt  }
0x58: {  	_ =	shalt  }
0x59: {  	_ =	shalt  }
0x5a: {  	_ =	shalt  }
0x5b: {  	_ =	shalt  }
0x5c: {  	_ =	shalt  }
0x5d: {  	_ =	shalt  }
0x5e: {  	_ =	shalt  }
0x5f: {  	_ =	shalt  }
0x60: {  	_ =	shalt  }
0x61: {  	_ =	shalt  }
0x62: {  	_ =	shalt  }
0x63: {  	_ =	shalt  }
0x64: {  	_ =	shalt  }
0x65: {  	_ =	shalt  }
0x66: {  	_ =	shalt  }
0x67: {  	_ =	shalt  }
0x68: {  	_ =	shalt  }
0x69: {  	_ =	shalt  }
0x6a: {  	_ =	shalt  }
0x6b: {  	_ =	shalt  }
0x6c: {  	_ =	shalt  }
0x6d: {  	_ =	shalt  }
0x6e: {  	_ =	shalt  }
0x6f: {  	_ =	shalt  }
0x70: {  	_ =	shalt  }
0x71: {  	_ =	shalt  }
0x72: {  	_ =	shalt  }
0x73: {  	_ =	shalt  }
0x74: {  	_ =	shalt  }
0x75: {  	_ =	shalt  }
0x76: {  	_ =	shalt  }
0x77: {  	_ =	shalt  }
0x78: {  	_ =	shalt  }
0x79: {  	_ =	shalt  }
0x7a: {  	_ =	shalt  }
0x7b: {  	_ =	shalt  }
0x7c: {  	_ =	shalt  }
0x7d: {  	_ =	shalt  }
0x7e: {  	_ =	shalt  }
0x7f: {  	_ =	shalt  }
0x80: {  	_ =	shalt  }
0x81: {  	_ =	shalt  }
0x82: {  	_ =	shalt  }
0x83: {  	_ =	shalt  }
0x84: {  	_ =	shalt  }
0x85: {  	_ =	shalt  }
0x86: {  	_ =	shalt  }
0x87: {  	_ =	shalt  }
.Lfunc_end0:
.L_simem_size_0:
called_computation.2_lowered:
.L_overlay_start_0:
0x88: {  	s2 =	sld [smem:$0x3FD9]  }
0x89: {  	s3 =	sld [smem:$0x3FFE];
	_ =	sdelay $0x1  }
0x8a: {  	s1 =	srdreg.scid  }
0x8b: {  	s0 =	sand.u32 $0x1, s1  }
0x8c: {  	s17 =	sshll.u32 s0, $0xA;
	s2 =	sadd.s32 s3, s2  }
0x8d: {  	s2 =	sadd.s32 s2, s17  }
0x8e: {  	[smem:$0x3FC0] =	sst s2  }
0x8f: {  	_ = 	snop  }
0x90: {  	s18 =	sld [smem:$0x3FD0];
	(tm) =	ssettm $0x1  }
0x91: {  	s19 =	sld [smem:$0x3FFB];
	_ =	sdelay $0x3  }
0x92: {  	_ =	strace s19  }
0x93: {  	s2 =	sld [smem:$0x3FFC];
	_ =	sdelay $0x3  }
0x94: {  	_ =	strace s2  }
0x95: {  	s2 =	sld [smem:$0x3FFD];
	_ =	sdelay $0x3  }
0x96: {  	_ =	strace s2  }
0x97: {  	_ =	strace $0x8FFFFFFF  }
0x98: {  	s20 =	sld [smem:$0x3FDB];
	_ =	sdelay $0x1  }
0x99: {  	s4 =	simm.s32 $_scs_section_size  }
0x9a: {  	s5 =	simm.s32 $_size__tile_overlayer_lowered;
	s6 =	simm.s32 $_tile_overlayer_lowered  }
0x9b: {  	s7 =	simm.s32 $0x1BFF;
	s21 =	sshll.u32 s6, $0x1;
	s4 =	sadd.s32 s4, s20  }
0x9c: {  	s22 =	simm.s32 $0x0;
	s5 =	sshll.u32 s5, $0x1;
	s6 =	sadd.s32 s21, s4  }
0x9d: {  	[timem:s22], [sflag:s7] =	dma.local [hbm:s6], s5  }
0x9e: {  	_ =	swait.ge [sflag:s7], s5  }
0x9f: {  	s5 =	ssub.s32 $0x0, s5;
	[sflag:s7] =	ssyncset.done $0x0  }
0xa0: {  	[sflag:s7] =	ssyncadd.s32 s5;
	_ =	sdelay $0x1  }
0xa1: {  	s23 =	simm.s32 $0x1B8B  }
0xa2: {  	_ =	swait.ge [sflag:s23], $0x1  }
0xa3: {  	[sflag:s23] =	ssyncset.done $0x0  }
0xa4: {  	[sflag:s23] =	ssyncadd.s32 $0xFFFFFFFF  }
0xa5: {  	s5 =	sld [smem:$0x0]  }
0xa6: {  	s6 =	sand.u32 $0xFFFFFFFE, s1  }
0xa7: {  	p0 =	sne.s32 s1, s6  }
0xa8: {  	s6 =	sshll.u32 @p0 s6, $0xE  }
0xa9: {  	s6 =	sadd.s32 @p0 $0x11B8D, s6;
	s7 =	sshll.u32 @p0 s5, $0x11  }
0xaa: {  	s6 =	sor.u32 @p0 s7, s6  }
0xab: {  	[sflag:s6] =	ssyncadd.remote.s32 @p0 $0x1;
	_ =	sdelay $0x1  }
0xac: {  	s6 =	simm.s32 @p0 $0x1B8D  }
0xad: {  	_ =	swait.eq @p0 [sflag:s6], $0x1  }
0xae: {  	[sflag:s6] =	ssyncadd.s32 @p0 $0xFFFFFFFF  }
0xaf: {  	s7 =	sshll.u32 @!p0 s1, $0xE  }
0xb0: {  	s7 =	sor.u32 @!p0 $0x4000, s7;
	s6 =	simm.s32 @!p0 $0x1B8D  }
0xb1: {  	s5 =	sshll.u32 @!p0 s5, $0x11;
	s7 =	sadd.s32 @!p0 $0x11B8D, s7;
	_ =	swait.eq @!p0 [sflag:s6], $0x1  }
0xb2: {  	s5 =	sor.u32 @!p0 s5, s7;
	[sflag:s6] =	ssyncadd.s32 @!p0 $0xFFFFFFFF  }
0xb3: {  	s25 =	simm.s32 $0x1B8E;
	s24 =	sld [smem:$0x3FFE];
	[sflag:s5] =	ssyncadd.remote.s32 @!p0 $0x1  }
0xb4: {  	s26 =	simm.s32 $execute0_lowered;
	[smem:$0x3FD2] =	sst s25  }
0xb5: {  	s6 =	sshll.u32 s26, $0x1;
	_ =	strace $0x8000004C;
	[dreg:$0x1] =	wrdreg $0xFFFFFFFF  }
0xb6: {  	s28 =	simm.s32 $_size_execute0_lowered;
	s4 =	sadd.s32 s4, s6;
	[dreg:$0x0] =	wrdreg $0x0  }
0xb7: {  	s6 =	sshll.u32 s28, $0x1;
	[dreg:$0x2] =	wrdreg s4  }
0xb8: {  	[dreg:$0x3] =	wrdreg s6  }
0xb9: {  	[dreg:$0x4] =	wrdreg $0xC0  }
0xba: {  	_ =	task [dreg:s22], $0x5FFFF  }
0xbb: {  	[dreg:$0x1] =	wrdreg $0xFFFFFFFF  }
0xbc: {  	[dreg:$0x0] =	wrdreg $0x60  }
0xbd: {  	[dreg:$0x2] =	wrdreg s24  }
0xbe: {  	[dreg:$0x3] =	wrdreg s18  }
0xbf: {  	[dreg:$0x4] =	wrdreg $0xA8000  }
0xc0: {  	[dreg:$0x5] =	wrdreg $0xA  }
0xc1: {  	_ =	task.clear_ibuf [dreg:s22], $0x6FFFF;
	_ =	strace $0x9000004C  }
0xc2: {  	s29 =	simm.s32 $0xA;
	_ =	strace $0x8000004E  }
0xc3: {  	_ =	swait.ge [sflag:s29], $0x1  }
0xc4: {  	[sflag:s29] =	ssyncadd.s32 $0xFFFFFFFF  }
0xc5: {  	_ =	strace $0x9000004E  }
0xc6: {  	_ =	sfence  }
0xc7: {  	s30 =	sld [smem:$0x0];
	_ =	sdelay $0x2  }
0xc8: {  	s31 =	sshll.u32 s1, $0xD;
	s1 =	sshrl.u32 s1, $0x2  }
0xc9: {  	s4 =	sand.u32 $0x4000, s31;
	s1 =	sadd.s32 s1, s30  }
0xca: {  	s0 =	sor.u32 s4, s0;
	s1 =	sshll.u32 s1, $0x11  }
0xcb: {  	s0 =	sor.u32 s1, s0  }
0xcc: {  	s0 =	sadd.s32 $0x8F2B, s0  }
0xcd: {  	[sflag:s0] =	ssyncadd.remote.s32 $0x1  }
0xce: {  	_ =	sfence.sel $0xFFFF  }
0xcf: {  	[dreg:$0x0] =	wrdreg $0xFFFFFFFF;
	(pc) =	sbr.abs _section_cstart, $3  }
0xd0: {  	[dreg:$0x1] =	wrdreg $0xFFFFFFFF  }
0xd1: {  	_ =	task.clear_ibuf [dreg:s22], $0x2FFFF;
	_ =	strace $0x9FFFFFFF  }
0xd2: {  	(tm) =	ssettm $0x7FFFFFFF  }
0xd3: {  	_ =	shalt  }
tec
execute0_lowered:
.L_overlay_start_1:
0x0: {  	(tag) =	ssettag $0x1  }
0x1: {  	s5 =	rddreg [dreg:$0x0]  }
0x2: {  	s9 =	rddreg [dreg:$0x1]  }
0x3: {  	s1 =	rddreg [dreg:$0x2];
	s2 =	srdreg.scid  }
0x4: {  	s0 =	rddreg [dreg:$0x3];
	s3 =	simm.s32 $0x0;
	s16 =	simm.s32 $0x2800  }
0x5: {  	s17 =	simm.s32 $0x3;
	s18 =	simm.s32 $0x1400;
	s19 =	simm.s32 $0x80  }
0x6: {  	s20 =	simm.s32 $0x1;
	s21 =	simm.s32 $0x6800;
	s22 =	simm.s32 $0x2  }
0x7: {  	s23 =	simm.s32 $0x1380;
	s24 =	simm.s32 $0x2700;
	s6 =	sand.u32 $0x1, s2  }
0x8: {  	s25 =	simm.s32 $0x2780;
	s2 =	stileid.u32;
	s7 =	smul.u32 $0x140000, s6  }
0x9: {  	[smem:$0x7FF] =	sst s3;
	s4 =	sadd.s32 $0xAC200, s5;
	s8 =	smul.u32 $0x14000, s2  }
0xa: {  	s10 =	sadd.s32 $0x2200, s5;
	s26 =	sshll.u32 s6, $0x4;
	s11 =	smul.u32 $0x50000, s2  }
0xb: {  	s28 =	ssub.s32 $0x2, s6;
	s7 =	sadd.s32 s8, s7;
	s8 =	sor.u32 s2, s26  }
0xc: {  	_ =	strace $0x8000004D;
	s30 =	sshrl.u32 s28, $0x1;
	s29 =	smul.u32 $0x2800, s8  }
0xd: {  	s11 =	sshrl.u32 s11, $0x2;
	s7 =	sshrl.u32 s7, $0x3;
	s8 =	smul.u32 $0x500, s8  }
0xe: {  	s13 =	ssub.s32 s28, s30;
	s12 =	sadd.s32 s7, s5;
	s5 =	sadd.s32 s11, s1  }
0xf: {  	s31 =	sshrl.u32 s29, $0x3;
	s6 =	sadd.s32 s10, s8;
	s7 =	sadd.s32 s9, s8  }
0x10: {  	s14 =	sadd.s32 $0xC000, s5;
	s15 =	sadd.s32 $0x10000, s5;
	s11 =	sadd.s32 $0x280, s31  }
0x11: {  	s8 =	sadd.s32 s10, s11;
	s9 =	sadd.s32 s9, s11;
	s10 =	sadd.s32 $0xD4200, s12  }
0x12: {  	v0 =	vimm.f32 $0.0e+00;
	s11 =	smax.u32 s13, $0x1;
	s12 =	sadd.s32 $0x4000, s5;
	s13 =	sadd.s32 $0x8000, s5  }
.LBB2_1:
0x13: {  	s26 =	simm.s32 $0x0;
	s28 =	simm.s32 $0x200  }
.LBB2_2:
0x14: {  	p0 =	sne.s32 s28, $0xFE00;
	[tilespmem:s26+$0x2870] =	vst v0  }
0x15: {  	[tilespmem:s26+$0x2800] =	vst v0  }
0x16: {  	[tilespmem:s26+$0x2810] =	vst v0  }
.Ltmp0:
0x17: {  	[tilespmem:s26+$0x2820] =	vst v0;
	(pc) =	sbr.rel @p0 .LBB2_2-.Ltmp0, $4  }
0x18: {  	[tilespmem:s26+$0x2830] =	vst v0  }
0x19: {  	[tilespmem:s26+$0x2840] =	vst v0  }
0x1a: {  	[tilespmem:s26+$0x2850] =	vst v0  }
0x1b: {  	[tilespmem:s26+$0x2860] =	vst v0;
	s26 =	sshra.s32 s28, $0x2;
	s28 =	sadd.s32 $0x200, s28  }
0x1c: {  	[tilespmem:s26+$0x2870] =	vst v0  }
0x1d: {  	[tilespmem:s26+$0x2800] =	vst v0  }
0x1e: {  	[tilespmem:s26+$0x2810] =	vst v0  }
0x1f: {  	[tilespmem:s26+$0x2820] =	vst v0  }
0x20: {  	[tilespmem:s26+$0x2830] =	vst v0  }
0x21: {  	[tilespmem:s26+$0x2840] =	vst v0  }
0x22: {  	[tilespmem:s26+$0x2850] =	vst v0  }
0x23: {  	[tilespmem:s26+$0x2860] =	vst v0  }
0x24: {  	[spmem:s5] =	stream.linear.scatter [tilespmem:s16], [sflag:$0x3], $0x4000, $0x38;
	[tilespmem:$0x1E800] =	vst v63  }
0x25: {  	_ =	swait.ge [sflag:s17], $0x4000  }
0x26: {  	[sflag:s17] =	ssyncset.done $0x0  }
0x27: {  	[sflag:s17] =	ssyncadd.s32 $0xFFFFC000  }
0x28: {  	[spmem:s12] =	stream.linear.scatter [tilespmem:s16], [sflag:$0x3], $0x4000, $0x38;
	[tilespmem:$0x1E800] =	vst v63  }
0x29: {  	_ =	swait.ge [sflag:s17], $0x4000  }
0x2a: {  	[sflag:s17] =	ssyncset.done $0x0  }
0x2b: {  	[sflag:s17] =	ssyncadd.s32 $0xFFFFC000  }
0x2c: {  	[spmem:s13] =	stream.linear.scatter [tilespmem:s16], [sflag:$0x3], $0x4000, $0x38;
	[tilespmem:$0x1E800] =	vst v63  }
0x2d: {  	_ =	swait.ge [sflag:s17], $0x4000  }
0x2e: {  	[sflag:s17] =	ssyncset.done $0x0  }
0x2f: {  	[sflag:s17] =	ssyncadd.s32 $0xFFFFC000  }
0x30: {  	[spmem:s14] =	stream.linear.scatter [tilespmem:s16], [sflag:$0x3], $0x4000, $0x38;
	[tilespmem:$0x1E800] =	vst v63  }
0x31: {  	_ =	swait.ge [sflag:s17], $0x4000  }
0x32: {  	[sflag:s17] =	ssyncset.done $0x0  }
0x33: {  	[sflag:s17] =	ssyncadd.s32 $0xFFFFC000  }
0x34: {  	[spmem:s15] =	stream.linear.scatter [tilespmem:s16], [sflag:$0x3], $0x4000, $0x38;
	[tilespmem:$0x1E800] =	vst v63  }
0x35: {  	_ =	swait.ge [sflag:s17], $0x4000  }
0x36: {  	[sflag:s17] =	ssyncset.done $0x0  }
0x37: {  	[sflag:s17] =	ssyncadd.s32 $0xFFFFC000  }
0x38: {  	s31 =	simm.s32 $0x0;
	[bflag:$0x0] =	sbarrier.arrive $0xFFFF  }
0x39: {  	[tilespmem:s31], [sflag:$0x3] =	stream.linear.gather [hbm4b:s6+s31], $0x1400, $0x38;
	[tilespmem:$0x1E800] =	vst v63  }
0x3a: {  	_ =	swait.ge [sflag:s17], $0x1400  }
0x3b: {  	[sflag:s17] =	ssyncset.done $0x0  }
0x3c: {  	[sflag:s17] =	ssyncadd.s32 $0xFFFFEC00  }
0x3d: {  	[tilespmem:s18], [sflag:$0x3] =	stream.linear.gather [hbm4b:s7+s31], $0x1400, $0x38;
	[tilespmem:$0x1E800] =	vst v63  }
0x3e: {  	_ =	swait.ge [sflag:s17], $0x1400  }
0x3f: {  	[sflag:s17] =	ssyncset.done $0x0  }
0x40: {  	[sflag:s17] =	ssyncadd.s32 $0xFFFFEC00  }
0x41: {  	[tilespmem:s16], [sflag:$0x1] =	stream.indirect.gather [hbm4b:s4+s19], $0x80, s31, s19, $0xb8;
	[tilespmem:$0x1E800] =	vst v63  }
0x42: {  	_ =	swait.ge [sflag:s20], $0x4000  }
0x43: {  	[sflag:s20] =	ssyncset.done $0x0  }
0x44: {  	s28 =	simm.s32 $0x80;
	[sflag:s20] =	ssyncadd.s32 $0xFFFFC000  }
0x45: {  	[tilespmem:s21], [sflag:$0x2] =	stream.indirect.gather [hbm4b:s4+s19], $0x80, s28, s19, $0xb8;
	[tilespmem:$0x1E800] =	vst v63  }
0x46: {  	s29 =	simm.s32 $0x1400  }
0x47: {  	[spmem:s1] =	stream.indirect.scatter.add.f32 [tilespmem:s16], [sflag:$0x3], $0x80, s29, s19, $0xb8;
	[tilespmem:$0x1E800] =	vst v63  }
0x48: {  	_ =	swait.ge [sflag:s17], $0x4000  }
0x49: {  	[sflag:s17] =	ssyncset.done $0x0  }
0x4a: {  	[sflag:s17] =	ssyncadd.s32 $0xFFFFC000  }
0x4b: {  	_ =	swait.ge [sflag:s22], $0x4000  }
0x4c: {  	[sflag:s22] =	ssyncset.done $0x0  }
0x4d: {  	s30 =	simm.s32 $0x100;
	[sflag:s22] =	ssyncadd.s32 $0xFFFFC000  }
0x4e: {  	[tilespmem:s16], [sflag:$0x1] =	stream.indirect.gather [hbm4b:s4+s19], $0x80, s30, s19, $0xb8;
	[tilespmem:$0x1E800] =	vst v63  }
0x4f: {  	s31 =	simm.s32 $0x1480  }
0x50: {  	[spmem:s1] =	stream.indirect.scatter.add.f32 [tilespmem:s21], [sflag:$0x3], $0x80, s31, s19, $0xb8;
	[tilespmem:$0x1E800] =	vst v63  }
0x51: {  	_ =	swait.ge [sflag:s17], $0x4000  }
0x52: {  	s26 =	simm.s32 $0x400;
	[sflag:s17] =	ssyncset.done $0x0  }
.LBB2_4:
0x53: {  	p0 =	sne.s32 s26, $0x4800  }
0x54: {  	[sflag:s17] =	ssyncadd.s32 $0xFFFFC000;
	s28 =	smov.u32 s26;
	s26 =	sadd.s32 $0x400, s26  }
0x55: {  	_ = 	snop  }
0x56: {  	_ =	swait.ge [sflag:s20], $0x4000  }
0x57: {  	s28 =	sshra.s32 s28, $0x2;
	[sflag:s20] =	ssyncset.done $0x0  }
0x58: {  	s29 =	sadd.s32 $0x80, s28;
	[sflag:s20] =	ssyncadd.s32 $0xFFFFC000  }
0x59: {  	[tilespmem:s21], [sflag:$0x2] =	stream.indirect.gather [hbm4b:s4+s19], $0x80, s29, s19, $0xb8;
	[tilespmem:$0x1E800] =	vst v63  }
0x5a: {  	s29 =	sadd.s32 $0x1400, s28  }
0x5b: {  	[spmem:s1] =	stream.indirect.scatter.add.f32 [tilespmem:s16], [sflag:$0x3], $0x80, s29, s19, $0xb8;
	[tilespmem:$0x1E800] =	vst v63  }
0x5c: {  	_ =	swait.ge [sflag:s17], $0x4000  }
0x5d: {  	[sflag:s17] =	ssyncset.done $0x0  }
0x5e: {  	[sflag:s17] =	ssyncadd.s32 $0xFFFFC000  }
0x5f: {  	_ =	swait.ge [sflag:s22], $0x4000  }
0x60: {  	[sflag:s22] =	ssyncset.done $0x0  }
0x61: {  	s29 =	sadd.s32 $0x100, s28;
	[sflag:s22] =	ssyncadd.s32 $0xFFFFC000  }
0x62: {  	[tilespmem:s16], [sflag:$0x1] =	stream.indirect.gather [hbm4b:s4+s19], $0x80, s29, s19, $0xb8;
	[tilespmem:$0x1E800] =	vst v63  }
.Ltmp1:
0x63: {  	_ = 	snop;
	(pc) =	sbr.rel @p0 .LBB2_4-.Ltmp1, $4  }
0x64: {  	s28 =	sadd.s32 $0x1480, s28  }
0x65: {  	[spmem:s1] =	stream.indirect.scatter.add.f32 [tilespmem:s21], [sflag:$0x3], $0x80, s28, s19, $0xb8;
	[tilespmem:$0x1E800] =	vst v63  }
0x66: {  	_ =	swait.ge [sflag:s17], $0x4000  }
0x67: {  	[sflag:s17] =	ssyncset.done $0x0  }
0x68: {  	[sflag:s17] =	ssyncadd.s32 $0xFFFFC000  }
0x69: {  	_ =	swait.ge [sflag:s20], $0x4000  }
0x6a: {  	[sflag:s20] =	ssyncset.done $0x0  }
0x6b: {  	[sflag:s20] =	ssyncadd.s32 $0xFFFFC000  }
0x6c: {  	[tilespmem:s21], [sflag:$0x2] =	stream.indirect.gather [hbm4b:s4+s19], $0x80, s23, s19, $0xb8;
	[tilespmem:$0x1E800] =	vst v63  }
0x6d: {  	_ = 	snop  }
0x6e: {  	[spmem:s1] =	stream.indirect.scatter.add.f32 [tilespmem:s16], [sflag:$0x3], $0x80, s24, s19, $0xb8;
	[tilespmem:$0x1E800] =	vst v63  }
0x6f: {  	_ =	swait.ge [sflag:s17], $0x4000  }
0x70: {  	[sflag:s17] =	ssyncset.done $0x0  }
0x71: {  	[sflag:s17] =	ssyncadd.s32 $0xFFFFC000  }
0x72: {  	_ =	swait.ge [sflag:s22], $0x4000  }
0x73: {  	[sflag:s22] =	ssyncset.done $0x0  }
0x74: {  	[sflag:s22] =	ssyncadd.s32 $0xFFFFC000  }
0x75: {  	[tilespmem:s16], [sflag:$0x1] =	stream.indirect.gather [hbm4b:s4+s19], $0x80, s23, s19, $0xb8;
	[tilespmem:$0x1E800] =	vst v63  }
0x76: {  	_ = 	snop  }
0x77: {  	[spmem:s1] =	stream.indirect.scatter.add.f32 [tilespmem:s21], [sflag:$0x3], $0x80, s25, s19, $0xb8;
	[tilespmem:$0x1E800] =	vst v63  }
0x78: {  	_ =	swait.ge [sflag:s17], $0x4000  }
0x79: {  	[sflag:s17] =	ssyncset.done $0x0  }
0x7a: {  	[sflag:s17] =	ssyncadd.s32 $0xFFFFC000  }
0x7b: {  	_ =	swait.ge [sflag:s20], $0x4000  }
0x7c: {  	[sflag:s20] =	ssyncset.done $0x0  }
0x7d: {  	s26 =	simm.s32 $0x0;
	[sflag:s20] =	ssyncadd.s32 $0xFFFFC000  }
0x7e: {  	[tilespmem:s26], [sflag:$0x3] =	stream.linear.gather [hbm4b:s8+s26], $0x1400, $0x38;
	[tilespmem:$0x1E800] =	vst v63  }
0x7f: {  	_ =	swait.ge [sflag:s17], $0x1400  }
0x80: {  	[sflag:s17] =	ssyncset.done $0x0  }
0x81: {  	[sflag:s17] =	ssyncadd.s32 $0xFFFFEC00  }
0x82: {  	[tilespmem:s18], [sflag:$0x3] =	stream.linear.gather [hbm4b:s9+s26], $0x1400, $0x38;
	[tilespmem:$0x1E800] =	vst v63  }
0x83: {  	_ =	swait.ge [sflag:s17], $0x1400  }
0x84: {  	[sflag:s17] =	ssyncset.done $0x0  }
0x85: {  	[sflag:s17] =	ssyncadd.s32 $0xFFFFEC00  }
0x86: {  	[tilespmem:s16], [sflag:$0x1] =	stream.indirect.gather [hbm4b:s4+s19], $0x80, s26, s19, $0xb8;
	[tilespmem:$0x1E800] =	vst v63  }
0x87: {  	_ =	swait.ge [sflag:s20], $0x4000  }
0x88: {  	[sflag:s20] =	ssyncset.done $0x0  }
0x89: {  	s28 =	simm.s32 $0x80;
	[sflag:s20] =	ssyncadd.s32 $0xFFFFC000  }
0x8a: {  	[tilespmem:s21], [sflag:$0x2] =	stream.indirect.gather [hbm4b:s4+s19], $0x80, s28, s19, $0xb8;
	[tilespmem:$0x1E800] =	vst v63  }
0x8b: {  	s29 =	simm.s32 $0x1400  }
0x8c: {  	[spmem:s1] =	stream.indirect.scatter.add.f32 [tilespmem:s16], [sflag:$0x3], $0x80, s29, s19, $0xb8;
	[tilespmem:$0x1E800] =	vst v63  }
0x8d: {  	_ =	swait.ge [sflag:s17], $0x4000  }
0x8e: {  	[sflag:s17] =	ssyncset.done $0x0  }
0x8f: {  	[sflag:s17] =	ssyncadd.s32 $0xFFFFC000  }
0x90: {  	_ =	swait.ge [sflag:s22], $0x4000  }
0x91: {  	[sflag:s22] =	ssyncset.done $0x0  }
0x92: {  	s30 =	simm.s32 $0x100;
	[sflag:s22] =	ssyncadd.s32 $0xFFFFC000  }
0x93: {  	[tilespmem:s16], [sflag:$0x1] =	stream.indirect.gather [hbm4b:s4+s19], $0x80, s30, s19, $0xb8;
	[tilespmem:$0x1E800] =	vst v63  }
0x94: {  	s31 =	simm.s32 $0x1480  }
0x95: {  	[spmem:s1] =	stream.indirect.scatter.add.f32 [tilespmem:s21], [sflag:$0x3], $0x80, s31, s19, $0xb8;
	[tilespmem:$0x1E800] =	vst v63  }
0x96: {  	_ =	swait.ge [sflag:s17], $0x4000  }
0x97: {  	s26 =	simm.s32 $0x400;
	[sflag:s17] =	ssyncset.done $0x0  }
.LBB2_6:
0x98: {  	p0 =	sne.s32 s26, $0x4800  }
0x99: {  	[sflag:s17] =	ssyncadd.s32 $0xFFFFC000;
	s28 =	smov.u32 s26;
	s26 =	sadd.s32 $0x400, s26  }
0x9a: {  	_ = 	snop  }
0x9b: {  	_ =	swait.ge [sflag:s20], $0x4000  }
0x9c: {  	s28 =	sshra.s32 s28, $0x2;
	[sflag:s20] =	ssyncset.done $0x0  }
0x9d: {  	s29 =	sadd.s32 $0x80, s28;
	[sflag:s20] =	ssyncadd.s32 $0xFFFFC000  }
0x9e: {  	[tilespmem:s21], [sflag:$0x2] =	stream.indirect.gather [hbm4b:s4+s19], $0x80, s29, s19, $0xb8;
	[tilespmem:$0x1E800] =	vst v63  }
0x9f: {  	s29 =	sadd.s32 $0x1400, s28  }
0xa0: {  	[spmem:s1] =	stream.indirect.scatter.add.f32 [tilespmem:s16], [sflag:$0x3], $0x80, s29, s19, $0xb8;
	[tilespmem:$0x1E800] =	vst v63  }
0xa1: {  	_ =	swait.ge [sflag:s17], $0x4000  }
0xa2: {  	[sflag:s17] =	ssyncset.done $0x0  }
0xa3: {  	[sflag:s17] =	ssyncadd.s32 $0xFFFFC000  }
0xa4: {  	_ =	swait.ge [sflag:s22], $0x4000  }
0xa5: {  	[sflag:s22] =	ssyncset.done $0x0  }
0xa6: {  	s29 =	sadd.s32 $0x100, s28;
	[sflag:s22] =	ssyncadd.s32 $0xFFFFC000  }
0xa7: {  	[tilespmem:s16], [sflag:$0x1] =	stream.indirect.gather [hbm4b:s4+s19], $0x80, s29, s19, $0xb8;
	[tilespmem:$0x1E800] =	vst v63  }
.Ltmp2:
0xa8: {  	_ = 	snop;
	(pc) =	sbr.rel @p0 .LBB2_6-.Ltmp2, $4  }
0xa9: {  	s28 =	sadd.s32 $0x1480, s28  }
0xaa: {  	[spmem:s1] =	stream.indirect.scatter.add.f32 [tilespmem:s21], [sflag:$0x3], $0x80, s28, s19, $0xb8;
	[tilespmem:$0x1E800] =	vst v63  }
0xab: {  	_ =	swait.ge [sflag:s17], $0x4000  }
0xac: {  	[sflag:s17] =	ssyncset.done $0x0  }
0xad: {  	[sflag:s17] =	ssyncadd.s32 $0xFFFFC000  }
0xae: {  	_ =	swait.ge [sflag:s20], $0x4000  }
0xaf: {  	[sflag:s20] =	ssyncset.done $0x0  }
0xb0: {  	[sflag:s20] =	ssyncadd.s32 $0xFFFFC000  }
0xb1: {  	[tilespmem:s21], [sflag:$0x2] =	stream.indirect.gather [hbm4b:s4+s19], $0x80, s23, s19, $0xb8;
	[tilespmem:$0x1E800] =	vst v63  }
0xb2: {  	_ = 	snop  }
0xb3: {  	[spmem:s1] =	stream.indirect.scatter.add.f32 [tilespmem:s16], [sflag:$0x3], $0x80, s24, s19, $0xb8;
	[tilespmem:$0x1E800] =	vst v63  }
0xb4: {  	_ =	swait.ge [sflag:s17], $0x4000  }
0xb5: {  	[sflag:s17] =	ssyncset.done $0x0  }
0xb6: {  	[sflag:s17] =	ssyncadd.s32 $0xFFFFC000  }
0xb7: {  	_ =	swait.ge [sflag:s22], $0x4000  }
0xb8: {  	[sflag:s22] =	ssyncset.done $0x0  }
0xb9: {  	[sflag:s22] =	ssyncadd.s32 $0xFFFFC000  }
0xba: {  	[tilespmem:s16], [sflag:$0x1] =	stream.indirect.gather [hbm4b:s4+s19], $0x80, s23, s19, $0xb8;
	[tilespmem:$0x1E800] =	vst v63  }
0xbb: {  	_ = 	snop  }
0xbc: {  	[spmem:s1] =	stream.indirect.scatter.add.f32 [tilespmem:s21], [sflag:$0x3], $0x80, s25, s19, $0xb8;
	[tilespmem:$0x1E800] =	vst v63  }
0xbd: {  	_ =	swait.ge [sflag:s17], $0x4000  }
0xbe: {  	[sflag:s17] =	ssyncset.done $0x0  }
0xbf: {  	[sflag:s17] =	ssyncadd.s32 $0xFFFFC000  }
0xc0: {  	_ =	swait.ge [sflag:s20], $0x4000  }
0xc1: {  	s26 =	sshll.u32 s2, $0x6;
	s3 =	sadd.s32 $0x1, s3;
	[sflag:s20] =	ssyncset.done $0x0  }
0xc2: {  	s28 =	sshrl.u32 s5, $0x3;
	p0 =	sne.s32 s3, s11;
	[sflag:s20] =	ssyncadd.s32 $0xFFFFC000  }
.Ltmp3:
0xc3: {  	s26 =	sor.u32 $0x1C03, s26;
	[bflag:$0x0] =	sbarrier.arrive $0xFFFF;
	(pc) =	sbr.rel @p0 .LBB2_1-.Ltmp3, $4  }
0xc4: {  	[hbm:s10], [sflag:s26] =	dma.local [spmem:s28], $0x2800  }
0xc5: {  	_ =	swait.ge [sflag:s17], $0x2800  }
0xc6: {  	[sflag:s17] =	ssyncset.done $0x0  }
0xc7: {  	[sflag:s17] =	ssyncadd.s32 $0xFFFFD800  }
0xc8: {  	_ =	sfence.sel $0x180000  }
0xc9: {  	[bflag:$0x0] =	sbarrier.arrive $0xFFFF  }
0xca: {  	p0 =	sne.s32 s2, $0x0;
	_ =	strace $0x9000004D  }
0xcb: {  	s0 =	sadd.s32 @!p0 $0x100000, s0;
	[bflag:$0x2] =	sbarrier.arrive $0xFFFF  }
0xcc: {  	[sflag:s0] =	ssyncadd.tile.s32 @!p0 $0x1;
	_ =	shalt  }
.Lfunc_end2:
_tile_overlayer_lowered:
.L_overlay_start_2:
0xcd: {  	(tag) =	ssettag $0x2  }
0xce: {  	s0 =	rddreg [dreg:$0x0];
	s2 =	stileid.u32  }
0xcf: {  	s1 =	rddreg [dreg:$0x1];
	p0 =	sne.s32 s2, $0x0  }
0xd0: {  	s3 =	rddreg [dreg:$0x2];
	[bflag:$0x3] =	sbarrier.arrive $0xFFFF;
	s2 =	simm.s32 @!p0 $0x1C03  }
0xd1: {  	[timem:s3], [sflag:s2] =	dma.local @!p0 [hbm:s0], s1  }
0xd2: {  	s0 =	simm.s32 @!p0 $0x3  }
0xd3: {  	_ =	swait.ge @!p0 [sflag:s0], s1  }
0xd4: {  	s1 =	ssub.s32 @!p0 $0x0, s1;
	[sflag:s0] =	ssyncset.done @!p0 $0x0  }
0xd5: {  	[sflag:s0] =	ssyncadd.s32 @!p0 s1  }
0xd6: {  	[bflag:$0x3] =	sbarrier.arrive $0xFFFF  }
0xd7: {  	_ =	shalt  }

// kernel: kernel.18.cloned.1.call-start
scs
__scs_entry_jumppad:
0x0: {  	(pc) =	sbr.rel $0x88, $3  }
0x1: {  	(tag) =	ssettag $0x0;
	lr =	simm.s32 $0x1  }
0x2: {  	[smem:$0x3F99] =	sst lr;
	_ =	strace $0xD0000000  }
0x3: {  	_ = 	snop  }
0x4: {  	_ = 	snop  }
0x5: {  	_ = 	snop  }
0x6: {  	_ = 	snop  }
0x7: {  	_ = 	snop  }
__scs_overlays_trampoline_lowered:
0x8: {  	[smem:$0x3FA8] =	sst s0  }
0x9: {  	[smem:$0x3FA9] =	sst s1  }
0xa: {  	[smem:$0x3FAA] =	sst s2  }
0xb: {  	[smem:$0x3FAB] =	sst s3  }
0xc: {  	[smem:$0x3FAC] =	sst s4  }
0xd: {  	[smem:$0x3FAD] =	sst s5  }
0xe: {  	[smem:$0x3FAE] =	sst s6  }
0xf: {  	[smem:$0x3FAF] =	sst s7  }
0x10: {  	[smem:$0x3FB0] =	sst s8  }
0x11: {  	[smem:$0x3FB1] =	sst s9;
	s0 =	simm.s32 @!p0 $0x0  }
0x12: {  	s1 =	sld [smem:$0x3F97];
	s0 =	simm.s32 @p0 $0x1  }
0x13: {  	[smem:$0x3FB2] =	sst s0;
	s0 =	simm.s32 @!p1 $0x0  }
0x14: {  	s2 =	sld [smem:$0x3F96];
	s0 =	simm.s32 @p1 $0x1  }
0x15: {  	[smem:$0x3FB3] =	sst s0;
	s0 =	simm.s32 @!p2 $0x0  }
0x16: {  	s3 =	sld [smem:$0x3FDB];
	s0 =	simm.s32 @p2 $0x1  }
0x17: {  	s4 =	simm.s32 $0x1BF5;
	[smem:$0x3FB5] =	sst s0  }
0x18: {  	s0 =	sld [smem:$0x3F98];
	_ =	swait.ge [sflag:s4], $0x0  }
0x19: {  	s7 =	sld [smem:$0x3F99]  }
0x1a: {  	s8 =	sadd.s32 $0xFFFFE003, lr  }
0x1b: {  	s9 =	sadd.s32 $0xFFFFFEF7, lr;
	s5 =	simm.s32 $0xFFFFFFFF;
	p2 =	slt.u32 s8, $0xFFFFF086  }
0x1c: {  	p1 =	slt.u32 s9, $0xF7A;
	s5 =	simm.s32 @!p2 $0x0  }
0x1d: {  	s5 =	simm.s32 @p1 $0x1;
	p0 =	seq.s32 s7, s2  }
0x1e: {  	s7 =	smul.u32 @!p0 $0xF7A, s2;
	p2 =	seq.s32 @!p0 s5, $0x0  }
0x1f: {  	s9 =	smul.u32 $0xF7A, s1;
	s8 =	simm.s32 @!p0 $0x1BF5;
	p2 =	por !p2, p0  }
0x20: {  	[sflag:s8] =	ssyncset.s32 @!p0 $0xFFFFF086;
	s6 =	sadd.s32 @!p0 s3, s7;
	s7 =	simm.s32 @!p0 $0x108  }
0x21: {  	s3 =	sadd.s32 s3, s9;
	s6 =	sadd.s32 @!p0 $0x88, s6;
	s7 =	simm.s32 @p2 $0x1082  }
0x22: {  	[simem:s7], [sflag:s8] =	dma.local @!p0 [hbm:s6], $0xF7A  }
0x23: {  	s9 =	sor.u32 $0xD0000000, s2;
	s6 =	simm.s32 $0x108;
	_ =	swait.ge @!p0 [sflag:s8], $0x0  }
0x24: {  	s3 =	sadd.s32 $0x88, s3;
	s6 =	simm.s32 @!p1 $0x1082;
	[sflag:s4] =	ssyncset.s32 $0xFFFFF086  }
0x25: {  	[simem:s6], [sflag:s4] =	dma.local [hbm:s3], $0xF7A  }
0x26: {  	[smem:$0x3F99] =	sst s1;
	(tag) =	ssettag s2;
	_ =	strace s9  }
0x27: {  	s1 =	sld [smem:$0x3FA9]  }
0x28: {  	s2 =	sld [smem:$0x3FAA]  }
0x29: {  	s4 =	sld [smem:$0x3FAC]  }
0x2a: {  	p0 =	seq.s32 s5, $0x0;
	s5 =	sld [smem:$0x3FAD]  }
0x2b: {  	s6 =	sld [smem:$0x3FAE]  }
0x2c: {  	s7 =	sld [smem:$0x3FAF]  }
0x2d: {  	s3 =	simm.s32 $0x108;
	s8 =	sld [smem:$0x3FB0]  }
0x2e: {  	s3 =	simm.s32 @!p0 $0x1082;
	s9 =	sld [smem:$0x3FB1]  }
0x2f: {  	lr =	sadd.s32 s0, s3;
	s0 =	sld [smem:$0x3FA8]  }
0x30: {  	s3 =	sld [smem:$0x3FAB]  }
0x31: {  	[smem:$0x3FB4] =	sst s10  }
0x32: {  	s10 =	sld [smem:$0x3FB2];
	_ =	sdelay $0x3  }
0x33: {  	p0 =	seq.s32 s10, $0x1;
	s10 =	sld [smem:$0x3FB4];
	_ =	sdelay $0x3  }
0x34: {  	[smem:$0x3FB4] =	sst s10  }
0x35: {  	s10 =	sld [smem:$0x3FB3];
	_ =	sdelay $0x3  }
0x36: {  	p1 =	seq.s32 s10, $0x1;
	s10 =	sld [smem:$0x3FB4];
	_ =	sdelay $0x3  }
0x37: {  	[smem:$0x3FB4] =	sst s10  }
0x38: {  	s10 =	sld [smem:$0x3FB5]  }
0x39: {  	_ = 	snop;
	(pc) =	sbr.ind lr, $3  }
0x3a: {  	_ = 	snop  }
0x3b: {  	_ = 	snop  }
0x3c: {  	p2 =	seq.s32 s10, $0x1;
	s10 =	sld [smem:$0x3FB4]  }
0x3d: {  	_ =	shalt  }
0x3e: {  	_ =	shalt  }
0x3f: {  	_ =	shalt  }
0x40: {  	_ =	shalt  }
0x41: {  	_ =	shalt  }
0x42: {  	_ =	shalt  }
0x43: {  	_ =	shalt  }
0x44: {  	_ =	shalt  }
0x45: {  	_ =	shalt  }
0x46: {  	_ =	shalt  }
0x47: {  	_ =	shalt  }
0x48: {  	_ =	shalt  }
0x49: {  	_ =	shalt  }
0x4a: {  	_ =	shalt  }
0x4b: {  	_ =	shalt  }
0x4c: {  	_ =	shalt  }
0x4d: {  	_ =	shalt  }
0x4e: {  	_ =	shalt  }
0x4f: {  	_ =	shalt  }
0x50: {  	_ =	shalt  }
0x51: {  	_ =	shalt  }
0x52: {  	_ =	shalt  }
0x53: {  	_ =	shalt  }
0x54: {  	_ =	shalt  }
0x55: {  	_ =	shalt  }
0x56: {  	_ =	shalt  }
0x57: {  	_ =	shalt  }
0x58: {  	_ =	shalt  }
0x59: {  	_ =	shalt  }
0x5a: {  	_ =	shalt  }
0x5b: {  	_ =	shalt  }
0x5c: {  	_ =	shalt  }
0x5d: {  	_ =	shalt  }
0x5e: {  	_ =	shalt  }
0x5f: {  	_ =	shalt  }
0x60: {  	_ =	shalt  }
0x61: {  	_ =	shalt  }
0x62: {  	_ =	shalt  }
0x63: {  	_ =	shalt  }
0x64: {  	_ =	shalt  }
0x65: {  	_ =	shalt  }
0x66: {  	_ =	shalt  }
0x67: {  	_ =	shalt  }
0x68: {  	_ =	shalt  }
0x69: {  	_ =	shalt  }
0x6a: {  	_ =	shalt  }
0x6b: {  	_ =	shalt  }
0x6c: {  	_ =	shalt  }
0x6d: {  	_ =	shalt  }
0x6e: {  	_ =	shalt  }
0x6f: {  	_ =	shalt  }
0x70: {  	_ =	shalt  }
0x71: {  	_ =	shalt  }
0x72: {  	_ =	shalt  }
0x73: {  	_ =	shalt  }
0x74: {  	_ =	shalt  }
0x75: {  	_ =	shalt  }
0x76: {  	_ =	shalt  }
0x77: {  	_ =	shalt  }
0x78: {  	_ =	shalt  }
0x79: {  	_ =	shalt  }
0x7a: {  	_ =	shalt  }
0x7b: {  	_ =	shalt  }
0x7c: {  	_ =	shalt  }
0x7d: {  	_ =	shalt  }
0x7e: {  	_ =	shalt  }
0x7f: {  	_ =	shalt  }
0x80: {  	_ =	shalt  }
0x81: {  	_ =	shalt  }
0x82: {  	_ =	shalt  }
0x83: {  	_ =	shalt  }
0x84: {  	_ =	shalt  }
0x85: {  	_ =	shalt  }
0x86: {  	_ =	shalt  }
0x87: {  	_ =	shalt  }
.Lfunc_end0:
.L_simem_size_0:
called_computation.3_lowered:
.L_overlay_start_0:
0x88: {  	s2 =	sld [smem:$0x3FD9]  }
0x89: {  	s3 =	sld [smem:$0x3FFE];
	_ =	sdelay $0x1  }
0x8a: {  	s1 =	srdreg.scid  }
0x8b: {  	s0 =	sand.u32 $0x1, s1  }
0x8c: {  	s17 =	sshll.u32 s0, $0xA;
	s2 =	sadd.s32 s3, s2  }
0x8d: {  	s2 =	sadd.s32 s2, s17  }
0x8e: {  	[smem:$0x3FC0] =	sst s2  }
0x8f: {  	_ = 	snop  }
0x90: {  	s2 =	sld [smem:$0x3FD0];
	(tm) =	ssettm $0x1  }
0x91: {  	s18 =	sld [smem:$0x3FFB];
	_ =	sdelay $0x3  }
0x92: {  	_ =	strace s18  }
0x93: {  	s3 =	sld [smem:$0x3FFC];
	_ =	sdelay $0x3  }
0x94: {  	_ =	strace s3  }
0x95: {  	s3 =	sld [smem:$0x3FFD];
	_ =	sdelay $0x3  }
0x96: {  	_ =	strace s3  }
0x97: {  	_ =	strace $0x8FFFFFFF  }
0x98: {  	s19 =	sld [smem:$0x3FDB];
	_ =	sdelay $0x1  }
0x99: {  	s4 =	simm.s32 $_scs_section_size  }
0x9a: {  	s5 =	simm.s32 $_size__tile_overlayer_lowered;
	s6 =	simm.s32 $_tile_overlayer_lowered  }
0x9b: {  	s22 =	simm.s32 $0x1BFF;
	s21 =	sshll.u32 s6, $0x1;
	s3 =	sadd.s32 s4, s19  }
0x9c: {  	s7 =	simm.s32 $0x0;
	s20 =	sshll.u32 s5, $0x1;
	s5 =	sadd.s32 s21, s3  }
0x9d: {  	[timem:s7], [sflag:s22] =	dma.local [hbm:s5], s20  }
0x9e: {  	_ =	swait.ge [sflag:s22], s20  }
0x9f: {  	s4 =	ssub.s32 $0x0, s20;
	[sflag:s22] =	ssyncset.done $0x0  }
0xa0: {  	[sflag:s22] =	ssyncadd.s32 s4;
	_ =	sdelay $0x1  }
0xa1: {  	s23 =	simm.s32 $0x1B8B  }
0xa2: {  	_ =	swait.ge [sflag:s23], $0x1  }
0xa3: {  	[sflag:s23] =	ssyncset.done $0x0  }
0xa4: {  	s25 =	simm.s32 $0x1B8E;
	s24 =	sld [smem:$0x3FFE];
	[sflag:s23] =	ssyncadd.s32 $0xFFFFFFFF  }
0xa5: {  	s26 =	simm.s32 $execute0_lowered;
	[smem:$0x3FD2] =	sst s25  }
0xa6: {  	s5 =	sshll.u32 s26, $0x1;
	_ =	strace $0x8000004F;
	[dreg:$0x1] =	wrdreg $0xFFFFFFFF  }
0xa7: {  	s28 =	simm.s32 $_size_execute0_lowered;
	s3 =	sadd.s32 s3, s5;
	[dreg:$0x0] =	wrdreg $0x0  }
0xa8: {  	s5 =	sshll.u32 s28, $0x1;
	[dreg:$0x2] =	wrdreg s3  }
0xa9: {  	[dreg:$0x3] =	wrdreg s5  }
0xaa: {  	[dreg:$0x4] =	wrdreg $0xC0  }
0xab: {  	_ =	task [dreg:s7], $0x5FFFF  }
0xac: {  	[dreg:$0x1] =	wrdreg $0xFFFFFFFF  }
0xad: {  	[dreg:$0x0] =	wrdreg $0x60  }
0xae: {  	[dreg:$0x2] =	wrdreg s24  }
0xaf: {  	[dreg:$0x3] =	wrdreg s2  }
0xb0: {  	[dreg:$0x4] =	wrdreg $0xA8000  }
0xb1: {  	[dreg:$0x5] =	wrdreg $0x9  }
0xb2: {  	_ =	task.clear_ibuf [dreg:s7], $0x6FFFF;
	_ =	strace $0x9000004F  }
0xb3: {  	s29 =	simm.s32 $0x9;
	_ =	strace $0x80000051  }
0xb4: {  	_ =	swait.ge [sflag:s29], $0x1  }
0xb5: {  	[sflag:s29] =	ssyncadd.s32 $0xFFFFFFFF  }
0xb6: {  	_ =	strace $0x90000051  }
0xb7: {  	_ =	sfence  }
0xb8: {  	s30 =	sld [smem:$0x0];
	_ =	sdelay $0x2  }
0xb9: {  	s31 =	sshll.u32 s1, $0xD;
	s1 =	sshrl.u32 s1, $0x2  }
0xba: {  	s3 =	sand.u32 $0x4000, s31;
	s1 =	sadd.s32 s1, s30  }
0xbb: {  	s0 =	sor.u32 s3, s0;
	s1 =	sshll.u32 s1, $0x11  }
0xbc: {  	s0 =	sor.u32 s1, s0  }
0xbd: {  	s0 =	sadd.s32 $0x8F2B, s0  }
0xbe: {  	[sflag:s0] =	ssyncadd.remote.s32 $0x1  }
0xbf: {  	_ =	sfence.sel $0xFFFF  }
0xc0: {  	[dreg:$0x0] =	wrdreg $0xFFFFFFFF;
	(pc) =	sbr.abs _section_cstart, $3  }
0xc1: {  	[dreg:$0x1] =	wrdreg $0xFFFFFFFF  }
0xc2: {  	_ =	task.clear_ibuf [dreg:s7], $0x2FFFF;
	_ =	strace $0x9FFFFFFF  }
0xc3: {  	(tm) =	ssettm $0x7FFFFFFF  }
tec
execute0_lowered:
.L_overlay_start_1:
0x0: {  	(tag) =	ssettag $0x1  }
0x1: {  	s5 =	rddreg [dreg:$0x0]  }
0x2: {  	s9 =	rddreg [dreg:$0x1]  }
0x3: {  	s1 =	rddreg [dreg:$0x2];
	s2 =	srdreg.scid  }
0x4: {  	s0 =	rddreg [dreg:$0x3];
	s3 =	simm.s32 $0x0;
	s16 =	simm.s32 $0x2800  }
0x5: {  	s17 =	simm.s32 $0x3;
	s18 =	simm.s32 $0x1400;
	s19 =	simm.s32 $0x80  }
0x6: {  	s20 =	simm.s32 $0x1;
	s21 =	simm.s32 $0x6800;
	s22 =	simm.s32 $0x2  }
0x7: {  	s23 =	simm.s32 $0x1380;
	s24 =	simm.s32 $0x2700;
	s6 =	sand.u32 $0x1, s2  }
0x8: {  	s25 =	simm.s32 $0x2780;
	s2 =	stileid.u32;
	s7 =	smul.u32 $0x140000, s6  }
0x9: {  	[smem:$0x7FF] =	sst s3;
	s4 =	sadd.s32 $0xC200, s5;
	s8 =	smul.u32 $0x14000, s2  }
0xa: {  	s10 =	sadd.s32 $0x2200, s5;
	s26 =	sshll.u32 s6, $0x4;
	s11 =	smul.u32 $0x50000, s2  }
0xb: {  	s28 =	ssub.s32 $0x2, s6;
	s7 =	sadd.s32 s8, s7;
	s8 =	sor.u32 s2, s26  }
0xc: {  	_ =	strace $0x80000050;
	s30 =	sshrl.u32 s28, $0x1;
	s29 =	smul.u32 $0x2800, s8  }
0xd: {  	s11 =	sshrl.u32 s11, $0x2;
	s7 =	sshrl.u32 s7, $0x3;
	s8 =	smul.u32 $0x500, s8  }
0xe: {  	s13 =	ssub.s32 s28, s30;
	s12 =	sadd.s32 s7, s5;
	s5 =	sadd.s32 s11, s1  }
0xf: {  	s31 =	sshrl.u32 s29, $0x3;
	s6 =	sadd.s32 s10, s8;
	s7 =	sadd.s32 s9, s8  }
0x10: {  	s14 =	sadd.s32 $0xC000, s5;
	s15 =	sadd.s32 $0x10000, s5;
	s11 =	sadd.s32 $0x280, s31  }
0x11: {  	s8 =	sadd.s32 s10, s11;
	s9 =	sadd.s32 s9, s11;
	s10 =	sadd.s32 $0xAC200, s12  }
0x12: {  	v0 =	vimm.f32 $0.0e+00;
	s11 =	smax.u32 s13, $0x1;
	s12 =	sadd.s32 $0x4000, s5;
	s13 =	sadd.s32 $0x8000, s5  }
.LBB2_1:
0x13: {  	s26 =	simm.s32 $0x0;
	s28 =	simm.s32 $0x200  }
.LBB2_2:
0x14: {  	p0 =	sne.s32 s28, $0xFE00;
	[tilespmem:s26+$0x2870] =	vst v0  }
0x15: {  	[tilespmem:s26+$0x2800] =	vst v0  }
0x16: {  	[tilespmem:s26+$0x2810] =	vst v0  }
.Ltmp0:
0x17: {  	[tilespmem:s26+$0x2820] =	vst v0;
	(pc) =	sbr.rel @p0 .LBB2_2-.Ltmp0, $4  }
0x18: {  	[tilespmem:s26+$0x2830] =	vst v0  }
0x19: {  	[tilespmem:s26+$0x2840] =	vst v0  }
0x1a: {  	[tilespmem:s26+$0x2850] =	vst v0  }
0x1b: {  	[tilespmem:s26+$0x2860] =	vst v0;
	s26 =	sshra.s32 s28, $0x2;
	s28 =	sadd.s32 $0x200, s28  }
0x1c: {  	[tilespmem:s26+$0x2870] =	vst v0  }
0x1d: {  	[tilespmem:s26+$0x2800] =	vst v0  }
0x1e: {  	[tilespmem:s26+$0x2810] =	vst v0  }
0x1f: {  	[tilespmem:s26+$0x2820] =	vst v0  }
0x20: {  	[tilespmem:s26+$0x2830] =	vst v0  }
0x21: {  	[tilespmem:s26+$0x2840] =	vst v0  }
0x22: {  	[tilespmem:s26+$0x2850] =	vst v0  }
0x23: {  	[tilespmem:s26+$0x2860] =	vst v0  }
0x24: {  	[spmem:s5] =	stream.linear.scatter [tilespmem:s16], [sflag:$0x3], $0x4000, $0x38;
	[tilespmem:$0x1E800] =	vst v63  }
0x25: {  	_ =	swait.ge [sflag:s17], $0x4000  }
0x26: {  	[sflag:s17] =	ssyncset.done $0x0  }
0x27: {  	[sflag:s17] =	ssyncadd.s32 $0xFFFFC000  }
0x28: {  	[spmem:s12] =	stream.linear.scatter [tilespmem:s16], [sflag:$0x3], $0x4000, $0x38;
	[tilespmem:$0x1E800] =	vst v63  }
0x29: {  	_ =	swait.ge [sflag:s17], $0x4000  }
0x2a: {  	[sflag:s17] =	ssyncset.done $0x0  }
0x2b: {  	[sflag:s17] =	ssyncadd.s32 $0xFFFFC000  }
0x2c: {  	[spmem:s13] =	stream.linear.scatter [tilespmem:s16], [sflag:$0x3], $0x4000, $0x38;
	[tilespmem:$0x1E800] =	vst v63  }
0x2d: {  	_ =	swait.ge [sflag:s17], $0x4000  }
0x2e: {  	[sflag:s17] =	ssyncset.done $0x0  }
0x2f: {  	[sflag:s17] =	ssyncadd.s32 $0xFFFFC000  }
0x30: {  	[spmem:s14] =	stream.linear.scatter [tilespmem:s16], [sflag:$0x3], $0x4000, $0x38;
	[tilespmem:$0x1E800] =	vst v63  }
0x31: {  	_ =	swait.ge [sflag:s17], $0x4000  }
0x32: {  	[sflag:s17] =	ssyncset.done $0x0  }
0x33: {  	[sflag:s17] =	ssyncadd.s32 $0xFFFFC000  }
0x34: {  	[spmem:s15] =	stream.linear.scatter [tilespmem:s16], [sflag:$0x3], $0x4000, $0x38;
	[tilespmem:$0x1E800] =	vst v63  }
0x35: {  	_ =	swait.ge [sflag:s17], $0x4000  }
0x36: {  	[sflag:s17] =	ssyncset.done $0x0  }
0x37: {  	[sflag:s17] =	ssyncadd.s32 $0xFFFFC000  }
0x38: {  	s31 =	simm.s32 $0x0;
	[bflag:$0x0] =	sbarrier.arrive $0xFFFF  }
0x39: {  	[tilespmem:s31], [sflag:$0x3] =	stream.linear.gather [hbm4b:s6+s31], $0x1400, $0x38;
	[tilespmem:$0x1E800] =	vst v63  }
0x3a: {  	_ =	swait.ge [sflag:s17], $0x1400  }
0x3b: {  	[sflag:s17] =	ssyncset.done $0x0  }
0x3c: {  	[sflag:s17] =	ssyncadd.s32 $0xFFFFEC00  }
0x3d: {  	[tilespmem:s18], [sflag:$0x3] =	stream.linear.gather [hbm4b:s7+s31], $0x1400, $0x38;
	[tilespmem:$0x1E800] =	vst v63  }
0x3e: {  	_ =	swait.ge [sflag:s17], $0x1400  }
0x3f: {  	[sflag:s17] =	ssyncset.done $0x0  }
0x40: {  	[sflag:s17] =	ssyncadd.s32 $0xFFFFEC00  }
0x41: {  	[tilespmem:s16], [sflag:$0x1] =	stream.indirect.gather [hbm4b:s4+s19], $0x80, s31, s19, $0xb8;
	[tilespmem:$0x1E800] =	vst v63  }
0x42: {  	_ =	swait.ge [sflag:s20], $0x4000  }
0x43: {  	[sflag:s20] =	ssyncset.done $0x0  }
0x44: {  	s28 =	simm.s32 $0x80;
	[sflag:s20] =	ssyncadd.s32 $0xFFFFC000  }
0x45: {  	[tilespmem:s21], [sflag:$0x2] =	stream.indirect.gather [hbm4b:s4+s19], $0x80, s28, s19, $0xb8;
	[tilespmem:$0x1E800] =	vst v63  }
0x46: {  	s29 =	simm.s32 $0x1400  }
0x47: {  	[spmem:s1] =	stream.indirect.scatter.add.f32 [tilespmem:s16], [sflag:$0x3], $0x80, s29, s19, $0xb8;
	[tilespmem:$0x1E800] =	vst v63  }
0x48: {  	_ =	swait.ge [sflag:s17], $0x4000  }
0x49: {  	[sflag:s17] =	ssyncset.done $0x0  }
0x4a: {  	[sflag:s17] =	ssyncadd.s32 $0xFFFFC000  }
0x4b: {  	_ =	swait.ge [sflag:s22], $0x4000  }
0x4c: {  	[sflag:s22] =	ssyncset.done $0x0  }
0x4d: {  	s30 =	simm.s32 $0x100;
	[sflag:s22] =	ssyncadd.s32 $0xFFFFC000  }
0x4e: {  	[tilespmem:s16], [sflag:$0x1] =	stream.indirect.gather [hbm4b:s4+s19], $0x80, s30, s19, $0xb8;
	[tilespmem:$0x1E800] =	vst v63  }
0x4f: {  	s31 =	simm.s32 $0x1480  }
0x50: {  	[spmem:s1] =	stream.indirect.scatter.add.f32 [tilespmem:s21], [sflag:$0x3], $0x80, s31, s19, $0xb8;
	[tilespmem:$0x1E800] =	vst v63  }
0x51: {  	_ =	swait.ge [sflag:s17], $0x4000  }
0x52: {  	s26 =	simm.s32 $0x400;
	[sflag:s17] =	ssyncset.done $0x0  }
.LBB2_4:
0x53: {  	p0 =	sne.s32 s26, $0x4800  }
0x54: {  	[sflag:s17] =	ssyncadd.s32 $0xFFFFC000;
	s28 =	smov.u32 s26;
	s26 =	sadd.s32 $0x400, s26  }
0x55: {  	_ = 	snop  }
0x56: {  	_ =	swait.ge [sflag:s20], $0x4000  }
0x57: {  	s28 =	sshra.s32 s28, $0x2;
	[sflag:s20] =	ssyncset.done $0x0  }
0x58: {  	s29 =	sadd.s32 $0x80, s28;
	[sflag:s20] =	ssyncadd.s32 $0xFFFFC000  }
0x59: {  	[tilespmem:s21], [sflag:$0x2] =	stream.indirect.gather [hbm4b:s4+s19], $0x80, s29, s19, $0xb8;
	[tilespmem:$0x1E800] =	vst v63  }
0x5a: {  	s29 =	sadd.s32 $0x1400, s28  }
0x5b: {  	[spmem:s1] =	stream.indirect.scatter.add.f32 [tilespmem:s16], [sflag:$0x3], $0x80, s29, s19, $0xb8;
	[tilespmem:$0x1E800] =	vst v63  }
0x5c: {  	_ =	swait.ge [sflag:s17], $0x4000  }
0x5d: {  	[sflag:s17] =	ssyncset.done $0x0  }
0x5e: {  	[sflag:s17] =	ssyncadd.s32 $0xFFFFC000  }
0x5f: {  	_ =	swait.ge [sflag:s22], $0x4000  }
0x60: {  	[sflag:s22] =	ssyncset.done $0x0  }
0x61: {  	s29 =	sadd.s32 $0x100, s28;
	[sflag:s22] =	ssyncadd.s32 $0xFFFFC000  }
0x62: {  	[tilespmem:s16], [sflag:$0x1] =	stream.indirect.gather [hbm4b:s4+s19], $0x80, s29, s19, $0xb8;
	[tilespmem:$0x1E800] =	vst v63  }
.Ltmp1:
0x63: {  	_ = 	snop;
	(pc) =	sbr.rel @p0 .LBB2_4-.Ltmp1, $4  }
0x64: {  	s28 =	sadd.s32 $0x1480, s28  }
0x65: {  	[spmem:s1] =	stream.indirect.scatter.add.f32 [tilespmem:s21], [sflag:$0x3], $0x80, s28, s19, $0xb8;
	[tilespmem:$0x1E800] =	vst v63  }
0x66: {  	_ =	swait.ge [sflag:s17], $0x4000  }
0x67: {  	[sflag:s17] =	ssyncset.done $0x0  }
0x68: {  	[sflag:s17] =	ssyncadd.s32 $0xFFFFC000  }
0x69: {  	_ =	swait.ge [sflag:s20], $0x4000  }
0x6a: {  	[sflag:s20] =	ssyncset.done $0x0  }
0x6b: {  	[sflag:s20] =	ssyncadd.s32 $0xFFFFC000  }
0x6c: {  	[tilespmem:s21], [sflag:$0x2] =	stream.indirect.gather [hbm4b:s4+s19], $0x80, s23, s19, $0xb8;
	[tilespmem:$0x1E800] =	vst v63  }
0x6d: {  	_ = 	snop  }
0x6e: {  	[spmem:s1] =	stream.indirect.scatter.add.f32 [tilespmem:s16], [sflag:$0x3], $0x80, s24, s19, $0xb8;
	[tilespmem:$0x1E800] =	vst v63  }
0x6f: {  	_ =	swait.ge [sflag:s17], $0x4000  }
0x70: {  	[sflag:s17] =	ssyncset.done $0x0  }
0x71: {  	[sflag:s17] =	ssyncadd.s32 $0xFFFFC000  }
0x72: {  	_ =	swait.ge [sflag:s22], $0x4000  }
0x73: {  	[sflag:s22] =	ssyncset.done $0x0  }
0x74: {  	[sflag:s22] =	ssyncadd.s32 $0xFFFFC000  }
0x75: {  	[tilespmem:s16], [sflag:$0x1] =	stream.indirect.gather [hbm4b:s4+s19], $0x80, s23, s19, $0xb8;
	[tilespmem:$0x1E800] =	vst v63  }
0x76: {  	_ = 	snop  }
0x77: {  	[spmem:s1] =	stream.indirect.scatter.add.f32 [tilespmem:s21], [sflag:$0x3], $0x80, s25, s19, $0xb8;
	[tilespmem:$0x1E800] =	vst v63  }
0x78: {  	_ =	swait.ge [sflag:s17], $0x4000  }
0x79: {  	[sflag:s17] =	ssyncset.done $0x0  }
0x7a: {  	[sflag:s17] =	ssyncadd.s32 $0xFFFFC000  }
0x7b: {  	_ =	swait.ge [sflag:s20], $0x4000  }
0x7c: {  	[sflag:s20] =	ssyncset.done $0x0  }
0x7d: {  	s26 =	simm.s32 $0x0;
	[sflag:s20] =	ssyncadd.s32 $0xFFFFC000  }
0x7e: {  	[tilespmem:s26], [sflag:$0x3] =	stream.linear.gather [hbm4b:s8+s26], $0x1400, $0x38;
	[tilespmem:$0x1E800] =	vst v63  }
0x7f: {  	_ =	swait.ge [sflag:s17], $0x1400  }
0x80: {  	[sflag:s17] =	ssyncset.done $0x0  }
0x81: {  	[sflag:s17] =	ssyncadd.s32 $0xFFFFEC00  }
0x82: {  	[tilespmem:s18], [sflag:$0x3] =	stream.linear.gather [hbm4b:s9+s26], $0x1400, $0x38;
	[tilespmem:$0x1E800] =	vst v63  }
0x83: {  	_ =	swait.ge [sflag:s17], $0x1400  }
0x84: {  	[sflag:s17] =	ssyncset.done $0x0  }
0x85: {  	[sflag:s17] =	ssyncadd.s32 $0xFFFFEC00  }
0x86: {  	[tilespmem:s16], [sflag:$0x1] =	stream.indirect.gather [hbm4b:s4+s19], $0x80, s26, s19, $0xb8;
	[tilespmem:$0x1E800] =	vst v63  }
0x87: {  	_ =	swait.ge [sflag:s20], $0x4000  }
0x88: {  	[sflag:s20] =	ssyncset.done $0x0  }
0x89: {  	s28 =	simm.s32 $0x80;
	[sflag:s20] =	ssyncadd.s32 $0xFFFFC000  }
0x8a: {  	[tilespmem:s21], [sflag:$0x2] =	stream.indirect.gather [hbm4b:s4+s19], $0x80, s28, s19, $0xb8;
	[tilespmem:$0x1E800] =	vst v63  }
0x8b: {  	s29 =	simm.s32 $0x1400  }
0x8c: {  	[spmem:s1] =	stream.indirect.scatter.add.f32 [tilespmem:s16], [sflag:$0x3], $0x80, s29, s19, $0xb8;
	[tilespmem:$0x1E800] =	vst v63  }
0x8d: {  	_ =	swait.ge [sflag:s17], $0x4000  }
0x8e: {  	[sflag:s17] =	ssyncset.done $0x0  }
0x8f: {  	[sflag:s17] =	ssyncadd.s32 $0xFFFFC000  }
0x90: {  	_ =	swait.ge [sflag:s22], $0x4000  }
0x91: {  	[sflag:s22] =	ssyncset.done $0x0  }
0x92: {  	s30 =	simm.s32 $0x100;
	[sflag:s22] =	ssyncadd.s32 $0xFFFFC000  }
0x93: {  	[tilespmem:s16], [sflag:$0x1] =	stream.indirect.gather [hbm4b:s4+s19], $0x80, s30, s19, $0xb8;
	[tilespmem:$0x1E800] =	vst v63  }
0x94: {  	s31 =	simm.s32 $0x1480  }
0x95: {  	[spmem:s1] =	stream.indirect.scatter.add.f32 [tilespmem:s21], [sflag:$0x3], $0x80, s31, s19, $0xb8;
	[tilespmem:$0x1E800] =	vst v63  }
0x96: {  	_ =	swait.ge [sflag:s17], $0x4000  }
0x97: {  	s26 =	simm.s32 $0x400;
	[sflag:s17] =	ssyncset.done $0x0  }
.LBB2_6:
0x98: {  	p0 =	sne.s32 s26, $0x4800  }
0x99: {  	[sflag:s17] =	ssyncadd.s32 $0xFFFFC000;
	s28 =	smov.u32 s26;
	s26 =	sadd.s32 $0x400, s26  }
0x9a: {  	_ = 	snop  }
0x9b: {  	_ =	swait.ge [sflag:s20], $0x4000  }
0x9c: {  	s28 =	sshra.s32 s28, $0x2;
	[sflag:s20] =	ssyncset.done $0x0  }
0x9d: {  	s29 =	sadd.s32 $0x80, s28;
	[sflag:s20] =	ssyncadd.s32 $0xFFFFC000  }
0x9e: {  	[tilespmem:s21], [sflag:$0x2] =	stream.indirect.gather [hbm4b:s4+s19], $0x80, s29, s19, $0xb8;
	[tilespmem:$0x1E800] =	vst v63  }
0x9f: {  	s29 =	sadd.s32 $0x1400, s28  }
0xa0: {  	[spmem:s1] =	stream.indirect.scatter.add.f32 [tilespmem:s16], [sflag:$0x3], $0x80, s29, s19, $0xb8;
	[tilespmem:$0x1E800] =	vst v63  }
0xa1: {  	_ =	swait.ge [sflag:s17], $0x4000  }
0xa2: {  	[sflag:s17] =	ssyncset.done $0x0  }
0xa3: {  	[sflag:s17] =	ssyncadd.s32 $0xFFFFC000  }
0xa4: {  	_ =	swait.ge [sflag:s22], $0x4000  }
0xa5: {  	[sflag:s22] =	ssyncset.done $0x0  }
0xa6: {  	s29 =	sadd.s32 $0x100, s28;
	[sflag:s22] =	ssyncadd.s32 $0xFFFFC000  }
0xa7: {  	[tilespmem:s16], [sflag:$0x1] =	stream.indirect.gather [hbm4b:s4+s19], $0x80, s29, s19, $0xb8;
	[tilespmem:$0x1E800] =	vst v63  }
.Ltmp2:
0xa8: {  	_ = 	snop;
	(pc) =	sbr.rel @p0 .LBB2_6-.Ltmp2, $4  }
0xa9: {  	s28 =	sadd.s32 $0x1480, s28  }
0xaa: {  	[spmem:s1] =	stream.indirect.scatter.add.f32 [tilespmem:s21], [sflag:$0x3], $0x80, s28, s19, $0xb8;
	[tilespmem:$0x1E800] =	vst v63  }
0xab: {  	_ =	swait.ge [sflag:s17], $0x4000  }
0xac: {  	[sflag:s17] =	ssyncset.done $0x0  }
0xad: {  	[sflag:s17] =	ssyncadd.s32 $0xFFFFC000  }
0xae: {  	_ =	swait.ge [sflag:s20], $0x4000  }
0xaf: {  	[sflag:s20] =	ssyncset.done $0x0  }
0xb0: {  	[sflag:s20] =	ssyncadd.s32 $0xFFFFC000  }
0xb1: {  	[tilespmem:s21], [sflag:$0x2] =	stream.indirect.gather [hbm4b:s4+s19], $0x80, s23, s19, $0xb8;
	[tilespmem:$0x1E800] =	vst v63  }
0xb2: {  	_ = 	snop  }
0xb3: {  	[spmem:s1] =	stream.indirect.scatter.add.f32 [tilespmem:s16], [sflag:$0x3], $0x80, s24, s19, $0xb8;
	[tilespmem:$0x1E800] =	vst v63  }
0xb4: {  	_ =	swait.ge [sflag:s17], $0x4000  }
0xb5: {  	[sflag:s17] =	ssyncset.done $0x0  }
0xb6: {  	[sflag:s17] =	ssyncadd.s32 $0xFFFFC000  }
0xb7: {  	_ =	swait.ge [sflag:s22], $0x4000  }
0xb8: {  	[sflag:s22] =	ssyncset.done $0x0  }
0xb9: {  	[sflag:s22] =	ssyncadd.s32 $0xFFFFC000  }
0xba: {  	[tilespmem:s16], [sflag:$0x1] =	stream.indirect.gather [hbm4b:s4+s19], $0x80, s23, s19, $0xb8;
	[tilespmem:$0x1E800] =	vst v63  }
0xbb: {  	_ = 	snop  }
0xbc: {  	[spmem:s1] =	stream.indirect.scatter.add.f32 [tilespmem:s21], [sflag:$0x3], $0x80, s25, s19, $0xb8;
	[tilespmem:$0x1E800] =	vst v63  }
0xbd: {  	_ =	swait.ge [sflag:s17], $0x4000  }
0xbe: {  	[sflag:s17] =	ssyncset.done $0x0  }
0xbf: {  	[sflag:s17] =	ssyncadd.s32 $0xFFFFC000  }
0xc0: {  	_ =	swait.ge [sflag:s20], $0x4000  }
0xc1: {  	s26 =	sshll.u32 s2, $0x6;
	s3 =	sadd.s32 $0x1, s3;
	[sflag:s20] =	ssyncset.done $0x0  }
0xc2: {  	s28 =	sshrl.u32 s5, $0x3;
	p0 =	sne.s32 s3, s11;
	[sflag:s20] =	ssyncadd.s32 $0xFFFFC000  }
.Ltmp3:
0xc3: {  	s26 =	sor.u32 $0x1C03, s26;
	[bflag:$0x0] =	sbarrier.arrive $0xFFFF;
	(pc) =	sbr.rel @p0 .LBB2_1-.Ltmp3, $4  }
0xc4: {  	[hbm:s10], [sflag:s26] =	dma.local [spmem:s28], $0x2800  }
0xc5: {  	_ =	swait.ge [sflag:s17], $0x2800  }
0xc6: {  	[sflag:s17] =	ssyncset.done $0x0  }
0xc7: {  	[sflag:s17] =	ssyncadd.s32 $0xFFFFD800  }
0xc8: {  	_ =	sfence.sel $0x180000  }
0xc9: {  	[bflag:$0x0] =	sbarrier.arrive $0xFFFF  }
0xca: {  	p0 =	sne.s32 s2, $0x0;
	_ =	strace $0x90000050  }
0xcb: {  	s0 =	sadd.s32 @!p0 $0x100000, s0;
	[bflag:$0x2] =	sbarrier.arrive $0xFFFF  }
0xcc: {  	[sflag:s0] =	ssyncadd.tile.s32 @!p0 $0x1;
	_ =	shalt  }
.Lfunc_end2:
_tile_overlayer_lowered:
.L_overlay_start_2:
0xcd: {  	(tag) =	ssettag $0x2  }
0xce: {  	s0 =	rddreg [dreg:$0x0];
	s2 =	stileid.u32  }
0xcf: {  	s1 =	rddreg [dreg:$0x1];
	p0 =	sne.s32 s2, $0x0  }
0xd0: {  	s3 =	rddreg [dreg:$0x2];
	[bflag:$0x3] =	sbarrier.arrive $0xFFFF;
	s2 =	simm.s32 @!p0 $0x1C03  }
0xd1: {  	[timem:s3], [sflag:s2] =	dma.local @!p0 [hbm:s0], s1  }
0xd2: {  	s0 =	simm.s32 @!p0 $0x3  }
0xd3: {  	_ =	swait.ge @!p0 [sflag:s0], s1  }
0xd4: {  	s1 =	ssub.s32 @!p0 $0x0, s1;
	[sflag:s0] =	ssyncset.done @!p0 $0x0  }
0xd5: {  	[sflag:s0] =	ssyncadd.s32 @!p0 s1  }
0xd6: {  	[bflag:$0x3] =	sbarrier.arrive $0xFFFF  }
0xd7: {  	_ =	shalt  }

// kernel: kernel.9.cloned.1.call-start
scs
__scs_entry_jumppad:
0x0: {  	(pc) =	sbr.rel $0x88, $3  }
0x1: {  	(tag) =	ssettag $0x0;
	lr =	simm.s32 $0x1  }
0x2: {  	[smem:$0x3F99] =	sst lr;
	_ =	strace $0xD0000000  }
0x3: {  	_ = 	snop  }
0x4: {  	_ = 	snop  }
0x5: {  	_ = 	snop  }
0x6: {  	_ = 	snop  }
0x7: {  	_ = 	snop  }
__scs_overlays_trampoline_lowered:
0x8: {  	[smem:$0x3FA8] =	sst s0  }
0x9: {  	[smem:$0x3FA9] =	sst s1  }
0xa: {  	[smem:$0x3FAA] =	sst s2  }
0xb: {  	[smem:$0x3FAB] =	sst s3  }
0xc: {  	[smem:$0x3FAC] =	sst s4  }
0xd: {  	[smem:$0x3FAD] =	sst s5  }
0xe: {  	[smem:$0x3FAE] =	sst s6  }
0xf: {  	[smem:$0x3FAF] =	sst s7  }
0x10: {  	[smem:$0x3FB0] =	sst s8  }
0x11: {  	[smem:$0x3FB1] =	sst s9;
	s0 =	simm.s32 @!p0 $0x0  }
0x12: {  	s1 =	sld [smem:$0x3F97];
	s0 =	simm.s32 @p0 $0x1  }
0x13: {  	[smem:$0x3FB2] =	sst s0;
	s0 =	simm.s32 @!p1 $0x0  }
0x14: {  	s2 =	sld [smem:$0x3F96];
	s0 =	simm.s32 @p1 $0x1  }
0x15: {  	[smem:$0x3FB3] =	sst s0;
	s0 =	simm.s32 @!p2 $0x0  }
0x16: {  	s3 =	sld [smem:$0x3FDB];
	s0 =	simm.s32 @p2 $0x1  }
0x17: {  	s4 =	simm.s32 $0x1BF5;
	[smem:$0x3FB5] =	sst s0  }
0x18: {  	s0 =	sld [smem:$0x3F98];
	_ =	swait.ge [sflag:s4], $0x0  }
0x19: {  	s7 =	sld [smem:$0x3F99]  }
0x1a: {  	s8 =	sadd.s32 $0xFFFFE003, lr  }
0x1b: {  	s9 =	sadd.s32 $0xFFFFFEF7, lr;
	s5 =	simm.s32 $0xFFFFFFFF;
	p2 =	slt.u32 s8, $0xFFFFF086  }
0x1c: {  	p1 =	slt.u32 s9, $0xF7A;
	s5 =	simm.s32 @!p2 $0x0  }
0x1d: {  	s5 =	simm.s32 @p1 $0x1;
	p0 =	seq.s32 s7, s2  }
0x1e: {  	s7 =	smul.u32 @!p0 $0xF7A, s2;
	p2 =	seq.s32 @!p0 s5, $0x0  }
0x1f: {  	s9 =	smul.u32 $0xF7A, s1;
	s8 =	simm.s32 @!p0 $0x1BF5;
	p2 =	por !p2, p0  }
0x20: {  	[sflag:s8] =	ssyncset.s32 @!p0 $0xFFFFF086;
	s6 =	sadd.s32 @!p0 s3, s7;
	s7 =	simm.s32 @!p0 $0x108  }
0x21: {  	s3 =	sadd.s32 s3, s9;
	s6 =	sadd.s32 @!p0 $0x88, s6;
	s7 =	simm.s32 @p2 $0x1082  }
0x22: {  	[simem:s7], [sflag:s8] =	dma.local @!p0 [hbm:s6], $0xF7A  }
0x23: {  	s9 =	sor.u32 $0xD0000000, s2;
	s6 =	simm.s32 $0x108;
	_ =	swait.ge @!p0 [sflag:s8], $0x0  }
0x24: {  	s3 =	sadd.s32 $0x88, s3;
	s6 =	simm.s32 @!p1 $0x1082;
	[sflag:s4] =	ssyncset.s32 $0xFFFFF086  }
0x25: {  	[simem:s6], [sflag:s4] =	dma.local [hbm:s3], $0xF7A  }
0x26: {  	[smem:$0x3F99] =	sst s1;
	(tag) =	ssettag s2;
	_ =	strace s9  }
0x27: {  	s1 =	sld [smem:$0x3FA9]  }
0x28: {  	s2 =	sld [smem:$0x3FAA]  }
0x29: {  	s4 =	sld [smem:$0x3FAC]  }
0x2a: {  	p0 =	seq.s32 s5, $0x0;
	s5 =	sld [smem:$0x3FAD]  }
0x2b: {  	s6 =	sld [smem:$0x3FAE]  }
0x2c: {  	s7 =	sld [smem:$0x3FAF]  }
0x2d: {  	s3 =	simm.s32 $0x108;
	s8 =	sld [smem:$0x3FB0]  }
0x2e: {  	s3 =	simm.s32 @!p0 $0x1082;
	s9 =	sld [smem:$0x3FB1]  }
0x2f: {  	lr =	sadd.s32 s0, s3;
	s0 =	sld [smem:$0x3FA8]  }
0x30: {  	s3 =	sld [smem:$0x3FAB]  }
0x31: {  	[smem:$0x3FB4] =	sst s10  }
0x32: {  	s10 =	sld [smem:$0x3FB2];
	_ =	sdelay $0x3  }
0x33: {  	p0 =	seq.s32 s10, $0x1;
	s10 =	sld [smem:$0x3FB4];
	_ =	sdelay $0x3  }
0x34: {  	[smem:$0x3FB4] =	sst s10  }
0x35: {  	s10 =	sld [smem:$0x3FB3];
	_ =	sdelay $0x3  }
0x36: {  	p1 =	seq.s32 s10, $0x1;
	s10 =	sld [smem:$0x3FB4];
	_ =	sdelay $0x3  }
0x37: {  	[smem:$0x3FB4] =	sst s10  }
0x38: {  	s10 =	sld [smem:$0x3FB5]  }
0x39: {  	_ = 	snop;
	(pc) =	sbr.ind lr, $3  }
0x3a: {  	_ = 	snop  }
0x3b: {  	_ = 	snop  }
0x3c: {  	p2 =	seq.s32 s10, $0x1;
	s10 =	sld [smem:$0x3FB4]  }
0x3d: {  	_ =	shalt  }
0x3e: {  	_ =	shalt  }
0x3f: {  	_ =	shalt  }
0x40: {  	_ =	shalt  }
0x41: {  	_ =	shalt  }
0x42: {  	_ =	shalt  }
0x43: {  	_ =	shalt  }
0x44: {  	_ =	shalt  }
0x45: {  	_ =	shalt  }
0x46: {  	_ =	shalt  }
0x47: {  	_ =	shalt  }
0x48: {  	_ =	shalt  }
0x49: {  	_ =	shalt  }
0x4a: {  	_ =	shalt  }
0x4b: {  	_ =	shalt  }
0x4c: {  	_ =	shalt  }
0x4d: {  	_ =	shalt  }
0x4e: {  	_ =	shalt  }
0x4f: {  	_ =	shalt  }
0x50: {  	_ =	shalt  }
0x51: {  	_ =	shalt  }
0x52: {  	_ =	shalt  }
0x53: {  	_ =	shalt  }
0x54: {  	_ =	shalt  }
0x55: {  	_ =	shalt  }
0x56: {  	_ =	shalt  }
0x57: {  	_ =	shalt  }
0x58: {  	_ =	shalt  }
0x59: {  	_ =	shalt  }
0x5a: {  	_ =	shalt  }
0x5b: {  	_ =	shalt  }
0x5c: {  	_ =	shalt  }
0x5d: {  	_ =	shalt  }
0x5e: {  	_ =	shalt  }
0x5f: {  	_ =	shalt  }
0x60: {  	_ =	shalt  }
0x61: {  	_ =	shalt  }
0x62: {  	_ =	shalt  }
0x63: {  	_ =	shalt  }
0x64: {  	_ =	shalt  }
0x65: {  	_ =	shalt  }
0x66: {  	_ =	shalt  }
0x67: {  	_ =	shalt  }
0x68: {  	_ =	shalt  }
0x69: {  	_ =	shalt  }
0x6a: {  	_ =	shalt  }
0x6b: {  	_ =	shalt  }
0x6c: {  	_ =	shalt  }
0x6d: {  	_ =	shalt  }
0x6e: {  	_ =	shalt  }
0x6f: {  	_ =	shalt  }
0x70: {  	_ =	shalt  }
0x71: {  	_ =	shalt  }
0x72: {  	_ =	shalt  }
0x73: {  	_ =	shalt  }
0x74: {  	_ =	shalt  }
0x75: {  	_ =	shalt  }
0x76: {  	_ =	shalt  }
0x77: {  	_ =	shalt  }
0x78: {  	_ =	shalt  }
0x79: {  	_ =	shalt  }
0x7a: {  	_ =	shalt  }
0x7b: {  	_ =	shalt  }
0x7c: {  	_ =	shalt  }
0x7d: {  	_ =	shalt  }
0x7e: {  	_ =	shalt  }
0x7f: {  	_ =	shalt  }
0x80: {  	_ =	shalt  }
0x81: {  	_ =	shalt  }
0x82: {  	_ =	shalt  }
0x83: {  	_ =	shalt  }
0x84: {  	_ =	shalt  }
0x85: {  	_ =	shalt  }
0x86: {  	_ =	shalt  }
0x87: {  	_ =	shalt  }
.Lfunc_end0:
.L_simem_size_0:
called_computation_lowered:
.L_overlay_start_0:
0x88: {  	s2 =	sld [smem:$0x3FD9]  }
0x89: {  	s3 =	sld [smem:$0x3FFE];
	_ =	sdelay $0x1  }
0x8a: {  	s1 =	srdreg.scid  }
0x8b: {  	s0 =	sand.u32 $0x1, s1  }
0x8c: {  	s16 =	sshll.u32 s0, $0xA;
	s2 =	sadd.s32 s3, s2  }
0x8d: {  	s2 =	sadd.s32 s2, s16  }
0x8e: {  	[smem:$0x3FC0] =	sst s2  }
0x8f: {  	_ = 	snop  }
0x90: {  	(tm) =	ssettm $0x1  }
0x91: {  	s17 =	sld [smem:$0x3FFB];
	_ =	sdelay $0x3  }
0x92: {  	_ =	strace s17  }
0x93: {  	s2 =	sld [smem:$0x3FFC];
	_ =	sdelay $0x3  }
0x94: {  	_ =	strace s2  }
0x95: {  	s2 =	sld [smem:$0x3FFD];
	_ =	sdelay $0x3  }
0x96: {  	_ =	strace s2  }
0x97: {  	_ =	strace $0x8FFFFFFF  }
0x98: {  	s18 =	sld [smem:$0x3FDB];
	_ =	sdelay $0x1  }
0x99: {  	s19 =	simm.s32 $_scs_section_size  }
0x9a: {  	s4 =	simm.s32 $_size__tile_overlayer_lowered;
	s5 =	simm.s32 $_tile_overlayer_lowered  }
0x9b: {  	s22 =	simm.s32 $0x1BFF;
	s21 =	sshll.u32 s5, $0x1;
	s2 =	sadd.s32 s19, s18  }
0x9c: {  	s6 =	simm.s32 $0x0;
	s20 =	sshll.u32 s4, $0x1;
	s4 =	sadd.s32 s21, s2  }
0x9d: {  	[timem:s6], [sflag:s22] =	dma.local [hbm:s4], s20  }
0x9e: {  	_ =	swait.ge [sflag:s22], s20  }
0x9f: {  	s3 =	ssub.s32 $0x0, s20;
	[sflag:s22] =	ssyncset.done $0x0  }
0xa0: {  	[sflag:s22] =	ssyncadd.s32 s3;
	_ =	sdelay $0x1  }
0xa1: {  	s23 =	simm.s32 $0x1B8B  }
0xa2: {  	_ =	swait.ge [sflag:s23], $0x1  }
0xa3: {  	[sflag:s23] =	ssyncset.done $0x0  }
0xa4: {  	s25 =	simm.s32 $0x1B8E;
	s24 =	sld [smem:$0x3FFE];
	[sflag:s23] =	ssyncadd.s32 $0xFFFFFFFF  }
0xa5: {  	s26 =	simm.s32 $execute0_lowered;
	[smem:$0x3FD2] =	sst s25  }
0xa6: {  	s4 =	sshll.u32 s26, $0x1;
	_ =	strace $0x80000046;
	[dreg:$0x1] =	wrdreg $0xFFFFFFFF  }
0xa7: {  	s28 =	simm.s32 $_size_execute0_lowered;
	s2 =	sadd.s32 s2, s4;
	[dreg:$0x0] =	wrdreg $0x0  }
0xa8: {  	s4 =	sshll.u32 s28, $0x1;
	[dreg:$0x2] =	wrdreg s2  }
0xa9: {  	[dreg:$0x3] =	wrdreg s4  }
0xaa: {  	[dreg:$0x4] =	wrdreg $0xC0  }
0xab: {  	_ =	task [dreg:s6], $0x5FFFF  }
0xac: {  	[dreg:$0x1] =	wrdreg $0xFFFFFFFF  }
0xad: {  	[dreg:$0x0] =	wrdreg $0x60  }
0xae: {  	[dreg:$0x2] =	wrdreg s24  }
0xaf: {  	[dreg:$0x3] =	wrdreg $0x68000  }
0xb0: {  	[dreg:$0x4] =	wrdreg $0xA  }
0xb1: {  	_ =	task.clear_ibuf [dreg:s6], $0x5FFFF;
	_ =	strace $0x90000046  }
0xb2: {  	s29 =	simm.s32 $0xA;
	_ =	strace $0x80000048  }
0xb3: {  	_ =	swait.ge [sflag:s29], $0x1  }
0xb4: {  	[sflag:s29] =	ssyncadd.s32 $0xFFFFFFFF  }
0xb5: {  	_ =	strace $0x90000048  }
0xb6: {  	_ =	sfence  }
0xb7: {  	s30 =	sld [smem:$0x0];
	_ =	sdelay $0x2  }
0xb8: {  	s31 =	sshll.u32 s1, $0xD;
	s1 =	sshrl.u32 s1, $0x2  }
0xb9: {  	s3 =	sand.u32 $0x4000, s31;
	s1 =	sadd.s32 s1, s30  }
0xba: {  	s0 =	sor.u32 s3, s0;
	s1 =	sshll.u32 s1, $0x11  }
0xbb: {  	s0 =	sor.u32 s1, s0  }
0xbc: {  	s0 =	sadd.s32 $0x8F2B, s0  }
0xbd: {  	[sflag:s0] =	ssyncadd.remote.s32 $0x1  }
0xbe: {  	_ =	sfence.sel $0xFFFF  }
0xbf: {  	[dreg:$0x0] =	wrdreg $0xFFFFFFFF;
	(pc) =	sbr.abs _section_cstart, $3  }
0xc0: {  	[dreg:$0x1] =	wrdreg $0xFFFFFFFF  }
0xc1: {  	_ =	task.clear_ibuf [dreg:s6], $0x2FFFF;
	_ =	strace $0x9FFFFFFF  }
0xc2: {  	(tm) =	ssettm $0x7FFFFFFF  }
0xc3: {  	_ =	shalt  }
tec
execute0_lowered:
.L_overlay_start_1:
0x0: {  	(tag) =	ssettag $0x1  }
0x1: {  	s4 =	rddreg [dreg:$0x0]  }
0x2: {  	s2 =	rddreg [dreg:$0x1]  }
0x3: {  	s1 =	srdreg.scid;
	s0 =	rddreg [dreg:$0x2]  }
0x4: {  	s3 =	simm.s32 $0x0;
	s12 =	simm.s32 $0x2800;
	s5 =	sand.u32 $0x1, s1  }
0x5: {  	s13 =	simm.s32 $0x1;
	s1 =	stileid.u32;
	s7 =	smul.u32 $0x140000, s5  }
0x6: {  	s14 =	simm.s32 $0x80;
	[smem:$0x7FF] =	sst s3;
	s8 =	smul.u32 $0x14000, s1  }
0x7: {  	s6 =	sshll.u32 s5, $0x4;
	_ =	strace $0x80000047;
	s30 =	smul.u32 $0x50000, s1  }
0x8: {  	s5 =	ssub.s32 $0x2, s5;
	s15 =	sshll.u32 s1, $0x6;
	s6 =	sor.u32 s1, s6  }
0x9: {  	s31 =	sshrl.u32 s5, $0x1;
	s6 =	smul.u32 $0x500, s6;
	s7 =	sadd.s32 s8, s7  }
0xa: {  	s15 =	sor.u32 $0x1C01, s15;
	s8 =	sshrl.u32 s30, $0x2;
	s7 =	sshrl.u32 s7, $0x3  }
0xb: {  	s9 =	ssub.s32 s5, s31;
	s6 =	sadd.s32 s6, s4;
	s7 =	sadd.s32 s7, s4  }
0xc: {  	s4 =	sadd.s32 s8, s2;
	s5 =	sadd.s32 $0x2200, s6;
	s6 =	sadd.s32 $0xC200, s7  }
0xd: {  	v0 =	vimm.f32 $0.0e+00;
	vm0 =	vcmask $0x300;
	s7 =	smax.u32 s9, $0x1;
	s8 =	sadd.s32 $0x4000, s4;
	s9 =	sadd.s32 $0x8000, s4  }
0xe: {  	v1 =	vsel vm0, $0x3F800000, v0;
	s10 =	sadd.s32 $0xC000, s4;
	s11 =	sadd.s32 $0x10000, s4;
	s16 =	sshrl.u32 s4, $0x3  }
.LBB2_1:
0xf: {  	s17 =	simm.s32 $0x0;
	s18 =	simm.s32 $0x200  }
.LBB2_2:
0x10: {  	p0 =	sne.s32 s18, $0xFE00;
	[tilespmem:s17+$0x2870] =	vst v0  }
0x11: {  	[tilespmem:s17+$0x2800] =	vst v0  }
0x12: {  	[tilespmem:s17+$0x2810] =	vst v0  }
.Ltmp0:
0x13: {  	[tilespmem:s17+$0x2820] =	vst v0;
	(pc) =	sbr.rel @p0 .LBB2_2-.Ltmp0, $4  }
0x14: {  	[tilespmem:s17+$0x2830] =	vst v0  }
0x15: {  	[tilespmem:s17+$0x2840] =	vst v0  }
0x16: {  	[tilespmem:s17+$0x2850] =	vst v0  }
0x17: {  	[tilespmem:s17+$0x2860] =	vst v0;
	s17 =	sshra.s32 s18, $0x2;
	s18 =	sadd.s32 $0x200, s18  }
0x18: {  	[tilespmem:s17+$0x2870] =	vst v0  }
0x19: {  	[tilespmem:s17+$0x2800] =	vst v0  }
0x1a: {  	[tilespmem:s17+$0x2810] =	vst v0  }
0x1b: {  	[tilespmem:s17+$0x2820] =	vst v0  }
0x1c: {  	[tilespmem:s17+$0x2830] =	vst v0  }
0x1d: {  	[tilespmem:s17+$0x2840] =	vst v0  }
0x1e: {  	[tilespmem:s17+$0x2850] =	vst v0  }
0x1f: {  	[tilespmem:s17+$0x2860] =	vst v0  }
0x20: {  	[spmem:s4] =	stream.linear.scatter [tilespmem:s12], [sflag:$0x1], $0x4000, $0x38;
	[tilespmem:$0x1A800] =	vst v63  }
0x21: {  	_ =	swait.ge [sflag:s13], $0x4000  }
0x22: {  	[sflag:s13] =	ssyncset.done $0x0  }
0x23: {  	[sflag:s13] =	ssyncadd.s32 $0xFFFFC000  }
0x24: {  	[spmem:s8] =	stream.linear.scatter [tilespmem:s12], [sflag:$0x1], $0x4000, $0x38;
	[tilespmem:$0x1A800] =	vst v63  }
0x25: {  	_ =	swait.ge [sflag:s13], $0x4000  }
0x26: {  	[sflag:s13] =	ssyncset.done $0x0  }
0x27: {  	[sflag:s13] =	ssyncadd.s32 $0xFFFFC000  }
0x28: {  	[spmem:s9] =	stream.linear.scatter [tilespmem:s12], [sflag:$0x1], $0x4000, $0x38;
	[tilespmem:$0x1A800] =	vst v63  }
0x29: {  	_ =	swait.ge [sflag:s13], $0x4000  }
0x2a: {  	[sflag:s13] =	ssyncset.done $0x0  }
0x2b: {  	[sflag:s13] =	ssyncadd.s32 $0xFFFFC000  }
0x2c: {  	[spmem:s10] =	stream.linear.scatter [tilespmem:s12], [sflag:$0x1], $0x4000, $0x38;
	[tilespmem:$0x1A800] =	vst v63  }
0x2d: {  	_ =	swait.ge [sflag:s13], $0x4000  }
0x2e: {  	[sflag:s13] =	ssyncset.done $0x0  }
0x2f: {  	[sflag:s13] =	ssyncadd.s32 $0xFFFFC000  }
0x30: {  	[spmem:s11] =	stream.linear.scatter [tilespmem:s12], [sflag:$0x1], $0x4000, $0x38;
	[tilespmem:$0x1A800] =	vst v63  }
0x31: {  	_ =	swait.ge [sflag:s13], $0x4000  }
0x32: {  	[sflag:s13] =	ssyncset.done $0x0  }
0x33: {  	s17 =	simm.s32 $0x200;
	s18 =	simm.s32 $0x0;
	[sflag:s13] =	ssyncadd.s32 $0xFFFFC000  }
.LBB2_4:
0x34: {  	p0 =	sne.s32 s17, $0xFE00;
	[tilespmem:s18+$0x2800] =	vst v1;
	s18 =	smov.u32 s17;
	s17 =	sadd.s32 $0x200, s17  }
.Ltmp1:
0x35: {  	(pc) =	sbr.rel @p0 .LBB2_4-.Ltmp1, $2  }
0x36: {  	_ =	sdelay $0x2  }
0x37: {  	s18 =	sshra.s32 s18, $0x2  }
0x38: {  	[tilespmem:s18+$0x2800] =	vst v1  }
0x39: {  	s17 =	simm.s32 $0x0;
	[bflag:$0x0] =	sbarrier.arrive $0xFFFF  }
0x3a: {  	[tilespmem:s17], [sflag:$0x1] =	stream.linear.gather [hbm4b:s5+s17], $0x2800, $0x38;
	[tilespmem:$0x1A800] =	vst v63  }
0x3b: {  	_ =	swait.ge [sflag:s13], $0x2800  }
0x3c: {  	[sflag:s13] =	ssyncset.done $0x0  }
0x3d: {  	s31 =	simm.s32 $0x0;
	[sflag:s13] =	ssyncadd.s32 $0xFFFFD800  }
0x3e: {  	[spmem:s2] =	stream.indirect.scatter.add.f32 [tilespmem:s12], [sflag:$0x1], $0x80, s31, s14, $0xb8;
	[tilespmem:$0x1A800] =	vst v63  }
0x3f: {  	_ =	swait.ge [sflag:s13], $0x4000  }
0x40: {  	s17 =	simm.s32 $0x200;
	[sflag:s13] =	ssyncset.done $0x0  }
.LBB2_6:
0x41: {  	s18 =	sshra.s32 s17, $0x2;
	[sflag:s13] =	ssyncadd.s32 $0xFFFFC000;
	p0 =	sne.s32 s17, $0x9E00  }
0x42: {  	[spmem:s2] =	stream.indirect.scatter.add.f32 [tilespmem:s12], [sflag:$0x1], $0x80, s18, s14, $0xb8;
	[tilespmem:$0x1A800] =	vst v63  }
.Ltmp2:
0x43: {  	_ = 	snop;
	(pc) =	sbr.rel @p0 .LBB2_6-.Ltmp2, $4  }
0x44: {  	_ = 	snop  }
0x45: {  	s17 =	sadd.s32 $0x200, s17  }
0x46: {  	_ =	swait.ge [sflag:s13], $0x4000  }
0x47: {  	[sflag:s13] =	ssyncset.done $0x0  }
0x48: {  	s3 =	sadd.s32 $0x1, s3  }
0x49: {  	[sflag:s13] =	ssyncadd.s32 $0xFFFFC000;
	p0 =	sne.s32 s3, s7  }
.Ltmp3:
0x4a: {  	[bflag:$0x0] =	sbarrier.arrive $0xFFFF;
	(pc) =	sbr.rel @p0 .LBB2_1-.Ltmp3, $4  }
0x4b: {  	[hbm:s6], [sflag:s15] =	dma.local [spmem:s16], $0x2800  }
0x4c: {  	_ =	swait.ge [sflag:s13], $0x2800  }
0x4d: {  	[sflag:s13] =	ssyncset.done $0x0  }
0x4e: {  	[sflag:s13] =	ssyncadd.s32 $0xFFFFD800  }
0x4f: {  	_ =	sfence.sel $0x180000  }
0x50: {  	[bflag:$0x0] =	sbarrier.arrive $0xFFFF  }
0x51: {  	p0 =	sne.s32 s1, $0x0;
	_ =	strace $0x90000047  }
0x52: {  	s0 =	sadd.s32 @!p0 $0x100000, s0;
	[bflag:$0x2] =	sbarrier.arrive $0xFFFF  }
0x53: {  	[sflag:s0] =	ssyncadd.tile.s32 @!p0 $0x1;
	_ =	shalt  }
.Lfunc_end2:
_tile_overlayer_lowered:
.L_overlay_start_2:
0x54: {  	(tag) =	ssettag $0x2  }
0x55: {  	s0 =	rddreg [dreg:$0x0];
	s2 =	stileid.u32  }
0x56: {  	s1 =	rddreg [dreg:$0x1];
	p0 =	sne.s32 s2, $0x0  }
0x57: {  	s3 =	rddreg [dreg:$0x2];
	[bflag:$0x3] =	sbarrier.arrive $0xFFFF;
	s2 =	simm.s32 @!p0 $0x1C01  }
0x58: {  	[timem:s3], [sflag:s2] =	dma.local @!p0 [hbm:s0], s1  }
0x59: {  	s0 =	simm.s32 @!p0 $0x1  }
0x5a: {  	_ =	swait.ge @!p0 [sflag:s0], s1  }
0x5b: {  	s1 =	ssub.s32 @!p0 $0x0, s1;
	[sflag:s0] =	ssyncset.done @!p0 $0x0  }
0x5c: {  	[sflag:s0] =	ssyncadd.s32 @!p0 s1  }
0x5d: {  	[bflag:$0x3] =	sbarrier.arrive $0xFFFF  }
0x5e: {  	_ =	shalt  }

</sc_bundles>
